<compile_context>
chip_gen: v7x
topology: tpu7x:2x2x1
jax: 0.10.2.dev20260603
libtpu: 0.0.44.dev20260713+nightly
codegen_flags: <defaults>
</compile_context>

<pallas_src>
import functools
import jax
import jax.numpy as jnp
from jax import lax
from jax.experimental import pallas as pl
from jax.experimental.pallas import tpu as pltpu
from jax.experimental.pallas import tpu_sc as plsc

_N = 10000
_D = 128
_E = 320000
_B = 4096
_R = 5
_NC = 2
_NS = 16
_NW = _NC * _NS
_K = 128
_NBLK = 80
_EPAD = _NW * _K * _NBLK
_NBLK_A = 101
_NBLK_B = 56
_EPAD_P = _NS * _K * (_NBLK_A + _NBLK_B)
_NROWS = 10112
_RPT = _NROWS // _NS
_DEGW = 128
_DRPT = _NROWS // _NS

_f32 = jnp.float32


@functools.cache
def _mesh():
    return plsc.VectorSubcoreMesh(core_axis_name="c", subcore_axis_name="s",
                                  num_cores=_NC, num_subcores=_NS)


def _sc_deg_body(dst3, zeros_hbm, ones_hbm, deg_out, idx_v, ones_v, deg_sh, sem):
    c = lax.axis_index("c")
    s = lax.axis_index("s")
    wid = c * _NS + s
    pltpu.sync_copy(zeros_hbm, deg_sh.at[pl.ds(s * _DRPT, _DRPT)])
    pltpu.sync_copy(ones_hbm, ones_v)
    pltpu.async_copy(dst3.at[wid], idx_v, sem).wait()
    plsc.subcore_barrier()

    def body(j, carry):
        pltpu.sync_copy(ones_v, deg_sh.at[idx_v.at[j]], add=True)
        return carry

    lax.fori_loop(0, _NBLK, body, 0)
    plsc.subcore_barrier()
    pltpu.sync_copy(deg_sh.at[pl.ds(s * _DRPT, _DRPT)],
                    deg_out.at[c, pl.ds(s * _DRPT, _DRPT)])


@functools.cache
def _sc_deg_kernel():
    return pl.kernel(
        _sc_deg_body,
        out_type=jax.ShapeDtypeStruct((_NC, _NROWS, _DEGW), _f32),
        mesh=_mesh(),
        scratch_types=[
            pltpu.VMEM((_NBLK, _K), jnp.int32),
            pltpu.VMEM((_K, _DEGW), _f32),
            pltpu.VMEM_SHARED((_NROWS, _DEGW), _f32),
            pltpu.SemaphoreType.DMA,
        ],
    )


def _sc_deg(*args):
    return _sc_deg_kernel()(*args)


def _sc_prop_body(hp, pk3, agg_out, pk_v, sidx_r, didx_r, rows, agg_sh,
                  gsem, ssem):
    c = lax.axis_index("c")
    s = lax.axis_index("s")
    wid = c * _NS + s
    pltpu.sync_copy(hp.at[pl.ds(s * _RPT, _RPT)],
                    agg_sh.at[pl.ds(s * _RPT, _RPT)])
    pltpu.async_copy(pk3.at[wid], pk_v, gsem).wait()
    plsc.subcore_barrier()

    nblk = jnp.where(c == 0, _NBLK_A, _NBLK_B)

    def unpack(j, rb):
        for o in range(_K // 16):
            pk = pk_v[j, pl.ds(o * 16, 16)]
            sidx_r[rb, pl.ds(o * 16, 16)] = lax.shift_right_logical(pk, 16)
            didx_r[rb, pl.ds(o * 16, 16)] = lax.bitwise_and(pk, 0xFFFF)

    unpack(0, 0)
    pltpu.async_copy(hp.at[sidx_r.at[0]], rows.at[0], gsem)

    def body(j, carry):
        b = lax.rem(j, 2)
        pltpu.make_async_copy(hp.at[sidx_r.at[b]], rows.at[b], gsem).wait()

        @pl.when(j >= 1)
        def _():
            pltpu.make_async_copy(rows.at[1 - b],
                                  agg_sh.at[didx_r.at[1 - b]], ssem).wait()

        @pl.when(j + 1 < nblk)
        def _():
            unpack(j + 1, 1 - b)
            pltpu.async_copy(hp.at[sidx_r.at[1 - b]], rows.at[1 - b], gsem)

        pltpu.async_copy(rows.at[b], agg_sh.at[didx_r.at[b]], ssem, add=True)
        return carry

    lax.fori_loop(0, nblk, body, 0)
    lb = lax.rem(nblk - 1, 2)
    pltpu.make_async_copy(rows.at[lb], agg_sh.at[didx_r.at[lb]], ssem).wait()
    plsc.subcore_barrier()
    pltpu.sync_copy(agg_sh.at[pl.ds(s * _RPT, _RPT)],
                    agg_out.at[c, pl.ds(s * _RPT, _RPT)])


@functools.cache
def _sc_prop_kernel():
    return pl.kernel(
        _sc_prop_body,
        out_type=jax.ShapeDtypeStruct((_NC, _NROWS, _D), _f32),
        mesh=_mesh(),
        scratch_types=[
            pltpu.VMEM((_NBLK_A, _K), jnp.int32),
            pltpu.VMEM((2, _K), jnp.int32),
            pltpu.VMEM((2, _K), jnp.int32),
            pltpu.VMEM((2, _K, _D), _f32),
            pltpu.VMEM_SHARED((_NROWS, _D), _f32),
            pltpu.SemaphoreType.DMA,
            pltpu.SemaphoreType.DMA,
        ],
    )


def _sc_prop(*args):
    return _sc_prop_kernel()(*args)


_GB = (2 * _B) // (_NW * _K)
_GRPT = _GB * _K


def _sc_gather_body(x2, idx3, out, idx_v, rows, sem):
    c = lax.axis_index("c")
    s = lax.axis_index("s")
    wid = c * _NS + s
    pltpu.async_copy(idx3.at[wid], idx_v, sem).wait()
    for b in range(_GB):
        pltpu.async_copy(x2.at[idx_v.at[b]],
                         rows.at[pl.ds(b * _K, _K)], sem).wait()
    pltpu.sync_copy(rows, out.at[pl.ds(wid * _GRPT, _GRPT)])


@functools.cache
def _sc_gather_kernel():
    return pl.kernel(
        _sc_gather_body,
        out_type=jax.ShapeDtypeStruct((2 * _B, _D), _f32),
        mesh=_mesh(),
        scratch_types=[
            pltpu.VMEM((_GB, _K), jnp.int32),
            pltpu.VMEM((_GRPT, _D), _f32),
            pltpu.SemaphoreType.DMA,
        ],
    )


def _sc_gather(*args):
    return _sc_gather_kernel()(*args)


_BLK = 632
_NGRID = _NROWS // _BLK


def _dinv_of(deg_ref):
    dg = deg_ref[0, :, 0:1] + deg_ref[1, :, 0:1] + 1.0
    return lax.rsqrt(dg)


def _tc_stats_body(x_ref, o_ref):
    x = x_ref[...]
    o_ref[0:1, :] = jnp.sum(x, axis=0, keepdims=True)
    o_ref[1:2, :] = jnp.sum(x * x, axis=0, keepdims=True)


def _tc_stats(x):
    return pl.pallas_call(
        _tc_stats_body,
        out_shape=jax.ShapeDtypeStruct((2, _D), _f32),
    )(x)


def _tc_h1_body(x_ref, deg_ref, w_ref, s_ref, t_ref, o_ref):
    w_eff = w_ref[...] * s_ref[...]
    c1 = jnp.dot(t_ref[...], w_ref[...], preferred_element_type=_f32)
    h = jnp.dot(x_ref[...], w_eff, preferred_element_type=_f32) + c1
    o_ref[...] = h * _dinv_of(deg_ref)


def _tc_h1(x, deg, w1, svec, tvec):
    return pl.pallas_call(
        _tc_h1_body,
        grid=(_NGRID,),
        in_specs=[
            pl.BlockSpec((_BLK, _D), lambda i: (i, 0)),
            pl.BlockSpec((_NC, _BLK, _DEGW), lambda i: (0, i, 0)),
            pl.BlockSpec((_D, _D), lambda i: (0, 0)),
            pl.BlockSpec((_D, 1), lambda i: (0, 0)),
            pl.BlockSpec((1, _D), lambda i: (0, 0)),
        ],
        out_specs=pl.BlockSpec((_BLK, _D), lambda i: (i, 0)),
        out_shape=jax.ShapeDtypeStruct((_NROWS, _D), _f32),
    )(x, deg, w1, svec, tvec)


def _tc_h2_body(agg_ref, hp_ref, deg_ref, w_ref, b_ref, o_ref):
    dinv = _dinv_of(deg_ref)
    x1 = dinv * (agg_ref[0] + agg_ref[1] - hp_ref[...]) + b_ref[...]
    h = jnp.dot(x1, w_ref[...], preferred_element_type=_f32)
    o_ref[...] = h * dinv


def _tc_h2(agg, hp, deg, w2, b1):
    return pl.pallas_call(
        _tc_h2_body,
        grid=(_NGRID,),
        in_specs=[
            pl.BlockSpec((_NC, _BLK, _D), lambda i: (0, i, 0)),
            pl.BlockSpec((_BLK, _D), lambda i: (i, 0)),
            pl.BlockSpec((_NC, _BLK, _DEGW), lambda i: (0, i, 0)),
            pl.BlockSpec((_D, _D), lambda i: (0, 0)),
            pl.BlockSpec((1, _D), lambda i: (0, 0)),
        ],
        out_specs=pl.BlockSpec((_BLK, _D), lambda i: (i, 0)),
        out_shape=jax.ShapeDtypeStruct((_NROWS, _D), _f32),
    )(agg, hp, deg, w2, b1)


def _tc_x2_body(agg_ref, hp_ref, deg_ref, b_ref, o_ref):
    dinv = _dinv_of(deg_ref)
    o_ref[...] = dinv * (agg_ref[0] + agg_ref[1] - hp_ref[...]) + b_ref[...]


def _tc_x2(agg, hp, deg, b2):
    return pl.pallas_call(
        _tc_x2_body,
        grid=(_NGRID,),
        in_specs=[
            pl.BlockSpec((_NC, _BLK, _D), lambda i: (0, i, 0)),
            pl.BlockSpec((_BLK, _D), lambda i: (i, 0)),
            pl.BlockSpec((_NC, _BLK, _DEGW), lambda i: (0, i, 0)),
            pl.BlockSpec((1, _D), lambda i: (0, 0)),
        ],
        out_specs=pl.BlockSpec((_BLK, _D), lambda i: (i, 0)),
        out_shape=jax.ShapeDtypeStruct((_NROWS, _D), _f32),
    )(agg, hp, deg, b2)


def _tc_dec_body(g_ref, rels_ref, bt_ref, rc_ref, loss_ref, preds_ref):
    heads = g_ref[0:_B, :]
    tails = g_ref[_B:2 * _B, :]
    tb0 = jnp.dot(tails, bt_ref[0], preferred_element_type=_f32)
    tb1 = jnp.dot(tails, bt_ref[1], preferred_element_type=_f32)
    s0 = jnp.sum(heads * tb0, axis=1, keepdims=True)
    s1 = jnp.sum(heads * tb1, axis=1, keepdims=True)
    rc = rc_ref[...]
    logits = s0 * rc[0:1, :] + s1 * rc[1:2, :]
    col = lax.broadcasted_iota(jnp.int32, (_B, 8), 1)
    logits = jnp.where(col < _R, logits, -1e30)
    m = jnp.max(logits, axis=1, keepdims=True)
    ex = jnp.exp(logits - m)
    se = jnp.sum(ex, axis=1, keepdims=True)
    logp = logits - m - jnp.log(se)
    preds_ref[...] = jnp.sum((ex / se) * col.astype(_f32), axis=1,
                             keepdims=True)
    onehot = col == rels_ref[...]
    loss_ref[...] = (-jnp.sum(jnp.where(onehot, logp, 0.0)) / _B).reshape(1, 1)


def _tc_decoder(g, rels, bt, rc):
    return pl.pallas_call(
        _tc_dec_body,
        out_shape=(
            jax.ShapeDtypeStruct((1, 1), _f32),
            jax.ShapeDtypeStruct((_B, 1), _f32),
        ),
    )(g, rels, bt, rc)


@jax.jit
def kernel(pos_edges, edge_index, emb_table, bn_gamma, bn_beta, W1, b1, W2,
           b2, basis, rel_coef):
    src = edge_index[0]
    dst = edge_index[1]
    pad = _EPAD - _E
    dst3 = jnp.concatenate([dst, jnp.full((pad,), _N, jnp.int32)])
    dst3 = dst3.reshape(_NW, _NBLK, _K)

    def arrange_prop(x, padval):
        xp = jnp.concatenate(
            [x, jnp.full((_EPAD_P - _E,), padval, jnp.int32)])
        na = _NS * _NBLK_A * _K
        a = xp[:na].reshape(_NS, _NBLK_A, _K)
        b = xp[na:].reshape(_NS, _NBLK_B, _K)
        b = jnp.pad(b, ((0, 0), (0, _NBLK_A - _NBLK_B), (0, 0)),
                    constant_values=padval)
        return jnp.concatenate([a, b], axis=0)

    src3p = arrange_prop(src, 0)
    dst3p = arrange_prop(dst, _N)
    pk3 = src3p * 65536 + dst3p

    zeros_hbm = jnp.zeros((_DRPT, _DEGW), _f32)
    ones_hbm = jnp.ones((_K, _DEGW), _f32)
    deg = _sc_deg(dst3, zeros_hbm, ones_hbm)

    stats = _tc_stats(emb_table)
    mean = stats[0] / _N
    var = stats[1] / _N - mean * mean
    svec = bn_gamma * lax.rsqrt(var + 1e-5)
    tvec = bn_beta - mean * svec

    emb_pad = jnp.pad(emb_table, ((0, _NROWS - _N), (0, 0)))
    h1p = _tc_h1(emb_pad, deg, W1, svec.reshape(_D, 1), tvec.reshape(1, _D))
    agg1 = _sc_prop(h1p, pk3)
    h2p = _tc_h2(agg1, h1p, deg, W2, b1.reshape(1, _D))
    agg2 = _sc_prop(h2p, pk3)
    x2 = _tc_x2(agg2, h2p, deg, b2.reshape(1, _D))

    gidx = jnp.concatenate([pos_edges[:, 0], pos_edges[:, 2]])
    gidx = gidx.astype(jnp.int32).reshape(_NW, _GB, _K)
    g = _sc_gather(x2, gidx)

    rels = (pos_edges[:, 1] % _R).astype(jnp.int32).reshape(_B, 1)
    bt = jnp.stack([basis[0].T, basis[1].T])
    rc = jnp.zeros((2, 8), _f32).at[:, :_R].set(rel_coef.T)
    loss, preds = _tc_decoder(g, rels, bt, rc)
    return loss.reshape(()), preds.reshape(_B)

# --- scband reference (transcript-rebuilt; emitter-appended) ---
"""Pipeline reference for scband-gal-10831907520713 (READ-ONLY COPY).

The authoritative reference and input builder live on the scoring server;
editing this copy changes nothing except your own understanding.
"""

import jax, jax.numpy as jnp
import numpy as np

N = 10000   # num_ent
D = 128     # embed_dim
E = 320000  # n_edges
B = 4096    # batch of (head, rel, tail) triples
R = 5       # num relations (ratings)
NB = 2      # num basis matrices in shared bilinear decoder


def setup_inputs(seed: int = 0) -> dict:
    key = jax.random.key(seed)
    ks = jax.random.split(key, 12)
    r = 6.0 / np.sqrt(D)
    emb = jax.random.uniform(ks[0], (N, D), minval=-r, maxval=r, dtype=jnp.float32)
    # emulate renorm_(p=2, dim=1, maxnorm=1)
    nrm = jnp.linalg.norm(emb, axis=1, keepdims=True)
    emb = emb * jnp.minimum(1.0, 1.0 / jnp.maximum(nrm, 1e-12))

    edge_index = jax.random.randint(ks[1], (2, E), 0, N, dtype=jnp.int32)
    pos_edges = jax.random.randint(ks[2], (B, 3), 0, N, dtype=jnp.int32)

    glorot = np.sqrt(6.0 / (D + D))
    W1 = jax.random.uniform(ks[3], (D, D), minval=-glorot, maxval=glorot, dtype=jnp.float32)
    b1 = jnp.zeros((D,), jnp.float32)
    W2 = jax.random.uniform(ks[4], (D, D), minval=-glorot, maxval=glorot, dtype=jnp.float32)
    b2 = jnp.zeros((D,), jnp.float32)

    bn_gamma = jnp.ones((D,), jnp.float32)
    bn_beta = jnp.zeros((D,), jnp.float32)

    basis = jax.random.normal(ks[5], (NB, D, D), dtype=jnp.float32) * 0.05
    rel_coef = jax.random.normal(ks[6], (R, NB), dtype=jnp.float32) * 0.1

    return {
        "pos_edges": pos_edges,
        "edge_index": edge_index,
        "emb_table": emb,
        "bn_gamma": bn_gamma,
        "bn_beta": bn_beta,
        "W1": W1,
        "b1": b1,
        "W2": W2,
        "b2": b2,
        "basis": basis,
        "rel_coef": rel_coef,
    }


def _gcn_conv(x, edge_index, W, b, n_nodes):
    # PyG GCNConv: add self loops, symmetric normalization, linear-then-propagate
    h = x @ W
    src = jnp.concatenate([edge_index[0], jnp.arange(n_nodes, dtype=edge_index.dtype)])
    dst = jnp.concatenate([edge_index[1], jnp.arange(n_nodes, dtype=edge_index.dtype)])
    ones = jnp.ones(src.shape[0], dtype=x.dtype)
    deg = jax.ops.segment_sum(ones, dst, num_segments=n_nodes)
    dinv = jnp.where(deg > 0, 1.0 / jnp.sqrt(deg), 0.0)
    norm = dinv[src] * dinv[dst]
    msg = h[src] * norm[:, None]
    out = jax.ops.segment_sum(msg, dst, num_segments=n_nodes)
    return out + b


def reference(pos_edges, edge_index, emb_table, bn_gamma, bn_beta, W1, b1, W2, b2, basis, rel_coef):
    # encode(): full-table embedding lookup -> BatchNorm1d (training-mode batch stats) -> 2-layer GCN
    x = emb_table  # encoder(all_nodes)
    mean = jnp.mean(x, axis=0)
    var = jnp.var(x, axis=0)
    x = (x - mean) / jnp.sqrt(var + 1e-5) * bn_gamma + bn_beta

    x = _gcn_conv(x, edge_index, W1, b1, N)
    x = _gcn_conv(x, edge_index, W2, b2, N)

    heads = x[pos_edges[:, 0]]
    tails = x[pos_edges[:, 2]]
    rels = pos_edges[:, 1] % R

    # shared bilinear decoder: basis bilinear scores combined per-relation
    basis_scores = jnp.einsum('bd,jde,be->bj', heads, basis, tails)  # [B, NB]
    logits = basis_scores @ rel_coef.T  # [B, R]
    logp = jax.nn.log_softmax(logits, axis=-1)
    loss = -jnp.mean(logp[jnp.arange(logits.shape[0]), rels])
    preds = jnp.sum(jax.nn.softmax(logits, axis=-1) * jnp.arange(R, dtype=logits.dtype), axis=-1)
    return loss, preds

if __name__ == "__main__":
    import jax
    _d = setup_inputs()
    print(jax.jit(kernel)(*tuple(_d.values())))

</pallas_src>

<mosaic_0001>
#map = affine_map<(d0, d1) -> (0, 0, 0)>
#map1 = affine_map<(d0, d1) -> (0, 0)>
module attributes {stable_mosaic.version = 14 : i64} {
  func.func @_sc_deg_body(%arg0: i32, %arg1: i32, %arg2: memref<32x80x128xi32, #tpu.memory_space<hbm>>, %arg3: memref<632x128xf32, #tpu.memory_space<hbm>>, %arg4: memref<128x128xf32, #tpu.memory_space<hbm>>, %arg5: memref<2x10112x128xf32, #tpu.memory_space<hbm>>, %arg6: memref<80x128xi32, #tpu.memory_space<vmem>>, %arg7: memref<128x128xf32, #tpu.memory_space<vmem>>, %arg8: memref<10112x128xf32, #tpu.memory_space<vmem_shared>>, %arg9: memref<!tpu.dma_semaphore, #tpu.memory_space<semaphore_mem>>) attributes {dimension_semantics = [#tpu.dimension_semantics<core_parallel>, #tpu.dimension_semantics<subcore_parallel>], iteration_bounds = array<i64: 2, 16>, scalar_prefetch = 0 : i64, scratch_operands = 4 : i64, tpu.core_type = #tpu.core_type<sc_vector_subcore>, window_params = [{transform_indices = #map}, {transform_indices = #map1}, {transform_indices = #map1}, {transform_indices = #map}]} {
    %mul3A = arith.constant 16 : i32
    %mul3A_0 = arith.muli %arg0, %mul3A : i32
    %add3A = arith.addi %mul3A_0, %arg1 : i32
    %mul3A_1 = arith.constant 632 : i32
    %mul3A_2 = arith.muli %arg1, %mul3A_1 : i32
    "tpu.region"() ({
      %run_scoped3A = tpu.sem_alloc : memref<!tpu.dma_semaphore, #tpu.memory_space<semaphore_mem>>
      %dma_start3A_27 = arith.constant 0 : i32
      %dma_start3A_28 = tpu.memref_slice %arg8[%mul3A_2, %dma_start3A_27] : memref<10112x128xf32, #tpu.memory_space<vmem_shared>> -> memref<632x128xf32, #tpu.memory_space<vmem_shared>>
      tpu.enqueue_dma source(%arg3 : memref<632x128xf32, #tpu.memory_space<hbm>>) target(%dma_start3A_28 : memref<632x128xf32, #tpu.memory_space<vmem_shared>>) target_semaphore(%run_scoped3A : memref<!tpu.dma_semaphore, #tpu.memory_space<semaphore_mem>>)
      %dma_wait3A_29 = arith.constant 0 : i32
      %dma_wait3A_30 = tpu.memref_slice %arg8[%mul3A_2, %dma_wait3A_29] : memref<10112x128xf32, #tpu.memory_space<vmem_shared>> -> memref<632x128xf32, #tpu.memory_space<vmem_shared>>
      tpu.wait_dma2 semaphore(%run_scoped3A : memref<!tpu.dma_semaphore, #tpu.memory_space<semaphore_mem>>) src(%arg3 : memref<632x128xf32, #tpu.memory_space<hbm>>) dst(%dma_wait3A_30 : memref<632x128xf32, #tpu.memory_space<vmem_shared>>)
      tpu.yield
    }) : () -> ()
    "tpu.region"() ({
      %run_scoped3A = tpu.sem_alloc : memref<!tpu.dma_semaphore, #tpu.memory_space<semaphore_mem>>
      tpu.enqueue_dma source(%arg4 : memref<128x128xf32, #tpu.memory_space<hbm>>) target(%arg7 : memref<128x128xf32, #tpu.memory_space<vmem>>) target_semaphore(%run_scoped3A : memref<!tpu.dma_semaphore, #tpu.memory_space<semaphore_mem>>)
      tpu.wait_dma2 semaphore(%run_scoped3A : memref<!tpu.dma_semaphore, #tpu.memory_space<semaphore_mem>>) src(%arg4 : memref<128x128xf32, #tpu.memory_space<hbm>>) dst(%arg7 : memref<128x128xf32, #tpu.memory_space<vmem>>)
      tpu.yield
    }) : () -> ()
    %dma_start3A = arith.constant 0 : i32
    %dma_start3A_3 = arith.constant 0 : i32
    %dma_start3A_4 = tpu.memref_slice %arg2[%add3A, %dma_start3A, %dma_start3A_3] : memref<32x80x128xi32, #tpu.memory_space<hbm>> -> memref<1x80x128xi32, #tpu.memory_space<hbm>>
    %dma_start3A_5 = tpu.memref_squeeze %dma_start3A_4 : memref<1x80x128xi32, #tpu.memory_space<hbm>> -> memref<80x128xi32, #tpu.memory_space<hbm>>
    %dma_start3A_6 = arith.constant 0 : i32
    %dma_start3A_7 = arith.constant 0 : i32
    %dma_start3A_8 = tpu.memref_slice %arg2[%add3A, %dma_start3A_6, %dma_start3A_7] : memref<32x80x128xi32, #tpu.memory_space<hbm>> -> memref<1x80x128xi32, #tpu.memory_space<hbm>>
    %dma_start3A_9 = tpu.memref_squeeze %dma_start3A_8 : memref<1x80x128xi32, #tpu.memory_space<hbm>> -> memref<80x128xi32, #tpu.memory_space<hbm>>
    tpu.enqueue_dma source(%dma_start3A_9 : memref<80x128xi32, #tpu.memory_space<hbm>>) target(%arg6 : memref<80x128xi32, #tpu.memory_space<vmem>>) target_semaphore(%arg9 : memref<!tpu.dma_semaphore, #tpu.memory_space<semaphore_mem>>)
    %dma_wait3A = arith.constant 0 : i32
    %dma_wait3A_10 = arith.constant 0 : i32
    %dma_wait3A_11 = tpu.memref_slice %arg2[%add3A, %dma_wait3A, %dma_wait3A_10] : memref<32x80x128xi32, #tpu.memory_space<hbm>> -> memref<1x80x128xi32, #tpu.memory_space<hbm>>
    %dma_wait3A_12 = tpu.memref_squeeze %dma_wait3A_11 : memref<1x80x128xi32, #tpu.memory_space<hbm>> -> memref<80x128xi32, #tpu.memory_space<hbm>>
    %dma_wait3A_13 = arith.constant 0 : i32
    %dma_wait3A_14 = arith.constant 0 : i32
    %dma_wait3A_15 = tpu.memref_slice %arg2[%add3A, %dma_wait3A_13, %dma_wait3A_14] : memref<32x80x128xi32, #tpu.memory_space<hbm>> -> memref<1x80x128xi32, #tpu.memory_space<hbm>>
    %dma_wait3A_16 = tpu.memref_squeeze %dma_wait3A_15 : memref<1x80x128xi32, #tpu.memory_space<hbm>> -> memref<80x128xi32, #tpu.memory_space<hbm>>
    tpu.wait_dma2 semaphore(%arg9 : memref<!tpu.dma_semaphore, #tpu.memory_space<semaphore_mem>>) src(%dma_wait3A_16 : memref<80x128xi32, #tpu.memory_space<hbm>>) dst(%arg6 : memref<80x128xi32, #tpu.memory_space<vmem>>)
    %barrier3A = arith.constant 0 : index
    tpu.barrier barrier_id(%barrier3A)
    %scan3A = arith.constant 0 : i32
    %scan3A_17 = arith.constant 0 : i32
    %scan3A_18 = arith.constant 80 : i32
    %scan3A_19 = arith.addi %scan3A_17, %scan3A_18 : i32
    %scan3A_20 = arith.constant 1 : i32
    scf.for %scan3A_27 = %scan3A_17 to %scan3A_19 step %scan3A_20  : i32 {
      "tpu.region"() ({
        %run_scoped3A = tpu.sem_alloc : memref<!tpu.dma_semaphore, #tpu.memory_space<semaphore_mem>>
        %dma_start3A_28 = arith.constant 0 : i32
        %dma_start3A_29 = tpu.memref_slice %arg6[%scan3A_27, %dma_start3A_28] : memref<80x128xi32, #tpu.memory_space<vmem>> -> memref<1x128xi32, #tpu.memory_space<vmem>>
        %dma_start3A_30 = tpu.memref_squeeze %dma_start3A_29 : memref<1x128xi32, #tpu.memory_space<vmem>> -> memref<128xi32, #tpu.memory_space<vmem>>
        %dma_start3A_31 = arith.constant 0 : i32
        %dma_start3A_32 = arith.constant 0 : i32
        %dma_start3A_33 = tpu.memref_slice %arg8[%dma_start3A_31, %dma_start3A_32] : memref<10112x128xf32, #tpu.memory_space<vmem_shared>> -> memref<10112x128xf32, #tpu.memory_space<vmem_shared>>
        tpu.enqueue_indirect_dma source(%arg7 : memref<128x128xf32, #tpu.memory_space<vmem>>) target(%dma_start3A_33 : memref<10112x128xf32, #tpu.memory_space<vmem_shared>>) offsets(%dma_start3A_30 : memref<128xi32, #tpu.memory_space<vmem>>) semaphore(%run_scoped3A : memref<!tpu.dma_semaphore, #tpu.memory_space<semaphore_mem>>) {add = true}
        %dma_wait3A_34 = arith.constant 0 : i32
        %dma_wait3A_35 = tpu.memref_slice %arg6[%scan3A_27, %dma_wait3A_34] : memref<80x128xi32, #tpu.memory_space<vmem>> -> memref<1x128xi32, #tpu.memory_space<vmem>>
        %dma_wait3A_36 = tpu.memref_squeeze %dma_wait3A_35 : memref<1x128xi32, #tpu.memory_space<vmem>> -> memref<128xi32, #tpu.memory_space<vmem>>
        %dma_wait3A_37 = arith.constant 0 : i32
        %dma_wait3A_38 = arith.constant 0 : i32
        %dma_wait3A_39 = tpu.memref_slice %arg8[%dma_wait3A_37, %dma_wait3A_38] : memref<10112x128xf32, #tpu.memory_space<vmem_shared>> -> memref<10112x128xf32, #tpu.memory_space<vmem_shared>>
        tpu.wait_indirect_dma semaphore(%run_scoped3A : memref<!tpu.dma_semaphore, #tpu.memory_space<semaphore_mem>>) src(%arg7 : memref<128x128xf32, #tpu.memory_space<vmem>>) dst(%dma_wait3A_39 : memref<10112x128xf32, #tpu.memory_space<vmem_shared>>)
        tpu.yield
      }) : () -> ()
    }
    %scan3A_21 = arith.constant 80 : i32
    %barrier3A_22 = arith.constant 0 : index
    tpu.barrier barrier_id(%barrier3A_22)
    %mul3A_23 = arith.constant 632 : i32
    %mul3A_24 = arith.muli %arg1, %mul3A_23 : i32
    %mul3A_25 = arith.constant 632 : i32
    %mul3A_26 = arith.muli %arg1, %mul3A_25 : i32
    "tpu.region"() ({
      %run_scoped3A = tpu.sem_alloc : memref<!tpu.dma_semaphore, #tpu.memory_space<semaphore_mem>>
      %dma_start3A_27 = arith.constant 0 : i32
      %dma_start3A_28 = tpu.memref_slice %arg5[%arg0, %mul3A_26, %dma_start3A_27] : memref<2x10112x128xf32, #tpu.memory_space<hbm>> -> memref<1x632x128xf32, #tpu.memory_space<hbm>>
      %dma_start3A_29 = tpu.memref_squeeze %dma_start3A_28 : memref<1x632x128xf32, #tpu.memory_space<hbm>> -> memref<632x128xf32, #tpu.memory_space<hbm>>
      %dma_start3A_30 = arith.constant 0 : i32
      %dma_start3A_31 = tpu.memref_slice %arg8[%mul3A_24, %dma_start3A_30] : memref<10112x128xf32, #tpu.memory_space<vmem_shared>> -> memref<632x128xf32, #tpu.memory_space<vmem_shared>>
      tpu.enqueue_dma source(%dma_start3A_31 : memref<632x128xf32, #tpu.memory_space<vmem_shared>>) target(%dma_start3A_29 : memref<632x128xf32, #tpu.memory_space<hbm>>) target_semaphore(%run_scoped3A : memref<!tpu.dma_semaphore, #tpu.memory_space<semaphore_mem>>)
      %dma_wait3A_32 = arith.constant 0 : i32
      %dma_wait3A_33 = tpu.memref_slice %arg5[%arg0, %mul3A_26, %dma_wait3A_32] : memref<2x10112x128xf32, #tpu.memory_space<hbm>> -> memref<1x632x128xf32, #tpu.memory_space<hbm>>
      %dma_wait3A_34 = tpu.memref_squeeze %dma_wait3A_33 : memref<1x632x128xf32, #tpu.memory_space<hbm>> -> memref<632x128xf32, #tpu.memory_space<hbm>>
      %dma_wait3A_35 = arith.constant 0 : i32
      %dma_wait3A_36 = tpu.memref_slice %arg8[%mul3A_24, %dma_wait3A_35] : memref<10112x128xf32, #tpu.memory_space<vmem_shared>> -> memref<632x128xf32, #tpu.memory_space<vmem_shared>>
      tpu.wait_dma2 semaphore(%run_scoped3A : memref<!tpu.dma_semaphore, #tpu.memory_space<semaphore_mem>>) src(%dma_wait3A_36 : memref<632x128xf32, #tpu.memory_space<vmem_shared>>) dst(%dma_wait3A_34 : memref<632x128xf32, #tpu.memory_space<hbm>>)
      tpu.yield
    }) : () -> ()
    return
  }
}

#map = affine_map<(d0, d1) -> (0, 0)>
#map1 = affine_map<(d0, d1) -> (0, 0, 0)>
module attributes {stable_mosaic.version = 14 : i64} {
  func.func @_sc_prop_body(%arg0: i32, %arg1: i32, %arg2: memref<10112x128xf32, #tpu.memory_space<hbm>>, %arg3: memref<32x101x128xi32, #tpu.memory_space<hbm>>, %arg4: memref<2x10112x128xf32, #tpu.memory_space<hbm>>, %arg5: memref<101x128xi32, #tpu.memory_space<vmem>>, %arg6: memref<2x128xi32, #tpu.memory_space<vmem>>, %arg7: memref<2x128xi32, #tpu.memory_space<vmem>>, %arg8: memref<2x128x128xf32, #tpu.memory_space<vmem>>, %arg9: memref<10112x128xf32, #tpu.memory_space<vmem_shared>>, %arg10: memref<!tpu.dma_semaphore, #tpu.memory_space<semaphore_mem>>, %arg11: memref<!tpu.dma_semaphore, #tpu.memory_space<semaphore_mem>>) attributes {dimension_semantics = [#tpu.dimension_semantics<core_parallel>, #tpu.dimension_semantics<subcore_parallel>], iteration_bounds = array<i64: 2, 16>, scalar_prefetch = 0 : i64, scratch_operands = 7 : i64, tpu.core_type = #tpu.core_type<sc_vector_subcore>, window_params = [{transform_indices = #map}, {transform_indices = #map1}, {transform_indices = #map1}]} {
    %mul3A = arith.constant 16 : i32
    %mul3A_0 = arith.muli %arg0, %mul3A : i32
    %add3A = arith.addi %mul3A_0, %arg1 : i32
    %mul3A_1 = arith.constant 632 : i32
    %mul3A_2 = arith.muli %arg1, %mul3A_1 : i32
    %mul3A_3 = arith.constant 632 : i32
    %mul3A_4 = arith.muli %arg1, %mul3A_3 : i32
    "tpu.region"() ({
      %run_scoped3A = tpu.sem_alloc : memref<!tpu.dma_semaphore, #tpu.memory_space<semaphore_mem>>
      %dma_start3A_239 = arith.constant 0 : i32
      %dma_start3A_240 = tpu.memref_slice %arg9[%mul3A_4, %dma_start3A_239] : memref<10112x128xf32, #tpu.memory_space<vmem_shared>> -> memref<632x128xf32, #tpu.memory_space<vmem_shared>>
      %dma_start3A_241 = arith.constant 0 : i32
      %dma_start3A_242 = tpu.memref_slice %arg2[%mul3A_2, %dma_start3A_241] : memref<10112x128xf32, #tpu.memory_space<hbm>> -> memref<632x128xf32, #tpu.memory_space<hbm>>
      tpu.enqueue_dma source(%dma_start3A_242 : memref<632x128xf32, #tpu.memory_space<hbm>>) target(%dma_start3A_240 : memref<632x128xf32, #tpu.memory_space<vmem_shared>>) target_semaphore(%run_scoped3A : memref<!tpu.dma_semaphore, #tpu.memory_space<semaphore_mem>>)
      %dma_wait3A_243 = arith.constant 0 : i32
      %dma_wait3A_244 = tpu.memref_slice %arg9[%mul3A_4, %dma_wait3A_243] : memref<10112x128xf32, #tpu.memory_space<vmem_shared>> -> memref<632x128xf32, #tpu.memory_space<vmem_shared>>
      %dma_wait3A_245 = arith.constant 0 : i32
      %dma_wait3A_246 = tpu.memref_slice %arg2[%mul3A_2, %dma_wait3A_245] : memref<10112x128xf32, #tpu.memory_space<hbm>> -> memref<632x128xf32, #tpu.memory_space<hbm>>
      tpu.wait_dma2 semaphore(%run_scoped3A : memref<!tpu.dma_semaphore, #tpu.memory_space<semaphore_mem>>) src(%dma_wait3A_246 : memref<632x128xf32, #tpu.memory_space<hbm>>) dst(%dma_wait3A_244 : memref<632x128xf32, #tpu.memory_space<vmem_shared>>)
      tpu.yield
    }) : () -> ()
    %dma_start3A = arith.constant 0 : i32
    %dma_start3A_5 = arith.constant 0 : i32
    %dma_start3A_6 = tpu.memref_slice %arg3[%add3A, %dma_start3A, %dma_start3A_5] : memref<32x101x128xi32, #tpu.memory_space<hbm>> -> memref<1x101x128xi32, #tpu.memory_space<hbm>>
    %dma_start3A_7 = tpu.memref_squeeze %dma_start3A_6 : memref<1x101x128xi32, #tpu.memory_space<hbm>> -> memref<101x128xi32, #tpu.memory_space<hbm>>
    %dma_start3A_8 = arith.constant 0 : i32
    %dma_start3A_9 = arith.constant 0 : i32
    %dma_start3A_10 = tpu.memref_slice %arg3[%add3A, %dma_start3A_8, %dma_start3A_9] : memref<32x101x128xi32, #tpu.memory_space<hbm>> -> memref<1x101x128xi32, #tpu.memory_space<hbm>>
    %dma_start3A_11 = tpu.memref_squeeze %dma_start3A_10 : memref<1x101x128xi32, #tpu.memory_space<hbm>> -> memref<101x128xi32, #tpu.memory_space<hbm>>
    tpu.enqueue_dma source(%dma_start3A_11 : memref<101x128xi32, #tpu.memory_space<hbm>>) target(%arg5 : memref<101x128xi32, #tpu.memory_space<vmem>>) target_semaphore(%arg10 : memref<!tpu.dma_semaphore, #tpu.memory_space<semaphore_mem>>)
    %dma_wait3A = arith.constant 0 : i32
    %dma_wait3A_12 = arith.constant 0 : i32
    %dma_wait3A_13 = tpu.memref_slice %arg3[%add3A, %dma_wait3A, %dma_wait3A_12] : memref<32x101x128xi32, #tpu.memory_space<hbm>> -> memref<1x101x128xi32, #tpu.memory_space<hbm>>
    %dma_wait3A_14 = tpu.memref_squeeze %dma_wait3A_13 : memref<1x101x128xi32, #tpu.memory_space<hbm>> -> memref<101x128xi32, #tpu.memory_space<hbm>>
    %dma_wait3A_15 = arith.constant 0 : i32
    %dma_wait3A_16 = arith.constant 0 : i32
    %dma_wait3A_17 = tpu.memref_slice %arg3[%add3A, %dma_wait3A_15, %dma_wait3A_16] : memref<32x101x128xi32, #tpu.memory_space<hbm>> -> memref<1x101x128xi32, #tpu.memory_space<hbm>>
    %dma_wait3A_18 = tpu.memref_squeeze %dma_wait3A_17 : memref<1x101x128xi32, #tpu.memory_space<hbm>> -> memref<101x128xi32, #tpu.memory_space<hbm>>
    tpu.wait_dma2 semaphore(%arg10 : memref<!tpu.dma_semaphore, #tpu.memory_space<semaphore_mem>>) src(%dma_wait3A_18 : memref<101x128xi32, #tpu.memory_space<hbm>>) dst(%arg5 : memref<101x128xi32, #tpu.memory_space<vmem>>)
    %barrier3A = arith.constant 0 : index
    tpu.barrier barrier_id(%barrier3A)
    %eq3A = arith.constant 0 : i32
    %eq3A_19 = arith.cmpi eq, %arg0, %eq3A : i32
    %jit3A = arith.constant 101 : i32
    %jit3A_20 = arith.constant 56 : i32
    %select_n3A = arith.select %eq3A_19, %jit3A, %jit3A_20 : i32
    %get3A = arith.constant 0 : i32
    %get3A_21 = arith.index_cast %get3A : i32 to index
    %get3A_22 = arith.constant 0 : index
    %get3A_23 = tpu.vector_load %arg5[%get3A_21, %get3A_22] {strides = array<i32>} : memref<101x128xi32, #tpu.memory_space<vmem>>, vector<1x16xi32>,
    %get3A_24 = vector.shape_cast %get3A_23 : vector<1x16xi32> to vector<16xi32>
    %shift_right_logical3A = arith.constant 16 : i32
    %shift_right_logical3A_25 = vector.broadcast %shift_right_logical3A : i32 to vector<16xi32>
    %shift_right_logical3A_26 = arith.shrui %get3A_24, %shift_right_logical3A_25 : vector<16xi32>
    %swap3A = arith.constant 0 : i32
    %swap3A_27 = arith.index_cast %swap3A : i32 to index
    %swap3A_28 = arith.constant 0 : index
    %swap3A_29 = tpu.vector_load %arg6[%swap3A_27, %swap3A_28] {strides = array<i32>} : memref<2x128xi32, #tpu.memory_space<vmem>>, vector<1x16xi32>,
    %swap3A_30 = vector.shape_cast %swap3A_29 : vector<1x16xi32> to vector<16xi32>
    %swap3A_31 = vector.shape_cast %shift_right_logical3A_26 : vector<16xi32> to vector<1x16xi32>
    tpu.vector_store %arg6[%swap3A_27, %swap3A_28], %swap3A_31 {strides = array<i32>} : memref<2x128xi32, #tpu.memory_space<vmem>>, vector<1x16xi32>,
    %and3A = arith.constant 65535 : i32
    %and3A_32 = vector.broadcast %and3A : i32 to vector<16xi32>
    %and3A_33 = arith.andi %get3A_24, %and3A_32 : vector<16xi32>
    %swap3A_34 = arith.constant 0 : i32
    %swap3A_35 = arith.index_cast %swap3A_34 : i32 to index
    %swap3A_36 = arith.constant 0 : index
    %swap3A_37 = tpu.vector_load %arg7[%swap3A_35, %swap3A_36] {strides = array<i32>} : memref<2x128xi32, #tpu.memory_space<vmem>>, vector<1x16xi32>,
    %swap3A_38 = vector.shape_cast %swap3A_37 : vector<1x16xi32> to vector<16xi32>
    %swap3A_39 = vector.shape_cast %and3A_33 : vector<16xi32> to vector<1x16xi32>
    tpu.vector_store %arg7[%swap3A_35, %swap3A_36], %swap3A_39 {strides = array<i32>} : memref<2x128xi32, #tpu.memory_space<vmem>>, vector<1x16xi32>,
    %get3A_40 = arith.constant 0 : i32
    %get3A_41 = arith.index_cast %get3A_40 : i32 to index
    %get3A_42 = arith.constant 16 : index
    %get3A_43 = tpu.vector_load %arg5[%get3A_41, %get3A_42] {strides = array<i32>} : memref<101x128xi32, #tpu.memory_space<vmem>>, vector<1x16xi32>,
    %get3A_44 = vector.shape_cast %get3A_43 : vector<1x16xi32> to vector<16xi32>
    %shift_right_logical3A_45 = arith.constant 16 : i32
    %shift_right_logical3A_46 = vector.broadcast %shift_right_logical3A_45 : i32 to vector<16xi32>
    %shift_right_logical3A_47 = arith.shrui %get3A_44, %shift_right_logical3A_46 : vector<16xi32>
    %swap3A_48 = arith.constant 0 : i32
    %swap3A_49 = arith.index_cast %swap3A_48 : i32 to index
    %swap3A_50 = arith.constant 16 : index
    %swap3A_51 = tpu.vector_load %arg6[%swap3A_49, %swap3A_50] {strides = array<i32>} : memref<2x128xi32, #tpu.memory_space<vmem>>, vector<1x16xi32>,
    %swap3A_52 = vector.shape_cast %swap3A_51 : vector<1x16xi32> to vector<16xi32>
    %swap3A_53 = vector.shape_cast %shift_right_logical3A_47 : vector<16xi32> to vector<1x16xi32>
    tpu.vector_store %arg6[%swap3A_49, %swap3A_50], %swap3A_53 {strides = array<i32>} : memref<2x128xi32, #tpu.memory_space<vmem>>, vector<1x16xi32>,
    %and3A_54 = arith.constant 65535 : i32
    %and3A_55 = vector.broadcast %and3A_54 : i32 to vector<16xi32>
    %and3A_56 = arith.andi %get3A_44, %and3A_55 : vector<16xi32>
    %swap3A_57 = arith.constant 0 : i32
    %swap3A_58 = arith.index_cast %swap3A_57 : i32 to index
    %swap3A_59 = arith.constant 16 : index
    %swap3A_60 = tpu.vector_load %arg7[%swap3A_58, %swap3A_59] {strides = array<i32>} : memref<2x128xi32, #tpu.memory_space<vmem>>, vector<1x16xi32>,
    %swap3A_61 = vector.shape_cast %swap3A_60 : vector<1x16xi32> to vector<16xi32>
    %swap3A_62 = vector.shape_cast %and3A_56 : vector<16xi32> to vector<1x16xi32>
    tpu.vector_store %arg7[%swap3A_58, %swap3A_59], %swap3A_62 {strides = array<i32>} : memref<2x128xi32, #tpu.memory_space<vmem>>, vector<1x16xi32>,
    %get3A_63 = arith.constant 0 : i32
    %get3A_64 = arith.index_cast %get3A_63 : i32 to index
    %get3A_65 = arith.constant 32 : index
    %get3A_66 = tpu.vector_load %arg5[%get3A_64, %get3A_65] {strides = array<i32>} : memref<101x128xi32, #tpu.memory_space<vmem>>, vector<1x16xi32>,
    %get3A_67 = vector.shape_cast %get3A_66 : vector<1x16xi32> to vector<16xi32>
    %shift_right_logical3A_68 = arith.constant 16 : i32
    %shift_right_logical3A_69 = vector.broadcast %shift_right_logical3A_68 : i32 to vector<16xi32>
    %shift_right_logical3A_70 = arith.shrui %get3A_67, %shift_right_logical3A_69 : vector<16xi32>
    %swap3A_71 = arith.constant 0 : i32
    %swap3A_72 = arith.index_cast %swap3A_71 : i32 to index
    %swap3A_73 = arith.constant 32 : index
    %swap3A_74 = tpu.vector_load %arg6[%swap3A_72, %swap3A_73] {strides = array<i32>} : memref<2x128xi32, #tpu.memory_space<vmem>>, vector<1x16xi32>,
    %swap3A_75 = vector.shape_cast %swap3A_74 : vector<1x16xi32> to vector<16xi32>
    %swap3A_76 = vector.shape_cast %shift_right_logical3A_70 : vector<16xi32> to vector<1x16xi32>
    tpu.vector_store %arg6[%swap3A_72, %swap3A_73], %swap3A_76 {strides = array<i32>} : memref<2x128xi32, #tpu.memory_space<vmem>>, vector<1x16xi32>,
    %and3A_77 = arith.constant 65535 : i32
    %and3A_78 = vector.broadcast %and3A_77 : i32 to vector<16xi32>
    %and3A_79 = arith.andi %get3A_67, %and3A_78 : vector<16xi32>
    %swap3A_80 = arith.constant 0 : i32
    %swap3A_81 = arith.index_cast %swap3A_80 : i32 to index
    %swap3A_82 = arith.constant 32 : index
    %swap3A_83 = tpu.vector_load %arg7[%swap3A_81, %swap3A_82] {strides = array<i32>} : memref<2x128xi32, #tpu.memory_space<vmem>>, vector<1x16xi32>,
    %swap3A_84 = vector.shape_cast %swap3A_83 : vector<1x16xi32> to vector<16xi32>
    %swap3A_85 = vector.shape_cast %and3A_79 : vector<16xi32> to vector<1x16xi32>
    tpu.vector_store %arg7[%swap3A_81, %swap3A_82], %swap3A_85 {strides = array<i32>} : memref<2x128xi32, #tpu.memory_space<vmem>>, vector<1x16xi32>,
    %get3A_86 = arith.constant 0 : i32
    %get3A_87 = arith.index_cast %get3A_86 : i32 to index
    %get3A_88 = arith.constant 48 : index
    %get3A_89 = tpu.vector_load %arg5[%get3A_87, %get3A_88] {strides = array<i32>} : memref<101x128xi32, #tpu.memory_space<vmem>>, vector<1x16xi32>,
    %get3A_90 = vector.shape_cast %get3A_89 : vector<1x16xi32> to vector<16xi32>
    %shift_right_logical3A_91 = arith.constant 16 : i32
    %shift_right_logical3A_92 = vector.broadcast %shift_right_logical3A_91 : i32 to vector<16xi32>
    %shift_right_logical3A_93 = arith.shrui %get3A_90, %shift_right_logical3A_92 : vector<16xi32>
    %swap3A_94 = arith.constant 0 : i32
    %swap3A_95 = arith.index_cast %swap3A_94 : i32 to index
    %swap3A_96 = arith.constant 48 : index
    %swap3A_97 = tpu.vector_load %arg6[%swap3A_95, %swap3A_96] {strides = array<i32>} : memref<2x128xi32, #tpu.memory_space<vmem>>, vector<1x16xi32>,
    %swap3A_98 = vector.shape_cast %swap3A_97 : vector<1x16xi32> to vector<16xi32>
    %swap3A_99 = vector.shape_cast %shift_right_logical3A_93 : vector<16xi32> to vector<1x16xi32>
    tpu.vector_store %arg6[%swap3A_95, %swap3A_96], %swap3A_99 {strides = array<i32>} : memref<2x128xi32, #tpu.memory_space<vmem>>, vector<1x16xi32>,
    %and3A_100 = arith.constant 65535 : i32
    %and3A_101 = vector.broadcast %and3A_100 : i32 to vector<16xi32>
    %and3A_102 = arith.andi %get3A_90, %and3A_101 : vector<16xi32>
    %swap3A_103 = arith.constant 0 : i32
    %swap3A_104 = arith.index_cast %swap3A_103 : i32 to index
    %swap3A_105 = arith.constant 48 : index
    %swap3A_106 = tpu.vector_load %arg7[%swap3A_104, %swap3A_105] {strides = array<i32>} : memref<2x128xi32, #tpu.memory_space<vmem>>, vector<1x16xi32>,
    %swap3A_107 = vector.shape_cast %swap3A_106 : vector<1x16xi32> to vector<16xi32>
    %swap3A_108 = vector.shape_cast %and3A_102 : vector<16xi32> to vector<1x16xi32>
    tpu.vector_store %arg7[%swap3A_104, %swap3A_105], %swap3A_108 {strides = array<i32>} : memref<2x128xi32, #tpu.memory_space<vmem>>, vector<1x16xi32>,
    %get3A_109 = arith.constant 0 : i32
    %get3A_110 = arith.index_cast %get3A_109 : i32 to index
    %get3A_111 = arith.constant 64 : index
    %get3A_112 = tpu.vector_load %arg5[%get3A_110, %get3A_111] {strides = array<i32>} : memref<101x128xi32, #tpu.memory_space<vmem>>, vector<1x16xi32>,
    %get3A_113 = vector.shape_cast %get3A_112 : vector<1x16xi32> to vector<16xi32>
    %shift_right_logical3A_114 = arith.constant 16 : i32
    %shift_right_logical3A_115 = vector.broadcast %shift_right_logical3A_114 : i32 to vector<16xi32>
    %shift_right_logical3A_116 = arith.shrui %get3A_113, %shift_right_logical3A_115 : vector<16xi32>
    %swap3A_117 = arith.constant 0 : i32
    %swap3A_118 = arith.index_cast %swap3A_117 : i32 to index
    %swap3A_119 = arith.constant 64 : index
    %swap3A_120 = tpu.vector_load %arg6[%swap3A_118, %swap3A_119] {strides = array<i32>} : memref<2x128xi32, #tpu.memory_space<vmem>>, vector<1x16xi32>,
    %swap3A_121 = vector.shape_cast %swap3A_120 : vector<1x16xi32> to vector<16xi32>
    %swap3A_122 = vector.shape_cast %shift_right_logical3A_116 : vector<16xi32> to vector<1x16xi32>
    tpu.vector_store %arg6[%swap3A_118, %swap3A_119], %swap3A_122 {strides = array<i32>} : memref<2x128xi32, #tpu.memory_space<vmem>>, vector<1x16xi32>,
    %and3A_123 = arith.constant 65535 : i32
    %and3A_124 = vector.broadcast %and3A_123 : i32 to vector<16xi32>
    %and3A_125 = arith.andi %get3A_113, %and3A_124 : vector<16xi32>
    %swap3A_126 = arith.constant 0 : i32
    %swap3A_127 = arith.index_cast %swap3A_126 : i32 to index
    %swap3A_128 = arith.constant 64 : index
    %swap3A_129 = tpu.vector_load %arg7[%swap3A_127, %swap3A_128] {strides = array<i32>} : memref<2x128xi32, #tpu.memory_space<vmem>>, vector<1x16xi32>,
    %swap3A_130 = vector.shape_cast %swap3A_129 : vector<1x16xi32> to vector<16xi32>
    %swap3A_131 = vector.shape_cast %and3A_125 : vector<16xi32> to vector<1x16xi32>
    tpu.vector_store %arg7[%swap3A_127, %swap3A_128], %swap3A_131 {strides = array<i32>} : memref<2x128xi32, #tpu.memory_space<vmem>>, vector<1x16xi32>,
    %get3A_132 = arith.constant 0 : i32
    %get3A_133 = arith.index_cast %get3A_132 : i32 to index
    %get3A_134 = arith.constant 80 : index
    %get3A_135 = tpu.vector_load %arg5[%get3A_133, %get3A_134] {strides = array<i32>} : memref<101x128xi32, #tpu.memory_space<vmem>>, vector<1x16xi32>,
    %get3A_136 = vector.shape_cast %get3A_135 : vector<1x16xi32> to vector<16xi32>
    %shift_right_logical3A_137 = arith.constant 16 : i32
    %shift_right_logical3A_138 = vector.broadcast %shift_right_logical3A_137 : i32 to vector<16xi32>
    %shift_right_logical3A_139 = arith.shrui %get3A_136, %shift_right_logical3A_138 : vector<16xi32>
    %swap3A_140 = arith.constant 0 : i32
    %swap3A_141 = arith.index_cast %swap3A_140 : i32 to index
    %swap3A_142 = arith.constant 80 : index
    %swap3A_143 = tpu.vector_load %arg6[%swap3A_141, %swap3A_142] {strides = array<i32>} : memref<2x128xi32, #tpu.memory_space<vmem>>, vector<1x16xi32>,
    %swap3A_144 = vector.shape_cast %swap3A_143 : vector<1x16xi32> to vector<16xi32>
    %swap3A_145 = vector.shape_cast %shift_right_logical3A_139 : vector<16xi32> to vector<1x16xi32>
    tpu.vector_store %arg6[%swap3A_141, %swap3A_142], %swap3A_145 {strides = array<i32>} : memref<2x128xi32, #tpu.memory_space<vmem>>, vector<1x16xi32>,
    %and3A_146 = arith.constant 65535 : i32
    %and3A_147 = vector.broadcast %and3A_146 : i32 to vector<16xi32>
    %and3A_148 = arith.andi %get3A_136, %and3A_147 : vector<16xi32>
    %swap3A_149 = arith.constant 0 : i32
    %swap3A_150 = arith.index_cast %swap3A_149 : i32 to index
    %swap3A_151 = arith.constant 80 : index
    %swap3A_152 = tpu.vector_load %arg7[%swap3A_150, %swap3A_151] {strides = array<i32>} : memref<2x128xi32, #tpu.memory_space<vmem>>, vector<1x16xi32>,
    %swap3A_153 = vector.shape_cast %swap3A_152 : vector<1x16xi32> to vector<16xi32>
    %swap3A_154 = vector.shape_cast %and3A_148 : vector<16xi32> to vector<1x16xi32>
    tpu.vector_store %arg7[%swap3A_150, %swap3A_151], %swap3A_154 {strides = array<i32>} : memref<2x128xi32, #tpu.memory_space<vmem>>, vector<1x16xi32>,
    %get3A_155 = arith.constant 0 : i32
    %get3A_156 = arith.index_cast %get3A_155 : i32 to index
    %get3A_157 = arith.constant 96 : index
    %get3A_158 = tpu.vector_load %arg5[%get3A_156, %get3A_157] {strides = array<i32>} : memref<101x128xi32, #tpu.memory_space<vmem>>, vector<1x16xi32>,
    %get3A_159 = vector.shape_cast %get3A_158 : vector<1x16xi32> to vector<16xi32>
    %shift_right_logical3A_160 = arith.constant 16 : i32
    %shift_right_logical3A_161 = vector.broadcast %shift_right_logical3A_160 : i32 to vector<16xi32>
    %shift_right_logical3A_162 = arith.shrui %get3A_159, %shift_right_logical3A_161 : vector<16xi32>
    %swap3A_163 = arith.constant 0 : i32
    %swap3A_164 = arith.index_cast %swap3A_163 : i32 to index
    %swap3A_165 = arith.constant 96 : index
    %swap3A_166 = tpu.vector_load %arg6[%swap3A_164, %swap3A_165] {strides = array<i32>} : memref<2x128xi32, #tpu.memory_space<vmem>>, vector<1x16xi32>,
    %swap3A_167 = vector.shape_cast %swap3A_166 : vector<1x16xi32> to vector<16xi32>
    %swap3A_168 = vector.shape_cast %shift_right_logical3A_162 : vector<16xi32> to vector<1x16xi32>
    tpu.vector_store %arg6[%swap3A_164, %swap3A_165], %swap3A_168 {strides = array<i32>} : memref<2x128xi32, #tpu.memory_space<vmem>>, vector<1x16xi32>,
    %and3A_169 = arith.constant 65535 : i32
    %and3A_170 = vector.broadcast %and3A_169 : i32 to vector<16xi32>
    %and3A_171 = arith.andi %get3A_159, %and3A_170 : vector<16xi32>
    %swap3A_172 = arith.constant 0 : i32
    %swap3A_173 = arith.index_cast %swap3A_172 : i32 to index
    %swap3A_174 = arith.constant 96 : index
    %swap3A_175 = tpu.vector_load %arg7[%swap3A_173, %swap3A_174] {strides = array<i32>} : memref<2x128xi32, #tpu.memory_space<vmem>>, vector<1x16xi32>,
    %swap3A_176 = vector.shape_cast %swap3A_175 : vector<1x16xi32> to vector<16xi32>
    %swap3A_177 = vector.shape_cast %and3A_171 : vector<16xi32> to vector<1x16xi32>
    tpu.vector_store %arg7[%swap3A_173, %swap3A_174], %swap3A_177 {strides = array<i32>} : memref<2x128xi32, #tpu.memory_space<vmem>>, vector<1x16xi32>,
    %get3A_178 = arith.constant 0 : i32
    %get3A_179 = arith.index_cast %get3A_178 : i32 to index
    %get3A_180 = arith.constant 112 : index
    %get3A_181 = tpu.vector_load %arg5[%get3A_179, %get3A_180] {strides = array<i32>} : memref<101x128xi32, #tpu.memory_space<vmem>>, vector<1x16xi32>,
    %get3A_182 = vector.shape_cast %get3A_181 : vector<1x16xi32> to vector<16xi32>
    %shift_right_logical3A_183 = arith.constant 16 : i32
    %shift_right_logical3A_184 = vector.broadcast %shift_right_logical3A_183 : i32 to vector<16xi32>
    %shift_right_logical3A_185 = arith.shrui %get3A_182, %shift_right_logical3A_184 : vector<16xi32>
    %swap3A_186 = arith.constant 0 : i32
    %swap3A_187 = arith.index_cast %swap3A_186 : i32 to index
    %swap3A_188 = arith.constant 112 : index
    %swap3A_189 = tpu.vector_load %arg6[%swap3A_187, %swap3A_188] {strides = array<i32>} : memref<2x128xi32, #tpu.memory_space<vmem>>, vector<1x16xi32>,
    %swap3A_190 = vector.shape_cast %swap3A_189 : vector<1x16xi32> to vector<16xi32>
    %swap3A_191 = vector.shape_cast %shift_right_logical3A_185 : vector<16xi32> to vector<1x16xi32>
    tpu.vector_store %arg6[%swap3A_187, %swap3A_188], %swap3A_191 {strides = array<i32>} : memref<2x128xi32, #tpu.memory_space<vmem>>, vector<1x16xi32>,
    %and3A_192 = arith.constant 65535 : i32
    %and3A_193 = vector.broadcast %and3A_192 : i32 to vector<16xi32>
    %and3A_194 = arith.andi %get3A_182, %and3A_193 : vector<16xi32>
    %swap3A_195 = arith.constant 0 : i32
    %swap3A_196 = arith.index_cast %swap3A_195 : i32 to index
    %swap3A_197 = arith.constant 112 : index
    %swap3A_198 = tpu.vector_load %arg7[%swap3A_196, %swap3A_197] {strides = array<i32>} : memref<2x128xi32, #tpu.memory_space<vmem>>, vector<1x16xi32>,
    %swap3A_199 = vector.shape_cast %swap3A_198 : vector<1x16xi32> to vector<16xi32>
    %swap3A_200 = vector.shape_cast %and3A_194 : vector<16xi32> to vector<1x16xi32>
    tpu.vector_store %arg7[%swap3A_196, %swap3A_197], %swap3A_200 {strides = array<i32>} : memref<2x128xi32, #tpu.memory_space<vmem>>, vector<1x16xi32>,
    %dma_start3A_201 = arith.constant 0 : i32
    %dma_start3A_202 = arith.constant 0 : i32
    %dma_start3A_203 = arith.constant 0 : i32
    %dma_start3A_204 = arith.constant 0 : i32
    %dma_start3A_205 = tpu.memref_slice %arg8[%dma_start3A_202, %dma_start3A_203, %dma_start3A_204] : memref<2x128x128xf32, #tpu.memory_space<vmem>> -> memref<1x128x128xf32, #tpu.memory_space<vmem>>
    %dma_start3A_206 = tpu.memref_squeeze %dma_start3A_205 : memref<1x128x128xf32, #tpu.memory_space<vmem>> -> memref<128x128xf32, #tpu.memory_space<vmem>>
    %dma_start3A_207 = arith.constant 0 : i32
    %dma_start3A_208 = tpu.memref_slice %arg6[%dma_start3A_201, %dma_start3A_207] : memref<2x128xi32, #tpu.memory_space<vmem>> -> memref<1x128xi32, #tpu.memory_space<vmem>>
    %dma_start3A_209 = tpu.memref_squeeze %dma_start3A_208 : memref<1x128xi32, #tpu.memory_space<vmem>> -> memref<128xi32, #tpu.memory_space<vmem>>
    %dma_start3A_210 = arith.constant 0 : i32
    %dma_start3A_211 = arith.constant 0 : i32
    %dma_start3A_212 = tpu.memref_slice %arg2[%dma_start3A_210, %dma_start3A_211] : memref<10112x128xf32, #tpu.memory_space<hbm>> -> memref<10112x128xf32, #tpu.memory_space<hbm>>
    tpu.enqueue_indirect_dma source(%dma_start3A_212 : memref<10112x128xf32, #tpu.memory_space<hbm>>) target(%dma_start3A_206 : memref<128x128xf32, #tpu.memory_space<vmem>>) offsets(%dma_start3A_209 : memref<128xi32, #tpu.memory_space<vmem>>) semaphore(%arg10 : memref<!tpu.dma_semaphore, #tpu.memory_space<semaphore_mem>>)
    %while3A = arith.constant 0 : i32
    %while3A_213 = arith.constant 0 : i32
    %while3A_214 = arith.subi %select_n3A, %while3A_213 : i32
    %while3A_215 = arith.addi %while3A_213, %while3A_214 : i32
    %while3A_216 = arith.constant 1 : i32
    %while3A_217 = arith.divsi %while3A_214, %while3A_216 : i32
    %while3A_218 = arith.muli %while3A_217, %while3A_216 : i32
    %while3A_219 = arith.addi %while3A_213, %while3A_218 : i32
    %while3A_220 = arith.constant 1 : i32
    scf.for %while3A_239 = %while3A_213 to %while3A_219 step %while3A_220  : i32 {
      %rem3A_240 = arith.constant 2 : i32
      %rem3A_241 = arith.remsi %while3A_239, %rem3A_240 : i32
      %dma_wait3A_242 = arith.constant 0 : i32
      %dma_wait3A_243 = arith.constant 0 : i32
      %dma_wait3A_244 = tpu.memref_slice %arg8[%rem3A_241, %dma_wait3A_242, %dma_wait3A_243] : memref<2x128x128xf32, #tpu.memory_space<vmem>> -> memref<1x128x128xf32, #tpu.memory_space<vmem>>
      %dma_wait3A_245 = tpu.memref_squeeze %dma_wait3A_244 : memref<1x128x128xf32, #tpu.memory_space<vmem>> -> memref<128x128xf32, #tpu.memory_space<vmem>>
      %dma_wait3A_246 = arith.constant 0 : i32
      %dma_wait3A_247 = tpu.memref_slice %arg6[%rem3A_241, %dma_wait3A_246] : memref<2x128xi32, #tpu.memory_space<vmem>> -> memref<1x128xi32, #tpu.memory_space<vmem>>
      %dma_wait3A_248 = tpu.memref_squeeze %dma_wait3A_247 : memref<1x128xi32, #tpu.memory_space<vmem>> -> memref<128xi32, #tpu.memory_space<vmem>>
      %dma_wait3A_249 = arith.constant 0 : i32
      %dma_wait3A_250 = arith.constant 0 : i32
      %dma_wait3A_251 = tpu.memref_slice %arg2[%dma_wait3A_249, %dma_wait3A_250] : memref<10112x128xf32, #tpu.memory_space<hbm>> -> memref<10112x128xf32, #tpu.memory_space<hbm>>
      tpu.wait_indirect_dma semaphore(%arg10 : memref<!tpu.dma_semaphore, #tpu.memory_space<semaphore_mem>>) src(%dma_wait3A_251 : memref<10112x128xf32, #tpu.memory_space<hbm>>) dst(%dma_wait3A_245 : memref<128x128xf32, #tpu.memory_space<vmem>>)
      %ge3A = arith.constant 1 : i32
      %ge3A_252 = arith.cmpi sge, %while3A_239, %ge3A : i32
      %convert_element_type3A = arith.extui %ge3A_252 : i1 to i32
      %cond3A = arith.constant 0 : i32
      %cond3A_253 = arith.cmpi ne, %convert_element_type3A, %cond3A : i32
      scf.if %cond3A_253 {
        %sub3A_269 = arith.constant 1 : i32
        %sub3A_270 = arith.subi %sub3A_269, %rem3A_241 : i32
        %sub3A_271 = arith.constant 1 : i32
        %sub3A_272 = arith.subi %sub3A_271, %rem3A_241 : i32
        %dma_wait3A_273 = arith.constant 0 : i32
        %dma_wait3A_274 = arith.constant 0 : i32
        %dma_wait3A_275 = tpu.memref_slice %arg8[%sub3A_270, %dma_wait3A_273, %dma_wait3A_274] : memref<2x128x128xf32, #tpu.memory_space<vmem>> -> memref<1x128x128xf32, #tpu.memory_space<vmem>>
        %dma_wait3A_276 = tpu.memref_squeeze %dma_wait3A_275 : memref<1x128x128xf32, #tpu.memory_space<vmem>> -> memref<128x128xf32, #tpu.memory_space<vmem>>
        %dma_wait3A_277 = arith.constant 0 : i32
        %dma_wait3A_278 = tpu.memref_slice %arg7[%sub3A_272, %dma_wait3A_277] : memref<2x128xi32, #tpu.memory_space<vmem>> -> memref<1x128xi32, #tpu.memory_space<vmem>>
        %dma_wait3A_279 = tpu.memref_squeeze %dma_wait3A_278 : memref<1x128xi32, #tpu.memory_space<vmem>> -> memref<128xi32, #tpu.memory_space<vmem>>
        %dma_wait3A_280 = arith.constant 0 : i32
        %dma_wait3A_281 = arith.constant 0 : i32
        %dma_wait3A_282 = tpu.memref_slice %arg9[%dma_wait3A_280, %dma_wait3A_281] : memref<10112x128xf32, #tpu.memory_space<vmem_shared>> -> memref<10112x128xf32, #tpu.memory_space<vmem_shared>>
        tpu.wait_indirect_dma semaphore(%arg11 : memref<!tpu.dma_semaphore, #tpu.memory_space<semaphore_mem>>) src(%dma_wait3A_276 : memref<128x128xf32, #tpu.memory_space<vmem>>) dst(%dma_wait3A_282 : memref<10112x128xf32, #tpu.memory_space<vmem_shared>>)
      } else {
      }
      %add3A_254 = arith.constant 1 : i32
      %add3A_255 = arith.addi %while3A_239, %add3A_254 : i32
      %lt3A = arith.cmpi slt, %add3A_255, %select_n3A : i32
      %convert_element_type3A_256 = arith.extui %lt3A : i1 to i32
      %cond3A_257 = arith.constant 0 : i32
      %cond3A_258 = arith.cmpi ne, %convert_element_type3A_256, %cond3A_257 : i32
      scf.if %cond3A_258 {
        %add3A_269 = arith.constant 1 : i32
        %add3A_270 = arith.addi %while3A_239, %add3A_269 : i32
        %sub3A_271 = arith.constant 1 : i32
        %sub3A_272 = arith.subi %sub3A_271, %rem3A_241 : i32
        %get3A_273 = arith.index_cast %add3A_270 : i32 to index
        %get3A_274 = arith.constant 0 : index
        %get3A_275 = tpu.vector_load %arg5[%get3A_273, %get3A_274] {strides = array<i32>} : memref<101x128xi32, #tpu.memory_space<vmem>>, vector<1x16xi32>,
        %get3A_276 = vector.shape_cast %get3A_275 : vector<1x16xi32> to vector<16xi32>
        %shift_right_logical3A_277 = arith.constant 16 : i32
        %shift_right_logical3A_278 = vector.broadcast %shift_right_logical3A_277 : i32 to vector<16xi32>
        %shift_right_logical3A_279 = arith.shrui %get3A_276, %shift_right_logical3A_278 : vector<16xi32>
        %swap3A_280 = arith.index_cast %sub3A_272 : i32 to index
        %swap3A_281 = arith.constant 0 : index
        %swap3A_282 = tpu.vector_load %arg6[%swap3A_280, %swap3A_281] {strides = array<i32>} : memref<2x128xi32, #tpu.memory_space<vmem>>, vector<1x16xi32>,
        %swap3A_283 = vector.shape_cast %swap3A_282 : vector<1x16xi32> to vector<16xi32>
        %swap3A_284 = vector.shape_cast %shift_right_logical3A_279 : vector<16xi32> to vector<1x16xi32>
        tpu.vector_store %arg6[%swap3A_280, %swap3A_281], %swap3A_284 {strides = array<i32>} : memref<2x128xi32, #tpu.memory_space<vmem>>, vector<1x16xi32>,
        %and3A_285 = arith.constant 65535 : i32
        %and3A_286 = vector.broadcast %and3A_285 : i32 to vector<16xi32>
        %and3A_287 = arith.andi %get3A_276, %and3A_286 : vector<16xi32>
        %swap3A_288 = arith.index_cast %sub3A_272 : i32 to index
        %swap3A_289 = arith.constant 0 : index
        %swap3A_290 = tpu.vector_load %arg7[%swap3A_288, %swap3A_289] {strides = array<i32>} : memref<2x128xi32, #tpu.memory_space<vmem>>, vector<1x16xi32>,
        %swap3A_291 = vector.shape_cast %swap3A_290 : vector<1x16xi32> to vector<16xi32>
        %swap3A_292 = vector.shape_cast %and3A_287 : vector<16xi32> to vector<1x16xi32>
        tpu.vector_store %arg7[%swap3A_288, %swap3A_289], %swap3A_292 {strides = array<i32>} : memref<2x128xi32, #tpu.memory_space<vmem>>, vector<1x16xi32>,
        %get3A_293 = arith.index_cast %add3A_270 : i32 to index
        %get3A_294 = arith.constant 16 : index
        %get3A_295 = tpu.vector_load %arg5[%get3A_293, %get3A_294] {strides = array<i32>} : memref<101x128xi32, #tpu.memory_space<vmem>>, vector<1x16xi32>,
        %get3A_296 = vector.shape_cast %get3A_295 : vector<1x16xi32> to vector<16xi32>
        %shift_right_logical3A_297 = arith.constant 16 : i32
        %shift_right_logical3A_298 = vector.broadcast %shift_right_logical3A_297 : i32 to vector<16xi32>
        %shift_right_logical3A_299 = arith.shrui %get3A_296, %shift_right_logical3A_298 : vector<16xi32>
        %swap3A_300 = arith.index_cast %sub3A_272 : i32 to index
        %swap3A_301 = arith.constant 16 : index
        %swap3A_302 = tpu.vector_load %arg6[%swap3A_300, %swap3A_301] {strides = array<i32>} : memref<2x128xi32, #tpu.memory_space<vmem>>, vector<1x16xi32>,
        %swap3A_303 = vector.shape_cast %swap3A_302 : vector<1x16xi32> to vector<16xi32>
        %swap3A_304 = vector.shape_cast %shift_right_logical3A_299 : vector<16xi32> to vector<1x16xi32>
        tpu.vector_store %arg6[%swap3A_300, %swap3A_301], %swap3A_304 {strides = array<i32>} : memref<2x128xi32, #tpu.memory_space<vmem>>, vector<1x16xi32>,
        %and3A_305 = arith.constant 65535 : i32
        %and3A_306 = vector.broadcast %and3A_305 : i32 to vector<16xi32>
        %and3A_307 = arith.andi %get3A_296, %and3A_306 : vector<16xi32>
        %swap3A_308 = arith.index_cast %sub3A_272 : i32 to index
        %swap3A_309 = arith.constant 16 : index
        %swap3A_310 = tpu.vector_load %arg7[%swap3A_308, %swap3A_309] {strides = array<i32>} : memref<2x128xi32, #tpu.memory_space<vmem>>, vector<1x16xi32>,
        %swap3A_311 = vector.shape_cast %swap3A_310 : vector<1x16xi32> to vector<16xi32>
        %swap3A_312 = vector.shape_cast %and3A_307 : vector<16xi32> to vector<1x16xi32>
        tpu.vector_store %arg7[%swap3A_308, %swap3A_309], %swap3A_312 {strides = array<i32>} : memref<2x128xi32, #tpu.memory_space<vmem>>, vector<1x16xi32>,
        %get3A_313 = arith.index_cast %add3A_270 : i32 to index
        %get3A_314 = arith.constant 32 : index
        %get3A_315 = tpu.vector_load %arg5[%get3A_313, %get3A_314] {strides = array<i32>} : memref<101x128xi32, #tpu.memory_space<vmem>>, vector<1x16xi32>,
        %get3A_316 = vector.shape_cast %get3A_315 : vector<1x16xi32> to vector<16xi32>
        %shift_right_logical3A_317 = arith.constant 16 : i32
        %shift_right_logical3A_318 = vector.broadcast %shift_right_logical3A_317 : i32 to vector<16xi32>
        %shift_right_logical3A_319 = arith.shrui %get3A_316, %shift_right_logical3A_318 : vector<16xi32>
        %swap3A_320 = arith.index_cast %sub3A_272 : i32 to index
        %swap3A_321 = arith.constant 32 : index
        %swap3A_322 = tpu.vector_load %arg6[%swap3A_320, %swap3A_321] {strides = array<i32>} : memref<2x128xi32, #tpu.memory_space<vmem>>, vector<1x16xi32>,
        %swap3A_323 = vector.shape_cast %swap3A_322 : vector<1x16xi32> to vector<16xi32>
        %swap3A_324 = vector.shape_cast %shift_right_logical3A_319 : vector<16xi32> to vector<1x16xi32>
        tpu.vector_store %arg6[%swap3A_320, %swap3A_321], %swap3A_324 {strides = array<i32>} : memref<2x128xi32, #tpu.memory_space<vmem>>, vector<1x16xi32>,
        %and3A_325 = arith.constant 65535 : i32
        %and3A_326 = vector.broadcast %and3A_325 : i32 to vector<16xi32>
        %and3A_327 = arith.andi %get3A_316, %and3A_326 : vector<16xi32>
        %swap3A_328 = arith.index_cast %sub3A_272 : i32 to index
        %swap3A_329 = arith.constant 32 : index
        %swap3A_330 = tpu.vector_load %arg7[%swap3A_328, %swap3A_329] {strides = array<i32>} : memref<2x128xi32, #tpu.memory_space<vmem>>, vector<1x16xi32>,
        %swap3A_331 = vector.shape_cast %swap3A_330 : vector<1x16xi32> to vector<16xi32>
        %swap3A_332 = vector.shape_cast %and3A_327 : vector<16xi32> to vector<1x16xi32>
        tpu.vector_store %arg7[%swap3A_328, %swap3A_329], %swap3A_332 {strides = array<i32>} : memref<2x128xi32, #tpu.memory_space<vmem>>, vector<1x16xi32>,
        %get3A_333 = arith.index_cast %add3A_270 : i32 to index
        %get3A_334 = arith.constant 48 : index
        %get3A_335 = tpu.vector_load %arg5[%get3A_333, %get3A_334] {strides = array<i32>} : memref<101x128xi32, #tpu.memory_space<vmem>>, vector<1x16xi32>,
        %get3A_336 = vector.shape_cast %get3A_335 : vector<1x16xi32> to vector<16xi32>
        %shift_right_logical3A_337 = arith.constant 16 : i32
        %shift_right_logical3A_338 = vector.broadcast %shift_right_logical3A_337 : i32 to vector<16xi32>
        %shift_right_logical3A_339 = arith.shrui %get3A_336, %shift_right_logical3A_338 : vector<16xi32>
        %swap3A_340 = arith.index_cast %sub3A_272 : i32 to index
        %swap3A_341 = arith.constant 48 : index
        %swap3A_342 = tpu.vector_load %arg6[%swap3A_340, %swap3A_341] {strides = array<i32>} : memref<2x128xi32, #tpu.memory_space<vmem>>, vector<1x16xi32>,
        %swap3A_343 = vector.shape_cast %swap3A_342 : vector<1x16xi32> to vector<16xi32>
        %swap3A_344 = vector.shape_cast %shift_right_logical3A_339 : vector<16xi32> to vector<1x16xi32>
        tpu.vector_store %arg6[%swap3A_340, %swap3A_341], %swap3A_344 {strides = array<i32>} : memref<2x128xi32, #tpu.memory_space<vmem>>, vector<1x16xi32>,
        %and3A_345 = arith.constant 65535 : i32
        %and3A_346 = vector.broadcast %and3A_345 : i32 to vector<16xi32>
        %and3A_347 = arith.andi %get3A_336, %and3A_346 : vector<16xi32>
        %swap3A_348 = arith.index_cast %sub3A_272 : i32 to index
        %swap3A_349 = arith.constant 48 : index
        %swap3A_350 = tpu.vector_load %arg7[%swap3A_348, %swap3A_349] {strides = array<i32>} : memref<2x128xi32, #tpu.memory_space<vmem>>, vector<1x16xi32>,
        %swap3A_351 = vector.shape_cast %swap3A_350 : vector<1x16xi32> to vector<16xi32>
        %swap3A_352 = vector.shape_cast %and3A_347 : vector<16xi32> to vector<1x16xi32>
        tpu.vector_store %arg7[%swap3A_348, %swap3A_349], %swap3A_352 {strides = array<i32>} : memref<2x128xi32, #tpu.memory_space<vmem>>, vector<1x16xi32>,
        %get3A_353 = arith.index_cast %add3A_270 : i32 to index
        %get3A_354 = arith.constant 64 : index
        %get3A_355 = tpu.vector_load %arg5[%get3A_353, %get3A_354] {strides = array<i32>} : memref<101x128xi32, #tpu.memory_space<vmem>>, vector<1x16xi32>,
        %get3A_356 = vector.shape_cast %get3A_355 : vector<1x16xi32> to vector<16xi32>
        %shift_right_logical3A_357 = arith.constant 16 : i32
        %shift_right_logical3A_358 = vector.broadcast %shift_right_logical3A_357 : i32 to vector<16xi32>
        %shift_right_logical3A_359 = arith.shrui %get3A_356, %shift_right_logical3A_358 : vector<16xi32>
        %swap3A_360 = arith.index_cast %sub3A_272 : i32 to index
        %swap3A_361 = arith.constant 64 : index
        %swap3A_362 = tpu.vector_load %arg6[%swap3A_360, %swap3A_361] {strides = array<i32>} : memref<2x128xi32, #tpu.memory_space<vmem>>, vector<1x16xi32>,
        %swap3A_363 = vector.shape_cast %swap3A_362 : vector<1x16xi32> to vector<16xi32>
        %swap3A_364 = vector.shape_cast %shift_right_logical3A_359 : vector<16xi32> to vector<1x16xi32>
        tpu.vector_store %arg6[%swap3A_360, %swap3A_361], %swap3A_364 {strides = array<i32>} : memref<2x128xi32, #tpu.memory_space<vmem>>, vector<1x16xi32>,
        %and3A_365 = arith.constant 65535 : i32
        %and3A_366 = vector.broadcast %and3A_365 : i32 to vector<16xi32>
        %and3A_367 = arith.andi %get3A_356, %and3A_366 : vector<16xi32>
        %swap3A_368 = arith.index_cast %sub3A_272 : i32 to index
        %swap3A_369 = arith.constant 64 : index
        %swap3A_370 = tpu.vector_load %arg7[%swap3A_368, %swap3A_369] {strides = array<i32>} : memref<2x128xi32, #tpu.memory_space<vmem>>, vector<1x16xi32>,
        %swap3A_371 = vector.shape_cast %swap3A_370 : vector<1x16xi32> to vector<16xi32>
        %swap3A_372 = vector.shape_cast %and3A_367 : vector<16xi32> to vector<1x16xi32>
        tpu.vector_store %arg7[%swap3A_368, %swap3A_369], %swap3A_372 {strides = array<i32>} : memref<2x128xi32, #tpu.memory_space<vmem>>, vector<1x16xi32>,
        %get3A_373 = arith.index_cast %add3A_270 : i32 to index
        %get3A_374 = arith.constant 80 : index
        %get3A_375 = tpu.vector_load %arg5[%get3A_373, %get3A_374] {strides = array<i32>} : memref<101x128xi32, #tpu.memory_space<vmem>>, vector<1x16xi32>,
        %get3A_376 = vector.shape_cast %get3A_375 : vector<1x16xi32> to vector<16xi32>
        %shift_right_logical3A_377 = arith.constant 16 : i32
        %shift_right_logical3A_378 = vector.broadcast %shift_right_logical3A_377 : i32 to vector<16xi32>
        %shift_right_logical3A_379 = arith.shrui %get3A_376, %shift_right_logical3A_378 : vector<16xi32>
        %swap3A_380 = arith.index_cast %sub3A_272 : i32 to index
        %swap3A_381 = arith.constant 80 : index
        %swap3A_382 = tpu.vector_load %arg6[%swap3A_380, %swap3A_381] {strides = array<i32>} : memref<2x128xi32, #tpu.memory_space<vmem>>, vector<1x16xi32>,
        %swap3A_383 = vector.shape_cast %swap3A_382 : vector<1x16xi32> to vector<16xi32>
        %swap3A_384 = vector.shape_cast %shift_right_logical3A_379 : vector<16xi32> to vector<1x16xi32>
        tpu.vector_store %arg6[%swap3A_380, %swap3A_381], %swap3A_384 {strides = array<i32>} : memref<2x128xi32, #tpu.memory_space<vmem>>, vector<1x16xi32>,
        %and3A_385 = arith.constant 65535 : i32
        %and3A_386 = vector.broadcast %and3A_385 : i32 to vector<16xi32>
        %and3A_387 = arith.andi %get3A_376, %and3A_386 : vector<16xi32>
        %swap3A_388 = arith.index_cast %sub3A_272 : i32 to index
        %swap3A_389 = arith.constant 80 : index
        %swap3A_390 = tpu.vector_load %arg7[%swap3A_388, %swap3A_389] {strides = array<i32>} : memref<2x128xi32, #tpu.memory_space<vmem>>, vector<1x16xi32>,
        %swap3A_391 = vector.shape_cast %swap3A_390 : vector<1x16xi32> to vector<16xi32>
        %swap3A_392 = vector.shape_cast %and3A_387 : vector<16xi32> to vector<1x16xi32>
        tpu.vector_store %arg7[%swap3A_388, %swap3A_389], %swap3A_392 {strides = array<i32>} : memref<2x128xi32, #tpu.memory_space<vmem>>, vector<1x16xi32>,
        %get3A_393 = arith.index_cast %add3A_270 : i32 to index
        %get3A_394 = arith.constant 96 : index
        %get3A_395 = tpu.vector_load %arg5[%get3A_393, %get3A_394] {strides = array<i32>} : memref<101x128xi32, #tpu.memory_space<vmem>>, vector<1x16xi32>,
        %get3A_396 = vector.shape_cast %get3A_395 : vector<1x16xi32> to vector<16xi32>
        %shift_right_logical3A_397 = arith.constant 16 : i32
        %shift_right_logical3A_398 = vector.broadcast %shift_right_logical3A_397 : i32 to vector<16xi32>
        %shift_right_logical3A_399 = arith.shrui %get3A_396, %shift_right_logical3A_398 : vector<16xi32>
        %swap3A_400 = arith.index_cast %sub3A_272 : i32 to index
        %swap3A_401 = arith.constant 96 : index
        %swap3A_402 = tpu.vector_load %arg6[%swap3A_400, %swap3A_401] {strides = array<i32>} : memref<2x128xi32, #tpu.memory_space<vmem>>, vector<1x16xi32>,
        %swap3A_403 = vector.shape_cast %swap3A_402 : vector<1x16xi32> to vector<16xi32>
        %swap3A_404 = vector.shape_cast %shift_right_logical3A_399 : vector<16xi32> to vector<1x16xi32>
        tpu.vector_store %arg6[%swap3A_400, %swap3A_401], %swap3A_404 {strides = array<i32>} : memref<2x128xi32, #tpu.memory_space<vmem>>, vector<1x16xi32>,
        %and3A_405 = arith.constant 65535 : i32
        %and3A_406 = vector.broadcast %and3A_405 : i32 to vector<16xi32>
        %and3A_407 = arith.andi %get3A_396, %and3A_406 : vector<16xi32>
        %swap3A_408 = arith.index_cast %sub3A_272 : i32 to index
        %swap3A_409 = arith.constant 96 : index
        %swap3A_410 = tpu.vector_load %arg7[%swap3A_408, %swap3A_409] {strides = array<i32>} : memref<2x128xi32, #tpu.memory_space<vmem>>, vector<1x16xi32>,
        %swap3A_411 = vector.shape_cast %swap3A_410 : vector<1x16xi32> to vector<16xi32>
        %swap3A_412 = vector.shape_cast %and3A_407 : vector<16xi32> to vector<1x16xi32>
        tpu.vector_store %arg7[%swap3A_408, %swap3A_409], %swap3A_412 {strides = array<i32>} : memref<2x128xi32, #tpu.memory_space<vmem>>, vector<1x16xi32>,
        %get3A_413 = arith.index_cast %add3A_270 : i32 to index
        %get3A_414 = arith.constant 112 : index
        %get3A_415 = tpu.vector_load %arg5[%get3A_413, %get3A_414] {strides = array<i32>} : memref<101x128xi32, #tpu.memory_space<vmem>>, vector<1x16xi32>,
        %get3A_416 = vector.shape_cast %get3A_415 : vector<1x16xi32> to vector<16xi32>
        %shift_right_logical3A_417 = arith.constant 16 : i32
        %shift_right_logical3A_418 = vector.broadcast %shift_right_logical3A_417 : i32 to vector<16xi32>
        %shift_right_logical3A_419 = arith.shrui %get3A_416, %shift_right_logical3A_418 : vector<16xi32>
        %swap3A_420 = arith.index_cast %sub3A_272 : i32 to index
        %swap3A_421 = arith.constant 112 : index
        %swap3A_422 = tpu.vector_load %arg6[%swap3A_420, %swap3A_421] {strides = array<i32>} : memref<2x128xi32, #tpu.memory_space<vmem>>, vector<1x16xi32>,
        %swap3A_423 = vector.shape_cast %swap3A_422 : vector<1x16xi32> to vector<16xi32>
        %swap3A_424 = vector.shape_cast %shift_right_logical3A_419 : vector<16xi32> to vector<1x16xi32>
        tpu.vector_store %arg6[%swap3A_420, %swap3A_421], %swap3A_424 {strides = array<i32>} : memref<2x128xi32, #tpu.memory_space<vmem>>, vector<1x16xi32>,
        %and3A_425 = arith.constant 65535 : i32
        %and3A_426 = vector.broadcast %and3A_425 : i32 to vector<16xi32>
        %and3A_427 = arith.andi %get3A_416, %and3A_426 : vector<16xi32>
        %swap3A_428 = arith.index_cast %sub3A_272 : i32 to index
        %swap3A_429 = arith.constant 112 : index
        %swap3A_430 = tpu.vector_load %arg7[%swap3A_428, %swap3A_429] {strides = array<i32>} : memref<2x128xi32, #tpu.memory_space<vmem>>, vector<1x16xi32>,
        %swap3A_431 = vector.shape_cast %swap3A_430 : vector<1x16xi32> to vector<16xi32>
        %swap3A_432 = vector.shape_cast %and3A_427 : vector<16xi32> to vector<1x16xi32>
        tpu.vector_store %arg7[%swap3A_428, %swap3A_429], %swap3A_432 {strides = array<i32>} : memref<2x128xi32, #tpu.memory_space<vmem>>, vector<1x16xi32>,
        %sub3A_433 = arith.constant 1 : i32
        %sub3A_434 = arith.subi %sub3A_433, %rem3A_241 : i32
        %sub3A_435 = arith.constant 1 : i32
        %sub3A_436 = arith.subi %sub3A_435, %rem3A_241 : i32
        %dma_start3A_437 = arith.constant 0 : i32
        %dma_start3A_438 = arith.constant 0 : i32
        %dma_start3A_439 = tpu.memref_slice %arg8[%sub3A_436, %dma_start3A_437, %dma_start3A_438] : memref<2x128x128xf32, #tpu.memory_space<vmem>> -> memref<1x128x128xf32, #tpu.memory_space<vmem>>
        %dma_start3A_440 = tpu.memref_squeeze %dma_start3A_439 : memref<1x128x128xf32, #tpu.memory_space<vmem>> -> memref<128x128xf32, #tpu.memory_space<vmem>>
        %dma_start3A_441 = arith.constant 0 : i32
        %dma_start3A_442 = tpu.memref_slice %arg6[%sub3A_434, %dma_start3A_441] : memref<2x128xi32, #tpu.memory_space<vmem>> -> memref<1x128xi32, #tpu.memory_space<vmem>>
        %dma_start3A_443 = tpu.memref_squeeze %dma_start3A_442 : memref<1x128xi32, #tpu.memory_space<vmem>> -> memref<128xi32, #tpu.memory_space<vmem>>
        %dma_start3A_444 = arith.constant 0 : i32
        %dma_start3A_445 = arith.constant 0 : i32
        %dma_start3A_446 = tpu.memref_slice %arg2[%dma_start3A_444, %dma_start3A_445] : memref<10112x128xf32, #tpu.memory_space<hbm>> -> memref<10112x128xf32, #tpu.memory_space<hbm>>
        tpu.enqueue_indirect_dma source(%dma_start3A_446 : memref<10112x128xf32, #tpu.memory_space<hbm>>) target(%dma_start3A_440 : memref<128x128xf32, #tpu.memory_space<vmem>>) offsets(%dma_start3A_443 : memref<128xi32, #tpu.memory_space<vmem>>) semaphore(%arg10 : memref<!tpu.dma_semaphore, #tpu.memory_space<semaphore_mem>>)
      } else {
      }
      %dma_start3A_259 = arith.constant 0 : i32
      %dma_start3A_260 = arith.constant 0 : i32
      %dma_start3A_261 = tpu.memref_slice %arg8[%rem3A_241, %dma_start3A_259, %dma_start3A_260] : memref<2x128x128xf32, #tpu.memory_space<vmem>> -> memref<1x128x128xf32, #tpu.memory_space<vmem>>
      %dma_start3A_262 = tpu.memref_squeeze %dma_start3A_261 : memref<1x128x128xf32, #tpu.memory_space<vmem>> -> memref<128x128xf32, #tpu.memory_space<vmem>>
      %dma_start3A_263 = arith.constant 0 : i32
      %dma_start3A_264 = tpu.memref_slice %arg7[%rem3A_241, %dma_start3A_263] : memref<2x128xi32, #tpu.memory_space<vmem>> -> memref<1x128xi32, #tpu.memory_space<vmem>>
      %dma_start3A_265 = tpu.memref_squeeze %dma_start3A_264 : memref<1x128xi32, #tpu.memory_space<vmem>> -> memref<128xi32, #tpu.memory_space<vmem>>
      %dma_start3A_266 = arith.constant 0 : i32
      %dma_start3A_267 = arith.constant 0 : i32
      %dma_start3A_268 = tpu.memref_slice %arg9[%dma_start3A_266, %dma_start3A_267] : memref<10112x128xf32, #tpu.memory_space<vmem_shared>> -> memref<10112x128xf32, #tpu.memory_space<vmem_shared>>
      tpu.enqueue_indirect_dma source(%dma_start3A_262 : memref<128x128xf32, #tpu.memory_space<vmem>>) target(%dma_start3A_268 : memref<10112x128xf32, #tpu.memory_space<vmem_shared>>) offsets(%dma_start3A_265 : memref<128xi32, #tpu.memory_space<vmem>>) semaphore(%arg11 : memref<!tpu.dma_semaphore, #tpu.memory_space<semaphore_mem>>) {add = true}
    }
    %while3A_221 = arith.constant 1 : i32
    scf.for %while3A_239 = %while3A_219 to %while3A_215 step %while3A_221  : i32 {
      %rem3A_240 = arith.constant 2 : i32
      %rem3A_241 = arith.remsi %while3A_239, %rem3A_240 : i32
      %dma_wait3A_242 = arith.constant 0 : i32
      %dma_wait3A_243 = arith.constant 0 : i32
      %dma_wait3A_244 = tpu.memref_slice %arg8[%rem3A_241, %dma_wait3A_242, %dma_wait3A_243] : memref<2x128x128xf32, #tpu.memory_space<vmem>> -> memref<1x128x128xf32, #tpu.memory_space<vmem>>
      %dma_wait3A_245 = tpu.memref_squeeze %dma_wait3A_244 : memref<1x128x128xf32, #tpu.memory_space<vmem>> -> memref<128x128xf32, #tpu.memory_space<vmem>>
      %dma_wait3A_246 = arith.constant 0 : i32
      %dma_wait3A_247 = tpu.memref_slice %arg6[%rem3A_241, %dma_wait3A_246] : memref<2x128xi32, #tpu.memory_space<vmem>> -> memref<1x128xi32, #tpu.memory_space<vmem>>
      %dma_wait3A_248 = tpu.memref_squeeze %dma_wait3A_247 : memref<1x128xi32, #tpu.memory_space<vmem>> -> memref<128xi32, #tpu.memory_space<vmem>>
      %dma_wait3A_249 = arith.constant 0 : i32
      %dma_wait3A_250 = arith.constant 0 : i32
      %dma_wait3A_251 = tpu.memref_slice %arg2[%dma_wait3A_249, %dma_wait3A_250] : memref<10112x128xf32, #tpu.memory_space<hbm>> -> memref<10112x128xf32, #tpu.memory_space<hbm>>
      tpu.wait_indirect_dma semaphore(%arg10 : memref<!tpu.dma_semaphore, #tpu.memory_space<semaphore_mem>>) src(%dma_wait3A_251 : memref<10112x128xf32, #tpu.memory_space<hbm>>) dst(%dma_wait3A_245 : memref<128x128xf32, #tpu.memory_space<vmem>>)
      %ge3A = arith.constant 1 : i32
      %ge3A_252 = arith.cmpi sge, %while3A_239, %ge3A : i32
      %convert_element_type3A = arith.extui %ge3A_252 : i1 to i32
      %cond3A = arith.constant 0 : i32
      %cond3A_253 = arith.cmpi ne, %convert_element_type3A, %cond3A : i32
      scf.if %cond3A_253 {
        %sub3A_269 = arith.constant 1 : i32
        %sub3A_270 = arith.subi %sub3A_269, %rem3A_241 : i32
        %sub3A_271 = arith.constant 1 : i32
        %sub3A_272 = arith.subi %sub3A_271, %rem3A_241 : i32
        %dma_wait3A_273 = arith.constant 0 : i32
        %dma_wait3A_274 = arith.constant 0 : i32
        %dma_wait3A_275 = tpu.memref_slice %arg8[%sub3A_270, %dma_wait3A_273, %dma_wait3A_274] : memref<2x128x128xf32, #tpu.memory_space<vmem>> -> memref<1x128x128xf32, #tpu.memory_space<vmem>>
        %dma_wait3A_276 = tpu.memref_squeeze %dma_wait3A_275 : memref<1x128x128xf32, #tpu.memory_space<vmem>> -> memref<128x128xf32, #tpu.memory_space<vmem>>
        %dma_wait3A_277 = arith.constant 0 : i32
        %dma_wait3A_278 = tpu.memref_slice %arg7[%sub3A_272, %dma_wait3A_277] : memref<2x128xi32, #tpu.memory_space<vmem>> -> memref<1x128xi32, #tpu.memory_space<vmem>>
        %dma_wait3A_279 = tpu.memref_squeeze %dma_wait3A_278 : memref<1x128xi32, #tpu.memory_space<vmem>> -> memref<128xi32, #tpu.memory_space<vmem>>
        %dma_wait3A_280 = arith.constant 0 : i32
        %dma_wait3A_281 = arith.constant 0 : i32
        %dma_wait3A_282 = tpu.memref_slice %arg9[%dma_wait3A_280, %dma_wait3A_281] : memref<10112x128xf32, #tpu.memory_space<vmem_shared>> -> memref<10112x128xf32, #tpu.memory_space<vmem_shared>>
        tpu.wait_indirect_dma semaphore(%arg11 : memref<!tpu.dma_semaphore, #tpu.memory_space<semaphore_mem>>) src(%dma_wait3A_276 : memref<128x128xf32, #tpu.memory_space<vmem>>) dst(%dma_wait3A_282 : memref<10112x128xf32, #tpu.memory_space<vmem_shared>>)
      } else {
      }
      %add3A_254 = arith.constant 1 : i32
      %add3A_255 = arith.addi %while3A_239, %add3A_254 : i32
      %lt3A = arith.cmpi slt, %add3A_255, %select_n3A : i32
      %convert_element_type3A_256 = arith.extui %lt3A : i1 to i32
      %cond3A_257 = arith.constant 0 : i32
      %cond3A_258 = arith.cmpi ne, %convert_element_type3A_256, %cond3A_257 : i32
      scf.if %cond3A_258 {
        %add3A_269 = arith.constant 1 : i32
        %add3A_270 = arith.addi %while3A_239, %add3A_269 : i32
        %sub3A_271 = arith.constant 1 : i32
        %sub3A_272 = arith.subi %sub3A_271, %rem3A_241 : i32
        %get3A_273 = arith.index_cast %add3A_270 : i32 to index
        %get3A_274 = arith.constant 0 : index
        %get3A_275 = tpu.vector_load %arg5[%get3A_273, %get3A_274] {strides = array<i32>} : memref<101x128xi32, #tpu.memory_space<vmem>>, vector<1x16xi32>,
        %get3A_276 = vector.shape_cast %get3A_275 : vector<1x16xi32> to vector<16xi32>
        %shift_right_logical3A_277 = arith.constant 16 : i32
        %shift_right_logical3A_278 = vector.broadcast %shift_right_logical3A_277 : i32 to vector<16xi32>
        %shift_right_logical3A_279 = arith.shrui %get3A_276, %shift_right_logical3A_278 : vector<16xi32>
        %swap3A_280 = arith.index_cast %sub3A_272 : i32 to index
        %swap3A_281 = arith.constant 0 : index
        %swap3A_282 = tpu.vector_load %arg6[%swap3A_280, %swap3A_281] {strides = array<i32>} : memref<2x128xi32, #tpu.memory_space<vmem>>, vector<1x16xi32>,
        %swap3A_283 = vector.shape_cast %swap3A_282 : vector<1x16xi32> to vector<16xi32>
        %swap3A_284 = vector.shape_cast %shift_right_logical3A_279 : vector<16xi32> to vector<1x16xi32>
        tpu.vector_store %arg6[%swap3A_280, %swap3A_281], %swap3A_284 {strides = array<i32>} : memref<2x128xi32, #tpu.memory_space<vmem>>, vector<1x16xi32>,
        %and3A_285 = arith.constant 65535 : i32
        %and3A_286 = vector.broadcast %and3A_285 : i32 to vector<16xi32>
        %and3A_287 = arith.andi %get3A_276, %and3A_286 : vector<16xi32>
        %swap3A_288 = arith.index_cast %sub3A_272 : i32 to index
        %swap3A_289 = arith.constant 0 : index
        %swap3A_290 = tpu.vector_load %arg7[%swap3A_288, %swap3A_289] {strides = array<i32>} : memref<2x128xi32, #tpu.memory_space<vmem>>, vector<1x16xi32>,
        %swap3A_291 = vector.shape_cast %swap3A_290 : vector<1x16xi32> to vector<16xi32>
        %swap3A_292 = vector.shape_cast %and3A_287 : vector<16xi32> to vector<1x16xi32>
        tpu.vector_store %arg7[%swap3A_288, %swap3A_289], %swap3A_292 {strides = array<i32>} : memref<2x128xi32, #tpu.memory_space<vmem>>, vector<1x16xi32>,
        %get3A_293 = arith.index_cast %add3A_270 : i32 to index
        %get3A_294 = arith.constant 16 : index
        %get3A_295 = tpu.vector_load %arg5[%get3A_293, %get3A_294] {strides = array<i32>} : memref<101x128xi32, #tpu.memory_space<vmem>>, vector<1x16xi32>,
        %get3A_296 = vector.shape_cast %get3A_295 : vector<1x16xi32> to vector<16xi32>
        %shift_right_logical3A_297 = arith.constant 16 : i32
        %shift_right_logical3A_298 = vector.broadcast %shift_right_logical3A_297 : i32 to vector<16xi32>
        %shift_right_logical3A_299 = arith.shrui %get3A_296, %shift_right_logical3A_298 : vector<16xi32>
        %swap3A_300 = arith.index_cast %sub3A_272 : i32 to index
        %swap3A_301 = arith.constant 16 : index
        %swap3A_302 = tpu.vector_load %arg6[%swap3A_300, %swap3A_301] {strides = array<i32>} : memref<2x128xi32, #tpu.memory_space<vmem>>, vector<1x16xi32>,
        %swap3A_303 = vector.shape_cast %swap3A_302 : vector<1x16xi32> to vector<16xi32>
        %swap3A_304 = vector.shape_cast %shift_right_logical3A_299 : vector<16xi32> to vector<1x16xi32>
        tpu.vector_store %arg6[%swap3A_300, %swap3A_301], %swap3A_304 {strides = array<i32>} : memref<2x128xi32, #tpu.memory_space<vmem>>, vector<1x16xi32>,
        %and3A_305 = arith.constant 65535 : i32
        %and3A_306 = vector.broadcast %and3A_305 : i32 to vector<16xi32>
        %and3A_307 = arith.andi %get3A_296, %and3A_306 : vector<16xi32>
        %swap3A_308 = arith.index_cast %sub3A_272 : i32 to index
        %swap3A_309 = arith.constant 16 : index
        %swap3A_310 = tpu.vector_load %arg7[%swap3A_308, %swap3A_309] {strides = array<i32>} : memref<2x128xi32, #tpu.memory_space<vmem>>, vector<1x16xi32>,
        %swap3A_311 = vector.shape_cast %swap3A_310 : vector<1x16xi32> to vector<16xi32>
        %swap3A_312 = vector.shape_cast %and3A_307 : vector<16xi32> to vector<1x16xi32>
        tpu.vector_store %arg7[%swap3A_308, %swap3A_309], %swap3A_312 {strides = array<i32>} : memref<2x128xi32, #tpu.memory_space<vmem>>, vector<1x16xi32>,
        %get3A_313 = arith.index_cast %add3A_270 : i32 to index
        %get3A_314 = arith.constant 32 : index
        %get3A_315 = tpu.vector_load %arg5[%get3A_313, %get3A_314] {strides = array<i32>} : memref<101x128xi32, #tpu.memory_space<vmem>>, vector<1x16xi32>,
        %get3A_316 = vector.shape_cast %get3A_315 : vector<1x16xi32> to vector<16xi32>
        %shift_right_logical3A_317 = arith.constant 16 : i32
        %shift_right_logical3A_318 = vector.broadcast %shift_right_logical3A_317 : i32 to vector<16xi32>
        %shift_right_logical3A_319 = arith.shrui %get3A_316, %shift_right_logical3A_318 : vector<16xi32>
        %swap3A_320 = arith.index_cast %sub3A_272 : i32 to index
        %swap3A_321 = arith.constant 32 : index
        %swap3A_322 = tpu.vector_load %arg6[%swap3A_320, %swap3A_321] {strides = array<i32>} : memref<2x128xi32, #tpu.memory_space<vmem>>, vector<1x16xi32>,
        %swap3A_323 = vector.shape_cast %swap3A_322 : vector<1x16xi32> to vector<16xi32>
        %swap3A_324 = vector.shape_cast %shift_right_logical3A_319 : vector<16xi32> to vector<1x16xi32>
        tpu.vector_store %arg6[%swap3A_320, %swap3A_321], %swap3A_324 {strides = array<i32>} : memref<2x128xi32, #tpu.memory_space<vmem>>, vector<1x16xi32>,
        %and3A_325 = arith.constant 65535 : i32
        %and3A_326 = vector.broadcast %and3A_325 : i32 to vector<16xi32>
        %and3A_327 = arith.andi %get3A_316, %and3A_326 : vector<16xi32>
        %swap3A_328 = arith.index_cast %sub3A_272 : i32 to index
        %swap3A_329 = arith.constant 32 : index
        %swap3A_330 = tpu.vector_load %arg7[%swap3A_328, %swap3A_329] {strides = array<i32>} : memref<2x128xi32, #tpu.memory_space<vmem>>, vector<1x16xi32>,
        %swap3A_331 = vector.shape_cast %swap3A_330 : vector<1x16xi32> to vector<16xi32>
        %swap3A_332 = vector.shape_cast %and3A_327 : vector<16xi32> to vector<1x16xi32>
        tpu.vector_store %arg7[%swap3A_328, %swap3A_329], %swap3A_332 {strides = array<i32>} : memref<2x128xi32, #tpu.memory_space<vmem>>, vector<1x16xi32>,
        %get3A_333 = arith.index_cast %add3A_270 : i32 to index
        %get3A_334 = arith.constant 48 : index
        %get3A_335 = tpu.vector_load %arg5[%get3A_333, %get3A_334] {strides = array<i32>} : memref<101x128xi32, #tpu.memory_space<vmem>>, vector<1x16xi32>,
        %get3A_336 = vector.shape_cast %get3A_335 : vector<1x16xi32> to vector<16xi32>
        %shift_right_logical3A_337 = arith.constant 16 : i32
        %shift_right_logical3A_338 = vector.broadcast %shift_right_logical3A_337 : i32 to vector<16xi32>
        %shift_right_logical3A_339 = arith.shrui %get3A_336, %shift_right_logical3A_338 : vector<16xi32>
        %swap3A_340 = arith.index_cast %sub3A_272 : i32 to index
        %swap3A_341 = arith.constant 48 : index
        %swap3A_342 = tpu.vector_load %arg6[%swap3A_340, %swap3A_341] {strides = array<i32>} : memref<2x128xi32, #tpu.memory_space<vmem>>, vector<1x16xi32>,
        %swap3A_343 = vector.shape_cast %swap3A_342 : vector<1x16xi32> to vector<16xi32>
        %swap3A_344 = vector.shape_cast %shift_right_logical3A_339 : vector<16xi32> to vector<1x16xi32>
        tpu.vector_store %arg6[%swap3A_340, %swap3A_341], %swap3A_344 {strides = array<i32>} : memref<2x128xi32, #tpu.memory_space<vmem>>, vector<1x16xi32>,
        %and3A_345 = arith.constant 65535 : i32
        %and3A_346 = vector.broadcast %and3A_345 : i32 to vector<16xi32>
        %and3A_347 = arith.andi %get3A_336, %and3A_346 : vector<16xi32>
        %swap3A_348 = arith.index_cast %sub3A_272 : i32 to index
        %swap3A_349 = arith.constant 48 : index
        %swap3A_350 = tpu.vector_load %arg7[%swap3A_348, %swap3A_349] {strides = array<i32>} : memref<2x128xi32, #tpu.memory_space<vmem>>, vector<1x16xi32>,
        %swap3A_351 = vector.shape_cast %swap3A_350 : vector<1x16xi32> to vector<16xi32>
        %swap3A_352 = vector.shape_cast %and3A_347 : vector<16xi32> to vector<1x16xi32>
        tpu.vector_store %arg7[%swap3A_348, %swap3A_349], %swap3A_352 {strides = array<i32>} : memref<2x128xi32, #tpu.memory_space<vmem>>, vector<1x16xi32>,
        %get3A_353 = arith.index_cast %add3A_270 : i32 to index
        %get3A_354 = arith.constant 64 : index
        %get3A_355 = tpu.vector_load %arg5[%get3A_353, %get3A_354] {strides = array<i32>} : memref<101x128xi32, #tpu.memory_space<vmem>>, vector<1x16xi32>,
        %get3A_356 = vector.shape_cast %get3A_355 : vector<1x16xi32> to vector<16xi32>
        %shift_right_logical3A_357 = arith.constant 16 : i32
        %shift_right_logical3A_358 = vector.broadcast %shift_right_logical3A_357 : i32 to vector<16xi32>
        %shift_right_logical3A_359 = arith.shrui %get3A_356, %shift_right_logical3A_358 : vector<16xi32>
        %swap3A_360 = arith.index_cast %sub3A_272 : i32 to index
        %swap3A_361 = arith.constant 64 : index
        %swap3A_362 = tpu.vector_load %arg6[%swap3A_360, %swap3A_361] {strides = array<i32>} : memref<2x128xi32, #tpu.memory_space<vmem>>, vector<1x16xi32>,
        %swap3A_363 = vector.shape_cast %swap3A_362 : vector<1x16xi32> to vector<16xi32>
        %swap3A_364 = vector.shape_cast %shift_right_logical3A_359 : vector<16xi32> to vector<1x16xi32>
        tpu.vector_store %arg6[%swap3A_360, %swap3A_361], %swap3A_364 {strides = array<i32>} : memref<2x128xi32, #tpu.memory_space<vmem>>, vector<1x16xi32>,
        %and3A_365 = arith.constant 65535 : i32
        %and3A_366 = vector.broadcast %and3A_365 : i32 to vector<16xi32>
        %and3A_367 = arith.andi %get3A_356, %and3A_366 : vector<16xi32>
        %swap3A_368 = arith.index_cast %sub3A_272 : i32 to index
        %swap3A_369 = arith.constant 64 : index
        %swap3A_370 = tpu.vector_load %arg7[%swap3A_368, %swap3A_369] {strides = array<i32>} : memref<2x128xi32, #tpu.memory_space<vmem>>, vector<1x16xi32>,
        %swap3A_371 = vector.shape_cast %swap3A_370 : vector<1x16xi32> to vector<16xi32>
        %swap3A_372 = vector.shape_cast %and3A_367 : vector<16xi32> to vector<1x16xi32>
        tpu.vector_store %arg7[%swap3A_368, %swap3A_369], %swap3A_372 {strides = array<i32>} : memref<2x128xi32, #tpu.memory_space<vmem>>, vector<1x16xi32>,
        %get3A_373 = arith.index_cast %add3A_270 : i32 to index
        %get3A_374 = arith.constant 80 : index
        %get3A_375 = tpu.vector_load %arg5[%get3A_373, %get3A_374] {strides = array<i32>} : memref<101x128xi32, #tpu.memory_space<vmem>>, vector<1x16xi32>,
        %get3A_376 = vector.shape_cast %get3A_375 : vector<1x16xi32> to vector<16xi32>
        %shift_right_logical3A_377 = arith.constant 16 : i32
        %shift_right_logical3A_378 = vector.broadcast %shift_right_logical3A_377 : i32 to vector<16xi32>
        %shift_right_logical3A_379 = arith.shrui %get3A_376, %shift_right_logical3A_378 : vector<16xi32>
        %swap3A_380 = arith.index_cast %sub3A_272 : i32 to index
        %swap3A_381 = arith.constant 80 : index
        %swap3A_382 = tpu.vector_load %arg6[%swap3A_380, %swap3A_381] {strides = array<i32>} : memref<2x128xi32, #tpu.memory_space<vmem>>, vector<1x16xi32>,
        %swap3A_383 = vector.shape_cast %swap3A_382 : vector<1x16xi32> to vector<16xi32>
        %swap3A_384 = vector.shape_cast %shift_right_logical3A_379 : vector<16xi32> to vector<1x16xi32>
        tpu.vector_store %arg6[%swap3A_380, %swap3A_381], %swap3A_384 {strides = array<i32>} : memref<2x128xi32, #tpu.memory_space<vmem>>, vector<1x16xi32>,
        %and3A_385 = arith.constant 65535 : i32
        %and3A_386 = vector.broadcast %and3A_385 : i32 to vector<16xi32>
        %and3A_387 = arith.andi %get3A_376, %and3A_386 : vector<16xi32>
        %swap3A_388 = arith.index_cast %sub3A_272 : i32 to index
        %swap3A_389 = arith.constant 80 : index
        %swap3A_390 = tpu.vector_load %arg7[%swap3A_388, %swap3A_389] {strides = array<i32>} : memref<2x128xi32, #tpu.memory_space<vmem>>, vector<1x16xi32>,
        %swap3A_391 = vector.shape_cast %swap3A_390 : vector<1x16xi32> to vector<16xi32>
        %swap3A_392 = vector.shape_cast %and3A_387 : vector<16xi32> to vector<1x16xi32>
        tpu.vector_store %arg7[%swap3A_388, %swap3A_389], %swap3A_392 {strides = array<i32>} : memref<2x128xi32, #tpu.memory_space<vmem>>, vector<1x16xi32>,
        %get3A_393 = arith.index_cast %add3A_270 : i32 to index
        %get3A_394 = arith.constant 96 : index
        %get3A_395 = tpu.vector_load %arg5[%get3A_393, %get3A_394] {strides = array<i32>} : memref<101x128xi32, #tpu.memory_space<vmem>>, vector<1x16xi32>,
        %get3A_396 = vector.shape_cast %get3A_395 : vector<1x16xi32> to vector<16xi32>
        %shift_right_logical3A_397 = arith.constant 16 : i32
        %shift_right_logical3A_398 = vector.broadcast %shift_right_logical3A_397 : i32 to vector<16xi32>
        %shift_right_logical3A_399 = arith.shrui %get3A_396, %shift_right_logical3A_398 : vector<16xi32>
        %swap3A_400 = arith.index_cast %sub3A_272 : i32 to index
        %swap3A_401 = arith.constant 96 : index
        %swap3A_402 = tpu.vector_load %arg6[%swap3A_400, %swap3A_401] {strides = array<i32>} : memref<2x128xi32, #tpu.memory_space<vmem>>, vector<1x16xi32>,
        %swap3A_403 = vector.shape_cast %swap3A_402 : vector<1x16xi32> to vector<16xi32>
        %swap3A_404 = vector.shape_cast %shift_right_logical3A_399 : vector<16xi32> to vector<1x16xi32>
        tpu.vector_store %arg6[%swap3A_400, %swap3A_401], %swap3A_404 {strides = array<i32>} : memref<2x128xi32, #tpu.memory_space<vmem>>, vector<1x16xi32>,
        %and3A_405 = arith.constant 65535 : i32
        %and3A_406 = vector.broadcast %and3A_405 : i32 to vector<16xi32>
        %and3A_407 = arith.andi %get3A_396, %and3A_406 : vector<16xi32>
        %swap3A_408 = arith.index_cast %sub3A_272 : i32 to index
        %swap3A_409 = arith.constant 96 : index
        %swap3A_410 = tpu.vector_load %arg7[%swap3A_408, %swap3A_409] {strides = array<i32>} : memref<2x128xi32, #tpu.memory_space<vmem>>, vector<1x16xi32>,
        %swap3A_411 = vector.shape_cast %swap3A_410 : vector<1x16xi32> to vector<16xi32>
        %swap3A_412 = vector.shape_cast %and3A_407 : vector<16xi32> to vector<1x16xi32>
        tpu.vector_store %arg7[%swap3A_408, %swap3A_409], %swap3A_412 {strides = array<i32>} : memref<2x128xi32, #tpu.memory_space<vmem>>, vector<1x16xi32>,
        %get3A_413 = arith.index_cast %add3A_270 : i32 to index
        %get3A_414 = arith.constant 112 : index
        %get3A_415 = tpu.vector_load %arg5[%get3A_413, %get3A_414] {strides = array<i32>} : memref<101x128xi32, #tpu.memory_space<vmem>>, vector<1x16xi32>,
        %get3A_416 = vector.shape_cast %get3A_415 : vector<1x16xi32> to vector<16xi32>
        %shift_right_logical3A_417 = arith.constant 16 : i32
        %shift_right_logical3A_418 = vector.broadcast %shift_right_logical3A_417 : i32 to vector<16xi32>
        %shift_right_logical3A_419 = arith.shrui %get3A_416, %shift_right_logical3A_418 : vector<16xi32>
        %swap3A_420 = arith.index_cast %sub3A_272 : i32 to index
        %swap3A_421 = arith.constant 112 : index
        %swap3A_422 = tpu.vector_load %arg6[%swap3A_420, %swap3A_421] {strides = array<i32>} : memref<2x128xi32, #tpu.memory_space<vmem>>, vector<1x16xi32>,
        %swap3A_423 = vector.shape_cast %swap3A_422 : vector<1x16xi32> to vector<16xi32>
        %swap3A_424 = vector.shape_cast %shift_right_logical3A_419 : vector<16xi32> to vector<1x16xi32>
        tpu.vector_store %arg6[%swap3A_420, %swap3A_421], %swap3A_424 {strides = array<i32>} : memref<2x128xi32, #tpu.memory_space<vmem>>, vector<1x16xi32>,
        %and3A_425 = arith.constant 65535 : i32
        %and3A_426 = vector.broadcast %and3A_425 : i32 to vector<16xi32>
        %and3A_427 = arith.andi %get3A_416, %and3A_426 : vector<16xi32>
        %swap3A_428 = arith.index_cast %sub3A_272 : i32 to index
        %swap3A_429 = arith.constant 112 : index
        %swap3A_430 = tpu.vector_load %arg7[%swap3A_428, %swap3A_429] {strides = array<i32>} : memref<2x128xi32, #tpu.memory_space<vmem>>, vector<1x16xi32>,
        %swap3A_431 = vector.shape_cast %swap3A_430 : vector<1x16xi32> to vector<16xi32>
        %swap3A_432 = vector.shape_cast %and3A_427 : vector<16xi32> to vector<1x16xi32>
        tpu.vector_store %arg7[%swap3A_428, %swap3A_429], %swap3A_432 {strides = array<i32>} : memref<2x128xi32, #tpu.memory_space<vmem>>, vector<1x16xi32>,
        %sub3A_433 = arith.constant 1 : i32
        %sub3A_434 = arith.subi %sub3A_433, %rem3A_241 : i32
        %sub3A_435 = arith.constant 1 : i32
        %sub3A_436 = arith.subi %sub3A_435, %rem3A_241 : i32
        %dma_start3A_437 = arith.constant 0 : i32
        %dma_start3A_438 = arith.constant 0 : i32
        %dma_start3A_439 = tpu.memref_slice %arg8[%sub3A_436, %dma_start3A_437, %dma_start3A_438] : memref<2x128x128xf32, #tpu.memory_space<vmem>> -> memref<1x128x128xf32, #tpu.memory_space<vmem>>
        %dma_start3A_440 = tpu.memref_squeeze %dma_start3A_439 : memref<1x128x128xf32, #tpu.memory_space<vmem>> -> memref<128x128xf32, #tpu.memory_space<vmem>>
        %dma_start3A_441 = arith.constant 0 : i32
        %dma_start3A_442 = tpu.memref_slice %arg6[%sub3A_434, %dma_start3A_441] : memref<2x128xi32, #tpu.memory_space<vmem>> -> memref<1x128xi32, #tpu.memory_space<vmem>>
        %dma_start3A_443 = tpu.memref_squeeze %dma_start3A_442 : memref<1x128xi32, #tpu.memory_space<vmem>> -> memref<128xi32, #tpu.memory_space<vmem>>
        %dma_start3A_444 = arith.constant 0 : i32
        %dma_start3A_445 = arith.constant 0 : i32
        %dma_start3A_446 = tpu.memref_slice %arg2[%dma_start3A_444, %dma_start3A_445] : memref<10112x128xf32, #tpu.memory_space<hbm>> -> memref<10112x128xf32, #tpu.memory_space<hbm>>
        tpu.enqueue_indirect_dma source(%dma_start3A_446 : memref<10112x128xf32, #tpu.memory_space<hbm>>) target(%dma_start3A_440 : memref<128x128xf32, #tpu.memory_space<vmem>>) offsets(%dma_start3A_443 : memref<128xi32, #tpu.memory_space<vmem>>) semaphore(%arg10 : memref<!tpu.dma_semaphore, #tpu.memory_space<semaphore_mem>>)
      } else {
      }
      %dma_start3A_259 = arith.constant 0 : i32
      %dma_start3A_260 = arith.constant 0 : i32
      %dma_start3A_261 = tpu.memref_slice %arg8[%rem3A_241, %dma_start3A_259, %dma_start3A_260] : memref<2x128x128xf32, #tpu.memory_space<vmem>> -> memref<1x128x128xf32, #tpu.memory_space<vmem>>
      %dma_start3A_262 = tpu.memref_squeeze %dma_start3A_261 : memref<1x128x128xf32, #tpu.memory_space<vmem>> -> memref<128x128xf32, #tpu.memory_space<vmem>>
      %dma_start3A_263 = arith.constant 0 : i32
      %dma_start3A_264 = tpu.memref_slice %arg7[%rem3A_241, %dma_start3A_263] : memref<2x128xi32, #tpu.memory_space<vmem>> -> memref<1x128xi32, #tpu.memory_space<vmem>>
      %dma_start3A_265 = tpu.memref_squeeze %dma_start3A_264 : memref<1x128xi32, #tpu.memory_space<vmem>> -> memref<128xi32, #tpu.memory_space<vmem>>
      %dma_start3A_266 = arith.constant 0 : i32
      %dma_start3A_267 = arith.constant 0 : i32
      %dma_start3A_268 = tpu.memref_slice %arg9[%dma_start3A_266, %dma_start3A_267] : memref<10112x128xf32, #tpu.memory_space<vmem_shared>> -> memref<10112x128xf32, #tpu.memory_space<vmem_shared>>
      tpu.enqueue_indirect_dma source(%dma_start3A_262 : memref<128x128xf32, #tpu.memory_space<vmem>>) target(%dma_start3A_268 : memref<10112x128xf32, #tpu.memory_space<vmem_shared>>) offsets(%dma_start3A_265 : memref<128xi32, #tpu.memory_space<vmem>>) semaphore(%arg11 : memref<!tpu.dma_semaphore, #tpu.memory_space<semaphore_mem>>) {add = true}
    }
    %sub3A = arith.constant 1 : i32
    %sub3A_222 = arith.subi %select_n3A, %sub3A : i32
    %rem3A = arith.constant 2 : i32
    %rem3A_223 = arith.remsi %sub3A_222, %rem3A : i32
    %dma_wait3A_224 = arith.constant 0 : i32
    %dma_wait3A_225 = arith.constant 0 : i32
    %dma_wait3A_226 = tpu.memref_slice %arg8[%rem3A_223, %dma_wait3A_224, %dma_wait3A_225] : memref<2x128x128xf32, #tpu.memory_space<vmem>> -> memref<1x128x128xf32, #tpu.memory_space<vmem>>
    %dma_wait3A_227 = tpu.memref_squeeze %dma_wait3A_226 : memref<1x128x128xf32, #tpu.memory_space<vmem>> -> memref<128x128xf32, #tpu.memory_space<vmem>>
    %dma_wait3A_228 = arith.constant 0 : i32
    %dma_wait3A_229 = tpu.memref_slice %arg7[%rem3A_223, %dma_wait3A_228] : memref<2x128xi32, #tpu.memory_space<vmem>> -> memref<1x128xi32, #tpu.memory_space<vmem>>
    %dma_wait3A_230 = tpu.memref_squeeze %dma_wait3A_229 : memref<1x128xi32, #tpu.memory_space<vmem>> -> memref<128xi32, #tpu.memory_space<vmem>>
    %dma_wait3A_231 = arith.constant 0 : i32
    %dma_wait3A_232 = arith.constant 0 : i32
    %dma_wait3A_233 = tpu.memref_slice %arg9[%dma_wait3A_231, %dma_wait3A_232] : memref<10112x128xf32, #tpu.memory_space<vmem_shared>> -> memref<10112x128xf32, #tpu.memory_space<vmem_shared>>
    tpu.wait_indirect_dma semaphore(%arg11 : memref<!tpu.dma_semaphore, #tpu.memory_space<semaphore_mem>>) src(%dma_wait3A_227 : memref<128x128xf32, #tpu.memory_space<vmem>>) dst(%dma_wait3A_233 : memref<10112x128xf32, #tpu.memory_space<vmem_shared>>)
    %barrier3A_234 = arith.constant 0 : index
    tpu.barrier barrier_id(%barrier3A_234)
    %mul3A_235 = arith.constant 632 : i32
    %mul3A_236 = arith.muli %arg1, %mul3A_235 : i32
    %mul3A_237 = arith.constant 632 : i32
    %mul3A_238 = arith.muli %arg1, %mul3A_237 : i32
    "tpu.region"() ({
      %run_scoped3A = tpu.sem_alloc : memref<!tpu.dma_semaphore, #tpu.memory_space<semaphore_mem>>
      %dma_start3A_239 = arith.constant 0 : i32
      %dma_start3A_240 = tpu.memref_slice %arg4[%arg0, %mul3A_238, %dma_start3A_239] : memref<2x10112x128xf32, #tpu.memory_space<hbm>> -> memref<1x632x128xf32, #tpu.memory_space<hbm>>
      %dma_start3A_241 = tpu.memref_squeeze %dma_start3A_240 : memref<1x632x128xf32, #tpu.memory_space<hbm>> -> memref<632x128xf32, #tpu.memory_space<hbm>>
      %dma_start3A_242 = arith.constant 0 : i32
      %dma_start3A_243 = tpu.memref_slice %arg9[%mul3A_236, %dma_start3A_242] : memref<10112x128xf32, #tpu.memory_space<vmem_shared>> -> memref<632x128xf32, #tpu.memory_space<vmem_shared>>
      tpu.enqueue_dma source(%dma_start3A_243 : memref<632x128xf32, #tpu.memory_space<vmem_shared>>) target(%dma_start3A_241 : memref<632x128xf32, #tpu.memory_space<hbm>>) target_semaphore(%run_scoped3A : memref<!tpu.dma_semaphore, #tpu.memory_space<semaphore_mem>>)
      %dma_wait3A_244 = arith.constant 0 : i32
      %dma_wait3A_245 = tpu.memref_slice %arg4[%arg0, %mul3A_238, %dma_wait3A_244] : memref<2x10112x128xf32, #tpu.memory_space<hbm>> -> memref<1x632x128xf32, #tpu.memory_space<hbm>>
      %dma_wait3A_246 = tpu.memref_squeeze %dma_wait3A_245 : memref<1x632x128xf32, #tpu.memory_space<hbm>> -> memref<632x128xf32, #tpu.memory_space<hbm>>
      %dma_wait3A_247 = arith.constant 0 : i32
      %dma_wait3A_248 = tpu.memref_slice %arg9[%mul3A_236, %dma_wait3A_247] : memref<10112x128xf32, #tpu.memory_space<vmem_shared>> -> memref<632x128xf32, #tpu.memory_space<vmem_shared>>
      tpu.wait_dma2 semaphore(%run_scoped3A : memref<!tpu.dma_semaphore, #tpu.memory_space<semaphore_mem>>) src(%dma_wait3A_248 : memref<632x128xf32, #tpu.memory_space<vmem_shared>>) dst(%dma_wait3A_246 : memref<632x128xf32, #tpu.memory_space<hbm>>)
      tpu.yield
    }) : () -> ()
    return
  }
}

#map = affine_map<(d0, d1) -> (0, 0)>
#map1 = affine_map<(d0, d1) -> (0, 0, 0)>
module attributes {stable_mosaic.version = 14 : i64} {
  func.func @_sc_gather_body(%arg0: i32, %arg1: i32, %arg2: memref<10112x128xf32, #tpu.memory_space<hbm>>, %arg3: memref<32x2x128xi32, #tpu.memory_space<hbm>>, %arg4: memref<8192x128xf32, #tpu.memory_space<hbm>>, %arg5: memref<2x128xi32, #tpu.memory_space<vmem>>, %arg6: memref<256x128xf32, #tpu.memory_space<vmem>>, %arg7: memref<!tpu.dma_semaphore, #tpu.memory_space<semaphore_mem>>) attributes {dimension_semantics = [#tpu.dimension_semantics<core_parallel>, #tpu.dimension_semantics<subcore_parallel>], iteration_bounds = array<i64: 2, 16>, scalar_prefetch = 0 : i64, scratch_operands = 3 : i64, tpu.core_type = #tpu.core_type<sc_vector_subcore>, window_params = [{transform_indices = #map}, {transform_indices = #map1}, {transform_indices = #map}]} {
    %mul3A = arith.constant 16 : i32
    %mul3A_0 = arith.muli %arg0, %mul3A : i32
    %add3A = arith.addi %mul3A_0, %arg1 : i32
    %dma_start3A = arith.constant 0 : i32
    %dma_start3A_1 = arith.constant 0 : i32
    %dma_start3A_2 = tpu.memref_slice %arg3[%add3A, %dma_start3A, %dma_start3A_1] : memref<32x2x128xi32, #tpu.memory_space<hbm>> -> memref<1x2x128xi32, #tpu.memory_space<hbm>>
    %dma_start3A_3 = tpu.memref_squeeze %dma_start3A_2 : memref<1x2x128xi32, #tpu.memory_space<hbm>> -> memref<2x128xi32, #tpu.memory_space<hbm>>
    %dma_start3A_4 = arith.constant 0 : i32
    %dma_start3A_5 = arith.constant 0 : i32
    %dma_start3A_6 = tpu.memref_slice %arg3[%add3A, %dma_start3A_4, %dma_start3A_5] : memref<32x2x128xi32, #tpu.memory_space<hbm>> -> memref<1x2x128xi32, #tpu.memory_space<hbm>>
    %dma_start3A_7 = tpu.memref_squeeze %dma_start3A_6 : memref<1x2x128xi32, #tpu.memory_space<hbm>> -> memref<2x128xi32, #tpu.memory_space<hbm>>
    tpu.enqueue_dma source(%dma_start3A_7 : memref<2x128xi32, #tpu.memory_space<hbm>>) target(%arg5 : memref<2x128xi32, #tpu.memory_space<vmem>>) target_semaphore(%arg7 : memref<!tpu.dma_semaphore, #tpu.memory_space<semaphore_mem>>)
    %dma_wait3A = arith.constant 0 : i32
    %dma_wait3A_8 = arith.constant 0 : i32
    %dma_wait3A_9 = tpu.memref_slice %arg3[%add3A, %dma_wait3A, %dma_wait3A_8] : memref<32x2x128xi32, #tpu.memory_space<hbm>> -> memref<1x2x128xi32, #tpu.memory_space<hbm>>
    %dma_wait3A_10 = tpu.memref_squeeze %dma_wait3A_9 : memref<1x2x128xi32, #tpu.memory_space<hbm>> -> memref<2x128xi32, #tpu.memory_space<hbm>>
    %dma_wait3A_11 = arith.constant 0 : i32
    %dma_wait3A_12 = arith.constant 0 : i32
    %dma_wait3A_13 = tpu.memref_slice %arg3[%add3A, %dma_wait3A_11, %dma_wait3A_12] : memref<32x2x128xi32, #tpu.memory_space<hbm>> -> memref<1x2x128xi32, #tpu.memory_space<hbm>>
    %dma_wait3A_14 = tpu.memref_squeeze %dma_wait3A_13 : memref<1x2x128xi32, #tpu.memory_space<hbm>> -> memref<2x128xi32, #tpu.memory_space<hbm>>
    tpu.wait_dma2 semaphore(%arg7 : memref<!tpu.dma_semaphore, #tpu.memory_space<semaphore_mem>>) src(%dma_wait3A_14 : memref<2x128xi32, #tpu.memory_space<hbm>>) dst(%arg5 : memref<2x128xi32, #tpu.memory_space<vmem>>)
    %dma_start3A_15 = arith.constant 0 : i32
    %dma_start3A_16 = arith.constant 0 : i32
    %dma_start3A_17 = arith.constant 0 : i32
    %dma_start3A_18 = tpu.memref_slice %arg6[%dma_start3A_16, %dma_start3A_17] : memref<256x128xf32, #tpu.memory_space<vmem>> -> memref<128x128xf32, #tpu.memory_space<vmem>>
    %dma_start3A_19 = arith.constant 0 : i32
    %dma_start3A_20 = tpu.memref_slice %arg5[%dma_start3A_15, %dma_start3A_19] : memref<2x128xi32, #tpu.memory_space<vmem>> -> memref<1x128xi32, #tpu.memory_space<vmem>>
    %dma_start3A_21 = tpu.memref_squeeze %dma_start3A_20 : memref<1x128xi32, #tpu.memory_space<vmem>> -> memref<128xi32, #tpu.memory_space<vmem>>
    %dma_start3A_22 = arith.constant 0 : i32
    %dma_start3A_23 = arith.constant 0 : i32
    %dma_start3A_24 = tpu.memref_slice %arg2[%dma_start3A_22, %dma_start3A_23] : memref<10112x128xf32, #tpu.memory_space<hbm>> -> memref<10112x128xf32, #tpu.memory_space<hbm>>
    tpu.enqueue_indirect_dma source(%dma_start3A_24 : memref<10112x128xf32, #tpu.memory_space<hbm>>) target(%dma_start3A_18 : memref<128x128xf32, #tpu.memory_space<vmem>>) offsets(%dma_start3A_21 : memref<128xi32, #tpu.memory_space<vmem>>) semaphore(%arg7 : memref<!tpu.dma_semaphore, #tpu.memory_space<semaphore_mem>>)
    %dma_wait3A_25 = arith.constant 0 : i32
    %dma_wait3A_26 = arith.constant 0 : i32
    %dma_wait3A_27 = arith.constant 0 : i32
    %dma_wait3A_28 = tpu.memref_slice %arg6[%dma_wait3A_26, %dma_wait3A_27] : memref<256x128xf32, #tpu.memory_space<vmem>> -> memref<128x128xf32, #tpu.memory_space<vmem>>
    %dma_wait3A_29 = arith.constant 0 : i32
    %dma_wait3A_30 = tpu.memref_slice %arg5[%dma_wait3A_25, %dma_wait3A_29] : memref<2x128xi32, #tpu.memory_space<vmem>> -> memref<1x128xi32, #tpu.memory_space<vmem>>
    %dma_wait3A_31 = tpu.memref_squeeze %dma_wait3A_30 : memref<1x128xi32, #tpu.memory_space<vmem>> -> memref<128xi32, #tpu.memory_space<vmem>>
    %dma_wait3A_32 = arith.constant 0 : i32
    %dma_wait3A_33 = arith.constant 0 : i32
    %dma_wait3A_34 = tpu.memref_slice %arg2[%dma_wait3A_32, %dma_wait3A_33] : memref<10112x128xf32, #tpu.memory_space<hbm>> -> memref<10112x128xf32, #tpu.memory_space<hbm>>
    tpu.wait_indirect_dma semaphore(%arg7 : memref<!tpu.dma_semaphore, #tpu.memory_space<semaphore_mem>>) src(%dma_wait3A_34 : memref<10112x128xf32, #tpu.memory_space<hbm>>) dst(%dma_wait3A_28 : memref<128x128xf32, #tpu.memory_space<vmem>>)
    %dma_start3A_35 = arith.constant 1 : i32
    %dma_start3A_36 = arith.constant 128 : i32
    %dma_start3A_37 = arith.constant 0 : i32
    %dma_start3A_38 = tpu.memref_slice %arg6[%dma_start3A_36, %dma_start3A_37] : memref<256x128xf32, #tpu.memory_space<vmem>> -> memref<128x128xf32, #tpu.memory_space<vmem>>
    %dma_start3A_39 = arith.constant 0 : i32
    %dma_start3A_40 = tpu.memref_slice %arg5[%dma_start3A_35, %dma_start3A_39] : memref<2x128xi32, #tpu.memory_space<vmem>> -> memref<1x128xi32, #tpu.memory_space<vmem>>
    %dma_start3A_41 = tpu.memref_squeeze %dma_start3A_40 : memref<1x128xi32, #tpu.memory_space<vmem>> -> memref<128xi32, #tpu.memory_space<vmem>>
    %dma_start3A_42 = arith.constant 0 : i32
    %dma_start3A_43 = arith.constant 0 : i32
    %dma_start3A_44 = tpu.memref_slice %arg2[%dma_start3A_42, %dma_start3A_43] : memref<10112x128xf32, #tpu.memory_space<hbm>> -> memref<10112x128xf32, #tpu.memory_space<hbm>>
    tpu.enqueue_indirect_dma source(%dma_start3A_44 : memref<10112x128xf32, #tpu.memory_space<hbm>>) target(%dma_start3A_38 : memref<128x128xf32, #tpu.memory_space<vmem>>) offsets(%dma_start3A_41 : memref<128xi32, #tpu.memory_space<vmem>>) semaphore(%arg7 : memref<!tpu.dma_semaphore, #tpu.memory_space<semaphore_mem>>)
    %dma_wait3A_45 = arith.constant 1 : i32
    %dma_wait3A_46 = arith.constant 128 : i32
    %dma_wait3A_47 = arith.constant 0 : i32
    %dma_wait3A_48 = tpu.memref_slice %arg6[%dma_wait3A_46, %dma_wait3A_47] : memref<256x128xf32, #tpu.memory_space<vmem>> -> memref<128x128xf32, #tpu.memory_space<vmem>>
    %dma_wait3A_49 = arith.constant 0 : i32
    %dma_wait3A_50 = tpu.memref_slice %arg5[%dma_wait3A_45, %dma_wait3A_49] : memref<2x128xi32, #tpu.memory_space<vmem>> -> memref<1x128xi32, #tpu.memory_space<vmem>>
    %dma_wait3A_51 = tpu.memref_squeeze %dma_wait3A_50 : memref<1x128xi32, #tpu.memory_space<vmem>> -> memref<128xi32, #tpu.memory_space<vmem>>
    %dma_wait3A_52 = arith.constant 0 : i32
    %dma_wait3A_53 = arith.constant 0 : i32
    %dma_wait3A_54 = tpu.memref_slice %arg2[%dma_wait3A_52, %dma_wait3A_53] : memref<10112x128xf32, #tpu.memory_space<hbm>> -> memref<10112x128xf32, #tpu.memory_space<hbm>>
    tpu.wait_indirect_dma semaphore(%arg7 : memref<!tpu.dma_semaphore, #tpu.memory_space<semaphore_mem>>) src(%dma_wait3A_54 : memref<10112x128xf32, #tpu.memory_space<hbm>>) dst(%dma_wait3A_48 : memref<128x128xf32, #tpu.memory_space<vmem>>)
    %mul3A_55 = arith.constant 256 : i32
    %mul3A_56 = arith.muli %add3A, %mul3A_55 : i32
    "tpu.region"() ({
      %run_scoped3A = tpu.sem_alloc : memref<!tpu.dma_semaphore, #tpu.memory_space<semaphore_mem>>
      %dma_start3A_57 = arith.constant 0 : i32
      %dma_start3A_58 = tpu.memref_slice %arg4[%mul3A_56, %dma_start3A_57] : memref<8192x128xf32, #tpu.memory_space<hbm>> -> memref<256x128xf32, #tpu.memory_space<hbm>>
      %dma_start3A_59 = arith.constant 0 : i32
      %dma_start3A_60 = tpu.memref_slice %arg4[%mul3A_56, %dma_start3A_59] : memref<8192x128xf32, #tpu.memory_space<hbm>> -> memref<256x128xf32, #tpu.memory_space<hbm>>
      tpu.enqueue_dma source(%arg6 : memref<256x128xf32, #tpu.memory_space<vmem>>) target(%dma_start3A_60 : memref<256x128xf32, #tpu.memory_space<hbm>>) target_semaphore(%run_scoped3A : memref<!tpu.dma_semaphore, #tpu.memory_space<semaphore_mem>>)
      %dma_wait3A_61 = arith.constant 0 : i32
      %dma_wait3A_62 = tpu.memref_slice %arg4[%mul3A_56, %dma_wait3A_61] : memref<8192x128xf32, #tpu.memory_space<hbm>> -> memref<256x128xf32, #tpu.memory_space<hbm>>
      %dma_wait3A_63 = arith.constant 0 : i32
      %dma_wait3A_64 = tpu.memref_slice %arg4[%mul3A_56, %dma_wait3A_63] : memref<8192x128xf32, #tpu.memory_space<hbm>> -> memref<256x128xf32, #tpu.memory_space<hbm>>
      tpu.wait_dma2 semaphore(%run_scoped3A : memref<!tpu.dma_semaphore, #tpu.memory_space<semaphore_mem>>) src(%arg6 : memref<256x128xf32, #tpu.memory_space<vmem>>) dst(%dma_wait3A_64 : memref<256x128xf32, #tpu.memory_space<hbm>>)
      tpu.yield
    }) : () -> ()
    return
  }
}

#map = affine_map<(d0, d1) -> (0, 0)>
#map1 = affine_map<(d0, d1) -> (0, 0, 0)>
module attributes {stable_mosaic.version = 14 : i64} {
  func.func @_sc_prop_body(%arg0: i32, %arg1: i32, %arg2: memref<10112x128xf32, #tpu.memory_space<hbm>>, %arg3: memref<32x101x128xi32, #tpu.memory_space<hbm>>, %arg4: memref<2x10112x128xf32, #tpu.memory_space<hbm>>, %arg5: memref<101x128xi32, #tpu.memory_space<vmem>>, %arg6: memref<2x128xi32, #tpu.memory_space<vmem>>, %arg7: memref<2x128xi32, #tpu.memory_space<vmem>>, %arg8: memref<2x128x128xf32, #tpu.memory_space<vmem>>, %arg9: memref<10112x128xf32, #tpu.memory_space<vmem_shared>>, %arg10: memref<!tpu.dma_semaphore, #tpu.memory_space<semaphore_mem>>, %arg11: memref<!tpu.dma_semaphore, #tpu.memory_space<semaphore_mem>>) attributes {dimension_semantics = [#tpu.dimension_semantics<core_parallel>, #tpu.dimension_semantics<subcore_parallel>], iteration_bounds = array<i64: 2, 16>, scalar_prefetch = 0 : i64, scratch_operands = 7 : i64, tpu.core_type = #tpu.core_type<sc_vector_subcore>, window_params = [{transform_indices = #map}, {transform_indices = #map1}, {transform_indices = #map1}]} {
    %mul3A = arith.constant 16 : i32
    %mul3A_0 = arith.muli %arg0, %mul3A : i32
    %add3A = arith.addi %mul3A_0, %arg1 : i32
    %mul3A_1 = arith.constant 632 : i32
    %mul3A_2 = arith.muli %arg1, %mul3A_1 : i32
    %mul3A_3 = arith.constant 632 : i32
    %mul3A_4 = arith.muli %arg1, %mul3A_3 : i32
    "tpu.region"() ({
      %run_scoped3A = tpu.sem_alloc : memref<!tpu.dma_semaphore, #tpu.memory_space<semaphore_mem>>
      %dma_start3A_239 = arith.constant 0 : i32
      %dma_start3A_240 = tpu.memref_slice %arg9[%mul3A_4, %dma_start3A_239] : memref<10112x128xf32, #tpu.memory_space<vmem_shared>> -> memref<632x128xf32, #tpu.memory_space<vmem_shared>>
      %dma_start3A_241 = arith.constant 0 : i32
      %dma_start3A_242 = tpu.memref_slice %arg2[%mul3A_2, %dma_start3A_241] : memref<10112x128xf32, #tpu.memory_space<hbm>> -> memref<632x128xf32, #tpu.memory_space<hbm>>
      tpu.enqueue_dma source(%dma_start3A_242 : memref<632x128xf32, #tpu.memory_space<hbm>>) target(%dma_start3A_240 : memref<632x128xf32, #tpu.memory_space<vmem_shared>>) target_semaphore(%run_scoped3A : memref<!tpu.dma_semaphore, #tpu.memory_space<semaphore_mem>>)
      %dma_wait3A_243 = arith.constant 0 : i32
      %dma_wait3A_244 = tpu.memref_slice %arg9[%mul3A_4, %dma_wait3A_243] : memref<10112x128xf32, #tpu.memory_space<vmem_shared>> -> memref<632x128xf32, #tpu.memory_space<vmem_shared>>
      %dma_wait3A_245 = arith.constant 0 : i32
      %dma_wait3A_246 = tpu.memref_slice %arg2[%mul3A_2, %dma_wait3A_245] : memref<10112x128xf32, #tpu.memory_space<hbm>> -> memref<632x128xf32, #tpu.memory_space<hbm>>
      tpu.wait_dma2 semaphore(%run_scoped3A : memref<!tpu.dma_semaphore, #tpu.memory_space<semaphore_mem>>) src(%dma_wait3A_246 : memref<632x128xf32, #tpu.memory_space<hbm>>) dst(%dma_wait3A_244 : memref<632x128xf32, #tpu.memory_space<vmem_shared>>)
      tpu.yield
    }) : () -> ()
    %dma_start3A = arith.constant 0 : i32
    %dma_start3A_5 = arith.constant 0 : i32
    %dma_start3A_6 = tpu.memref_slice %arg3[%add3A, %dma_start3A, %dma_start3A_5] : memref<32x101x128xi32, #tpu.memory_space<hbm>> -> memref<1x101x128xi32, #tpu.memory_space<hbm>>
    %dma_start3A_7 = tpu.memref_squeeze %dma_start3A_6 : memref<1x101x128xi32, #tpu.memory_space<hbm>> -> memref<101x128xi32, #tpu.memory_space<hbm>>
    %dma_start3A_8 = arith.constant 0 : i32
    %dma_start3A_9 = arith.constant 0 : i32
    %dma_start3A_10 = tpu.memref_slice %arg3[%add3A, %dma_start3A_8, %dma_start3A_9] : memref<32x101x128xi32, #tpu.memory_space<hbm>> -> memref<1x101x128xi32, #tpu.memory_space<hbm>>
    %dma_start3A_11 = tpu.memref_squeeze %dma_start3A_10 : memref<1x101x128xi32, #tpu.memory_space<hbm>> -> memref<101x128xi32, #tpu.memory_space<hbm>>
    tpu.enqueue_dma source(%dma_start3A_11 : memref<101x128xi32, #tpu.memory_space<hbm>>) target(%arg5 : memref<101x128xi32, #tpu.memory_space<vmem>>) target_semaphore(%arg10 : memref<!tpu.dma_semaphore, #tpu.memory_space<semaphore_mem>>)
    %dma_wait3A = arith.constant 0 : i32
    %dma_wait3A_12 = arith.constant 0 : i32
    %dma_wait3A_13 = tpu.memref_slice %arg3[%add3A, %dma_wait3A, %dma_wait3A_12] : memref<32x101x128xi32, #tpu.memory_space<hbm>> -> memref<1x101x128xi32, #tpu.memory_space<hbm>>
    %dma_wait3A_14 = tpu.memref_squeeze %dma_wait3A_13 : memref<1x101x128xi32, #tpu.memory_space<hbm>> -> memref<101x128xi32, #tpu.memory_space<hbm>>
    %dma_wait3A_15 = arith.constant 0 : i32
    %dma_wait3A_16 = arith.constant 0 : i32
    %dma_wait3A_17 = tpu.memref_slice %arg3[%add3A, %dma_wait3A_15, %dma_wait3A_16] : memref<32x101x128xi32, #tpu.memory_space<hbm>> -> memref<1x101x128xi32, #tpu.memory_space<hbm>>
    %dma_wait3A_18 = tpu.memref_squeeze %dma_wait3A_17 : memref<1x101x128xi32, #tpu.memory_space<hbm>> -> memref<101x128xi32, #tpu.memory_space<hbm>>
    tpu.wait_dma2 semaphore(%arg10 : memref<!tpu.dma_semaphore, #tpu.memory_space<semaphore_mem>>) src(%dma_wait3A_18 : memref<101x128xi32, #tpu.memory_space<hbm>>) dst(%arg5 : memref<101x128xi32, #tpu.memory_space<vmem>>)
    %barrier3A = arith.constant 0 : index
    tpu.barrier barrier_id(%barrier3A)
    %eq3A = arith.constant 0 : i32
    %eq3A_19 = arith.cmpi eq, %arg0, %eq3A : i32
    %jit3A = arith.constant 101 : i32
    %jit3A_20 = arith.constant 56 : i32
    %select_n3A = arith.select %eq3A_19, %jit3A, %jit3A_20 : i32
    %get3A = arith.constant 0 : i32
    %get3A_21 = arith.index_cast %get3A : i32 to index
    %get3A_22 = arith.constant 0 : index
    %get3A_23 = tpu.vector_load %arg5[%get3A_21, %get3A_22] {strides = array<i32>} : memref<101x128xi32, #tpu.memory_space<vmem>>, vector<1x16xi32>,
    %get3A_24 = vector.shape_cast %get3A_23 : vector<1x16xi32> to vector<16xi32>
    %shift_right_logical3A = arith.constant 16 : i32
    %shift_right_logical3A_25 = vector.broadcast %shift_right_logical3A : i32 to vector<16xi32>
    %shift_right_logical3A_26 = arith.shrui %get3A_24, %shift_right_logical3A_25 : vector<16xi32>
    %swap3A = arith.constant 0 : i32
    %swap3A_27 = arith.index_cast %swap3A : i32 to index
    %swap3A_28 = arith.constant 0 : index
    %swap3A_29 = tpu.vector_load %arg6[%swap3A_27, %swap3A_28] {strides = array<i32>} : memref<2x128xi32, #tpu.memory_space<vmem>>, vector<1x16xi32>,
    %swap3A_30 = vector.shape_cast %swap3A_29 : vector<1x16xi32> to vector<16xi32>
    %swap3A_31 = vector.shape_cast %shift_right_logical3A_26 : vector<16xi32> to vector<1x16xi32>
    tpu.vector_store %arg6[%swap3A_27, %swap3A_28], %swap3A_31 {strides = array<i32>} : memref<2x128xi32, #tpu.memory_space<vmem>>, vector<1x16xi32>,
    %and3A = arith.constant 65535 : i32
    %and3A_32 = vector.broadcast %and3A : i32 to vector<16xi32>
    %and3A_33 = arith.andi %get3A_24, %and3A_32 : vector<16xi32>
    %swap3A_34 = arith.constant 0 : i32
    %swap3A_35 = arith.index_cast %swap3A_34 : i32 to index
    %swap3A_36 = arith.constant 0 : index
    %swap3A_37 = tpu.vector_load %arg7[%swap3A_35, %swap3A_36] {strides = array<i32>} : memref<2x128xi32, #tpu.memory_space<vmem>>, vector<1x16xi32>,
    %swap3A_38 = vector.shape_cast %swap3A_37 : vector<1x16xi32> to vector<16xi32>
    %swap3A_39 = vector.shape_cast %and3A_33 : vector<16xi32> to vector<1x16xi32>
    tpu.vector_store %arg7[%swap3A_35, %swap3A_36], %swap3A_39 {strides = array<i32>} : memref<2x128xi32, #tpu.memory_space<vmem>>, vector<1x16xi32>,
    %get3A_40 = arith.constant 0 : i32
    %get3A_41 = arith.index_cast %get3A_40 : i32 to index
    %get3A_42 = arith.constant 16 : index
    %get3A_43 = tpu.vector_load %arg5[%get3A_41, %get3A_42] {strides = array<i32>} : memref<101x128xi32, #tpu.memory_space<vmem>>, vector<1x16xi32>,
    %get3A_44 = vector.shape_cast %get3A_43 : vector<1x16xi32> to vector<16xi32>
    %shift_right_logical3A_45 = arith.constant 16 : i32
    %shift_right_logical3A_46 = vector.broadcast %shift_right_logical3A_45 : i32 to vector<16xi32>
    %shift_right_logical3A_47 = arith.shrui %get3A_44, %shift_right_logical3A_46 : vector<16xi32>
    %swap3A_48 = arith.constant 0 : i32
    %swap3A_49 = arith.index_cast %swap3A_48 : i32 to index
    %swap3A_50 = arith.constant 16 : index
    %swap3A_51 = tpu.vector_load %arg6[%swap3A_49, %swap3A_50] {strides = array<i32>} : memref<2x128xi32, #tpu.memory_space<vmem>>, vector<1x16xi32>,
    %swap3A_52 = vector.shape_cast %swap3A_51 : vector<1x16xi32> to vector<16xi32>
    %swap3A_53 = vector.shape_cast %shift_right_logical3A_47 : vector<16xi32> to vector<1x16xi32>
    tpu.vector_store %arg6[%swap3A_49, %swap3A_50], %swap3A_53 {strides = array<i32>} : memref<2x128xi32, #tpu.memory_space<vmem>>, vector<1x16xi32>,
    %and3A_54 = arith.constant 65535 : i32
    %and3A_55 = vector.broadcast %and3A_54 : i32 to vector<16xi32>
    %and3A_56 = arith.andi %get3A_44, %and3A_55 : vector<16xi32>
    %swap3A_57 = arith.constant 0 : i32
    %swap3A_58 = arith.index_cast %swap3A_57 : i32 to index
    %swap3A_59 = arith.constant 16 : index
    %swap3A_60 = tpu.vector_load %arg7[%swap3A_58, %swap3A_59] {strides = array<i32>} : memref<2x128xi32, #tpu.memory_space<vmem>>, vector<1x16xi32>,
    %swap3A_61 = vector.shape_cast %swap3A_60 : vector<1x16xi32> to vector<16xi32>
    %swap3A_62 = vector.shape_cast %and3A_56 : vector<16xi32> to vector<1x16xi32>
    tpu.vector_store %arg7[%swap3A_58, %swap3A_59], %swap3A_62 {strides = array<i32>} : memref<2x128xi32, #tpu.memory_space<vmem>>, vector<1x16xi32>,
    %get3A_63 = arith.constant 0 : i32
    %get3A_64 = arith.index_cast %get3A_63 : i32 to index
    %get3A_65 = arith.constant 32 : index
    %get3A_66 = tpu.vector_load %arg5[%get3A_64, %get3A_65] {strides = array<i32>} : memref<101x128xi32, #tpu.memory_space<vmem>>, vector<1x16xi32>,
    %get3A_67 = vector.shape_cast %get3A_66 : vector<1x16xi32> to vector<16xi32>
    %shift_right_logical3A_68 = arith.constant 16 : i32
    %shift_right_logical3A_69 = vector.broadcast %shift_right_logical3A_68 : i32 to vector<16xi32>
    %shift_right_logical3A_70 = arith.shrui %get3A_67, %shift_right_logical3A_69 : vector<16xi32>
    %swap3A_71 = arith.constant 0 : i32
    %swap3A_72 = arith.index_cast %swap3A_71 : i32 to index
    %swap3A_73 = arith.constant 32 : index
    %swap3A_74 = tpu.vector_load %arg6[%swap3A_72, %swap3A_73] {strides = array<i32>} : memref<2x128xi32, #tpu.memory_space<vmem>>, vector<1x16xi32>,
    %swap3A_75 = vector.shape_cast %swap3A_74 : vector<1x16xi32> to vector<16xi32>
    %swap3A_76 = vector.shape_cast %shift_right_logical3A_70 : vector<16xi32> to vector<1x16xi32>
    tpu.vector_store %arg6[%swap3A_72, %swap3A_73], %swap3A_76 {strides = array<i32>} : memref<2x128xi32, #tpu.memory_space<vmem>>, vector<1x16xi32>,
    %and3A_77 = arith.constant 65535 : i32
    %and3A_78 = vector.broadcast %and3A_77 : i32 to vector<16xi32>
    %and3A_79 = arith.andi %get3A_67, %and3A_78 : vector<16xi32>
    %swap3A_80 = arith.constant 0 : i32
    %swap3A_81 = arith.index_cast %swap3A_80 : i32 to index
    %swap3A_82 = arith.constant 32 : index
    %swap3A_83 = tpu.vector_load %arg7[%swap3A_81, %swap3A_82] {strides = array<i32>} : memref<2x128xi32, #tpu.memory_space<vmem>>, vector<1x16xi32>,
    %swap3A_84 = vector.shape_cast %swap3A_83 : vector<1x16xi32> to vector<16xi32>
    %swap3A_85 = vector.shape_cast %and3A_79 : vector<16xi32> to vector<1x16xi32>
    tpu.vector_store %arg7[%swap3A_81, %swap3A_82], %swap3A_85 {strides = array<i32>} : memref<2x128xi32, #tpu.memory_space<vmem>>, vector<1x16xi32>,
    %get3A_86 = arith.constant 0 : i32
    %get3A_87 = arith.index_cast %get3A_86 : i32 to index
    %get3A_88 = arith.constant 48 : index
    %get3A_89 = tpu.vector_load %arg5[%get3A_87, %get3A_88] {strides = array<i32>} : memref<101x128xi32, #tpu.memory_space<vmem>>, vector<1x16xi32>,
    %get3A_90 = vector.shape_cast %get3A_89 : vector<1x16xi32> to vector<16xi32>
    %shift_right_logical3A_91 = arith.constant 16 : i32
    %shift_right_logical3A_92 = vector.broadcast %shift_right_logical3A_91 : i32 to vector<16xi32>
    %shift_right_logical3A_93 = arith.shrui %get3A_90, %shift_right_logical3A_92 : vector<16xi32>
    %swap3A_94 = arith.constant 0 : i32
    %swap3A_95 = arith.index_cast %swap3A_94 : i32 to index
    %swap3A_96 = arith.constant 48 : index
    %swap3A_97 = tpu.vector_load %arg6[%swap3A_95, %swap3A_96] {strides = array<i32>} : memref<2x128xi32, #tpu.memory_space<vmem>>, vector<1x16xi32>,
    %swap3A_98 = vector.shape_cast %swap3A_97 : vector<1x16xi32> to vector<16xi32>
    %swap3A_99 = vector.shape_cast %shift_right_logical3A_93 : vector<16xi32> to vector<1x16xi32>
    tpu.vector_store %arg6[%swap3A_95, %swap3A_96], %swap3A_99 {strides = array<i32>} : memref<2x128xi32, #tpu.memory_space<vmem>>, vector<1x16xi32>,
    %and3A_100 = arith.constant 65535 : i32
    %and3A_101 = vector.broadcast %and3A_100 : i32 to vector<16xi32>
    %and3A_102 = arith.andi %get3A_90, %and3A_101 : vector<16xi32>
    %swap3A_103 = arith.constant 0 : i32
    %swap3A_104 = arith.index_cast %swap3A_103 : i32 to index
    %swap3A_105 = arith.constant 48 : index
    %swap3A_106 = tpu.vector_load %arg7[%swap3A_104, %swap3A_105] {strides = array<i32>} : memref<2x128xi32, #tpu.memory_space<vmem>>, vector<1x16xi32>,
    %swap3A_107 = vector.shape_cast %swap3A_106 : vector<1x16xi32> to vector<16xi32>
    %swap3A_108 = vector.shape_cast %and3A_102 : vector<16xi32> to vector<1x16xi32>
    tpu.vector_store %arg7[%swap3A_104, %swap3A_105], %swap3A_108 {strides = array<i32>} : memref<2x128xi32, #tpu.memory_space<vmem>>, vector<1x16xi32>,
    %get3A_109 = arith.constant 0 : i32
    %get3A_110 = arith.index_cast %get3A_109 : i32 to index
    %get3A_111 = arith.constant 64 : index
    %get3A_112 = tpu.vector_load %arg5[%get3A_110, %get3A_111] {strides = array<i32>} : memref<101x128xi32, #tpu.memory_space<vmem>>, vector<1x16xi32>,
    %get3A_113 = vector.shape_cast %get3A_112 : vector<1x16xi32> to vector<16xi32>
    %shift_right_logical3A_114 = arith.constant 16 : i32
    %shift_right_logical3A_115 = vector.broadcast %shift_right_logical3A_114 : i32 to vector<16xi32>
    %shift_right_logical3A_116 = arith.shrui %get3A_113, %shift_right_logical3A_115 : vector<16xi32>
    %swap3A_117 = arith.constant 0 : i32
    %swap3A_118 = arith.index_cast %swap3A_117 : i32 to index
    %swap3A_119 = arith.constant 64 : index
    %swap3A_120 = tpu.vector_load %arg6[%swap3A_118, %swap3A_119] {strides = array<i32>} : memref<2x128xi32, #tpu.memory_space<vmem>>, vector<1x16xi32>,
    %swap3A_121 = vector.shape_cast %swap3A_120 : vector<1x16xi32> to vector<16xi32>
    %swap3A_122 = vector.shape_cast %shift_right_logical3A_116 : vector<16xi32> to vector<1x16xi32>
    tpu.vector_store %arg6[%swap3A_118, %swap3A_119], %swap3A_122 {strides = array<i32>} : memref<2x128xi32, #tpu.memory_space<vmem>>, vector<1x16xi32>,
    %and3A_123 = arith.constant 65535 : i32
    %and3A_124 = vector.broadcast %and3A_123 : i32 to vector<16xi32>
    %and3A_125 = arith.andi %get3A_113, %and3A_124 : vector<16xi32>
    %swap3A_126 = arith.constant 0 : i32
    %swap3A_127 = arith.index_cast %swap3A_126 : i32 to index
    %swap3A_128 = arith.constant 64 : index
    %swap3A_129 = tpu.vector_load %arg7[%swap3A_127, %swap3A_128] {strides = array<i32>} : memref<2x128xi32, #tpu.memory_space<vmem>>, vector<1x16xi32>,
    %swap3A_130 = vector.shape_cast %swap3A_129 : vector<1x16xi32> to vector<16xi32>
    %swap3A_131 = vector.shape_cast %and3A_125 : vector<16xi32> to vector<1x16xi32>
    tpu.vector_store %arg7[%swap3A_127, %swap3A_128], %swap3A_131 {strides = array<i32>} : memref<2x128xi32, #tpu.memory_space<vmem>>, vector<1x16xi32>,
    %get3A_132 = arith.constant 0 : i32
    %get3A_133 = arith.index_cast %get3A_132 : i32 to index
    %get3A_134 = arith.constant 80 : index
    %get3A_135 = tpu.vector_load %arg5[%get3A_133, %get3A_134] {strides = array<i32>} : memref<101x128xi32, #tpu.memory_space<vmem>>, vector<1x16xi32>,
    %get3A_136 = vector.shape_cast %get3A_135 : vector<1x16xi32> to vector<16xi32>
    %shift_right_logical3A_137 = arith.constant 16 : i32
    %shift_right_logical3A_138 = vector.broadcast %shift_right_logical3A_137 : i32 to vector<16xi32>
    %shift_right_logical3A_139 = arith.shrui %get3A_136, %shift_right_logical3A_138 : vector<16xi32>
    %swap3A_140 = arith.constant 0 : i32
    %swap3A_141 = arith.index_cast %swap3A_140 : i32 to index
    %swap3A_142 = arith.constant 80 : index
    %swap3A_143 = tpu.vector_load %arg6[%swap3A_141, %swap3A_142] {strides = array<i32>} : memref<2x128xi32, #tpu.memory_space<vmem>>, vector<1x16xi32>,
    %swap3A_144 = vector.shape_cast %swap3A_143 : vector<1x16xi32> to vector<16xi32>
    %swap3A_145 = vector.shape_cast %shift_right_logical3A_139 : vector<16xi32> to vector<1x16xi32>
    tpu.vector_store %arg6[%swap3A_141, %swap3A_142], %swap3A_145 {strides = array<i32>} : memref<2x128xi32, #tpu.memory_space<vmem>>, vector<1x16xi32>,
    %and3A_146 = arith.constant 65535 : i32
    %and3A_147 = vector.broadcast %and3A_146 : i32 to vector<16xi32>
    %and3A_148 = arith.andi %get3A_136, %and3A_147 : vector<16xi32>
    %swap3A_149 = arith.constant 0 : i32
    %swap3A_150 = arith.index_cast %swap3A_149 : i32 to index
    %swap3A_151 = arith.constant 80 : index
    %swap3A_152 = tpu.vector_load %arg7[%swap3A_150, %swap3A_151] {strides = array<i32>} : memref<2x128xi32, #tpu.memory_space<vmem>>, vector<1x16xi32>,
    %swap3A_153 = vector.shape_cast %swap3A_152 : vector<1x16xi32> to vector<16xi32>
    %swap3A_154 = vector.shape_cast %and3A_148 : vector<16xi32> to vector<1x16xi32>
    tpu.vector_store %arg7[%swap3A_150, %swap3A_151], %swap3A_154 {strides = array<i32>} : memref<2x128xi32, #tpu.memory_space<vmem>>, vector<1x16xi32>,
    %get3A_155 = arith.constant 0 : i32
    %get3A_156 = arith.index_cast %get3A_155 : i32 to index
    %get3A_157 = arith.constant 96 : index
    %get3A_158 = tpu.vector_load %arg5[%get3A_156, %get3A_157] {strides = array<i32>} : memref<101x128xi32, #tpu.memory_space<vmem>>, vector<1x16xi32>,
    %get3A_159 = vector.shape_cast %get3A_158 : vector<1x16xi32> to vector<16xi32>
    %shift_right_logical3A_160 = arith.constant 16 : i32
    %shift_right_logical3A_161 = vector.broadcast %shift_right_logical3A_160 : i32 to vector<16xi32>
    %shift_right_logical3A_162 = arith.shrui %get3A_159, %shift_right_logical3A_161 : vector<16xi32>
    %swap3A_163 = arith.constant 0 : i32
    %swap3A_164 = arith.index_cast %swap3A_163 : i32 to index
    %swap3A_165 = arith.constant 96 : index
    %swap3A_166 = tpu.vector_load %arg6[%swap3A_164, %swap3A_165] {strides = array<i32>} : memref<2x128xi32, #tpu.memory_space<vmem>>, vector<1x16xi32>,
    %swap3A_167 = vector.shape_cast %swap3A_166 : vector<1x16xi32> to vector<16xi32>
    %swap3A_168 = vector.shape_cast %shift_right_logical3A_162 : vector<16xi32> to vector<1x16xi32>
    tpu.vector_store %arg6[%swap3A_164, %swap3A_165], %swap3A_168 {strides = array<i32>} : memref<2x128xi32, #tpu.memory_space<vmem>>, vector<1x16xi32>,
    %and3A_169 = arith.constant 65535 : i32
    %and3A_170 = vector.broadcast %and3A_169 : i32 to vector<16xi32>
    %and3A_171 = arith.andi %get3A_159, %and3A_170 : vector<16xi32>
    %swap3A_172 = arith.constant 0 : i32
    %swap3A_173 = arith.index_cast %swap3A_172 : i32 to index
    %swap3A_174 = arith.constant 96 : index
    %swap3A_175 = tpu.vector_load %arg7[%swap3A_173, %swap3A_174] {strides = array<i32>} : memref<2x128xi32, #tpu.memory_space<vmem>>, vector<1x16xi32>,
    %swap3A_176 = vector.shape_cast %swap3A_175 : vector<1x16xi32> to vector<16xi32>
    %swap3A_177 = vector.shape_cast %and3A_171 : vector<16xi32> to vector<1x16xi32>
    tpu.vector_store %arg7[%swap3A_173, %swap3A_174], %swap3A_177 {strides = array<i32>} : memref<2x128xi32, #tpu.memory_space<vmem>>, vector<1x16xi32>,
    %get3A_178 = arith.constant 0 : i32
    %get3A_179 = arith.index_cast %get3A_178 : i32 to index
    %get3A_180 = arith.constant 112 : index
    %get3A_181 = tpu.vector_load %arg5[%get3A_179, %get3A_180] {strides = array<i32>} : memref<101x128xi32, #tpu.memory_space<vmem>>, vector<1x16xi32>,
    %get3A_182 = vector.shape_cast %get3A_181 : vector<1x16xi32> to vector<16xi32>
    %shift_right_logical3A_183 = arith.constant 16 : i32
    %shift_right_logical3A_184 = vector.broadcast %shift_right_logical3A_183 : i32 to vector<16xi32>
    %shift_right_logical3A_185 = arith.shrui %get3A_182, %shift_right_logical3A_184 : vector<16xi32>
    %swap3A_186 = arith.constant 0 : i32
    %swap3A_187 = arith.index_cast %swap3A_186 : i32 to index
    %swap3A_188 = arith.constant 112 : index
    %swap3A_189 = tpu.vector_load %arg6[%swap3A_187, %swap3A_188] {strides = array<i32>} : memref<2x128xi32, #tpu.memory_space<vmem>>, vector<1x16xi32>,
    %swap3A_190 = vector.shape_cast %swap3A_189 : vector<1x16xi32> to vector<16xi32>
    %swap3A_191 = vector.shape_cast %shift_right_logical3A_185 : vector<16xi32> to vector<1x16xi32>
    tpu.vector_store %arg6[%swap3A_187, %swap3A_188], %swap3A_191 {strides = array<i32>} : memref<2x128xi32, #tpu.memory_space<vmem>>, vector<1x16xi32>,
    %and3A_192 = arith.constant 65535 : i32
    %and3A_193 = vector.broadcast %and3A_192 : i32 to vector<16xi32>
    %and3A_194 = arith.andi %get3A_182, %and3A_193 : vector<16xi32>
    %swap3A_195 = arith.constant 0 : i32
    %swap3A_196 = arith.index_cast %swap3A_195 : i32 to index
    %swap3A_197 = arith.constant 112 : index
    %swap3A_198 = tpu.vector_load %arg7[%swap3A_196, %swap3A_197] {strides = array<i32>} : memref<2x128xi32, #tpu.memory_space<vmem>>, vector<1x16xi32>,
    %swap3A_199 = vector.shape_cast %swap3A_198 : vector<1x16xi32> to vector<16xi32>
    %swap3A_200 = vector.shape_cast %and3A_194 : vector<16xi32> to vector<1x16xi32>
    tpu.vector_store %arg7[%swap3A_196, %swap3A_197], %swap3A_200 {strides = array<i32>} : memref<2x128xi32, #tpu.memory_space<vmem>>, vector<1x16xi32>,
    %dma_start3A_201 = arith.constant 0 : i32
    %dma_start3A_202 = arith.constant 0 : i32
    %dma_start3A_203 = arith.constant 0 : i32
    %dma_start3A_204 = arith.constant 0 : i32
    %dma_start3A_205 = tpu.memref_slice %arg8[%dma_start3A_202, %dma_start3A_203, %dma_start3A_204] : memref<2x128x128xf32, #tpu.memory_space<vmem>> -> memref<1x128x128xf32, #tpu.memory_space<vmem>>
    %dma_start3A_206 = tpu.memref_squeeze %dma_start3A_205 : memref<1x128x128xf32, #tpu.memory_space<vmem>> -> memref<128x128xf32, #tpu.memory_space<vmem>>
    %dma_start3A_207 = arith.constant 0 : i32
    %dma_start3A_208 = tpu.memref_slice %arg6[%dma_start3A_201, %dma_start3A_207] : memref<2x128xi32, #tpu.memory_space<vmem>> -> memref<1x128xi32, #tpu.memory_space<vmem>>
    %dma_start3A_209 = tpu.memref_squeeze %dma_start3A_208 : memref<1x128xi32, #tpu.memory_space<vmem>> -> memref<128xi32, #tpu.memory_space<vmem>>
    %dma_start3A_210 = arith.constant 0 : i32
    %dma_start3A_211 = arith.constant 0 : i32
    %dma_start3A_212 = tpu.memref_slice %arg2[%dma_start3A_210, %dma_start3A_211] : memref<10112x128xf32, #tpu.memory_space<hbm>> -> memref<10112x128xf32, #tpu.memory_space<hbm>>
    tpu.enqueue_indirect_dma source(%dma_start3A_212 : memref<10112x128xf32, #tpu.memory_space<hbm>>) target(%dma_start3A_206 : memref<128x128xf32, #tpu.memory_space<vmem>>) offsets(%dma_start3A_209 : memref<128xi32, #tpu.memory_space<vmem>>) semaphore(%arg10 : memref<!tpu.dma_semaphore, #tpu.memory_space<semaphore_mem>>)
    %while3A = arith.constant 0 : i32
    %while3A_213 = arith.constant 0 : i32
    %while3A_214 = arith.subi %select_n3A, %while3A_213 : i32
    %while3A_215 = arith.addi %while3A_213, %while3A_214 : i32
    %while3A_216 = arith.constant 1 : i32
    %while3A_217 = arith.divsi %while3A_214, %while3A_216 : i32
    %while3A_218 = arith.muli %while3A_217, %while3A_216 : i32
    %while3A_219 = arith.addi %while3A_213, %while3A_218 : i32
    %while3A_220 = arith.constant 1 : i32
    scf.for %while3A_239 = %while3A_213 to %while3A_219 step %while3A_220  : i32 {
      %rem3A_240 = arith.constant 2 : i32
      %rem3A_241 = arith.remsi %while3A_239, %rem3A_240 : i32
      %dma_wait3A_242 = arith.constant 0 : i32
      %dma_wait3A_243 = arith.constant 0 : i32
      %dma_wait3A_244 = tpu.memref_slice %arg8[%rem3A_241, %dma_wait3A_242, %dma_wait3A_243] : memref<2x128x128xf32, #tpu.memory_space<vmem>> -> memref<1x128x128xf32, #tpu.memory_space<vmem>>
      %dma_wait3A_245 = tpu.memref_squeeze %dma_wait3A_244 : memref<1x128x128xf32, #tpu.memory_space<vmem>> -> memref<128x128xf32, #tpu.memory_space<vmem>>
      %dma_wait3A_246 = arith.constant 0 : i32
      %dma_wait3A_247 = tpu.memref_slice %arg6[%rem3A_241, %dma_wait3A_246] : memref<2x128xi32, #tpu.memory_space<vmem>> -> memref<1x128xi32, #tpu.memory_space<vmem>>
      %dma_wait3A_248 = tpu.memref_squeeze %dma_wait3A_247 : memref<1x128xi32, #tpu.memory_space<vmem>> -> memref<128xi32, #tpu.memory_space<vmem>>
      %dma_wait3A_249 = arith.constant 0 : i32
      %dma_wait3A_250 = arith.constant 0 : i32
      %dma_wait3A_251 = tpu.memref_slice %arg2[%dma_wait3A_249, %dma_wait3A_250] : memref<10112x128xf32, #tpu.memory_space<hbm>> -> memref<10112x128xf32, #tpu.memory_space<hbm>>
      tpu.wait_indirect_dma semaphore(%arg10 : memref<!tpu.dma_semaphore, #tpu.memory_space<semaphore_mem>>) src(%dma_wait3A_251 : memref<10112x128xf32, #tpu.memory_space<hbm>>) dst(%dma_wait3A_245 : memref<128x128xf32, #tpu.memory_space<vmem>>)
      %ge3A = arith.constant 1 : i32
      %ge3A_252 = arith.cmpi sge, %while3A_239, %ge3A : i32
      %convert_element_type3A = arith.extui %ge3A_252 : i1 to i32
      %cond3A = arith.constant 0 : i32
      %cond3A_253 = arith.cmpi ne, %convert_element_type3A, %cond3A : i32
      scf.if %cond3A_253 {
        %sub3A_269 = arith.constant 1 : i32
        %sub3A_270 = arith.subi %sub3A_269, %rem3A_241 : i32
        %sub3A_271 = arith.constant 1 : i32
        %sub3A_272 = arith.subi %sub3A_271, %rem3A_241 : i32
        %dma_wait3A_273 = arith.constant 0 : i32
        %dma_wait3A_274 = arith.constant 0 : i32
        %dma_wait3A_275 = tpu.memref_slice %arg8[%sub3A_270, %dma_wait3A_273, %dma_wait3A_274] : memref<2x128x128xf32, #tpu.memory_space<vmem>> -> memref<1x128x128xf32, #tpu.memory_space<vmem>>
        %dma_wait3A_276 = tpu.memref_squeeze %dma_wait3A_275 : memref<1x128x128xf32, #tpu.memory_space<vmem>> -> memref<128x128xf32, #tpu.memory_space<vmem>>
        %dma_wait3A_277 = arith.constant 0 : i32
        %dma_wait3A_278 = tpu.memref_slice %arg7[%sub3A_272, %dma_wait3A_277] : memref<2x128xi32, #tpu.memory_space<vmem>> -> memref<1x128xi32, #tpu.memory_space<vmem>>
        %dma_wait3A_279 = tpu.memref_squeeze %dma_wait3A_278 : memref<1x128xi32, #tpu.memory_space<vmem>> -> memref<128xi32, #tpu.memory_space<vmem>>
        %dma_wait3A_280 = arith.constant 0 : i32
        %dma_wait3A_281 = arith.constant 0 : i32
        %dma_wait3A_282 = tpu.memref_slice %arg9[%dma_wait3A_280, %dma_wait3A_281] : memref<10112x128xf32, #tpu.memory_space<vmem_shared>> -> memref<10112x128xf32, #tpu.memory_space<vmem_shared>>
        tpu.wait_indirect_dma semaphore(%arg11 : memref<!tpu.dma_semaphore, #tpu.memory_space<semaphore_mem>>) src(%dma_wait3A_276 : memref<128x128xf32, #tpu.memory_space<vmem>>) dst(%dma_wait3A_282 : memref<10112x128xf32, #tpu.memory_space<vmem_shared>>)
      } else {
      }
      %add3A_254 = arith.constant 1 : i32
      %add3A_255 = arith.addi %while3A_239, %add3A_254 : i32
      %lt3A = arith.cmpi slt, %add3A_255, %select_n3A : i32
      %convert_element_type3A_256 = arith.extui %lt3A : i1 to i32
      %cond3A_257 = arith.constant 0 : i32
      %cond3A_258 = arith.cmpi ne, %convert_element_type3A_256, %cond3A_257 : i32
      scf.if %cond3A_258 {
        %add3A_269 = arith.constant 1 : i32
        %add3A_270 = arith.addi %while3A_239, %add3A_269 : i32
        %sub3A_271 = arith.constant 1 : i32
        %sub3A_272 = arith.subi %sub3A_271, %rem3A_241 : i32
        %get3A_273 = arith.index_cast %add3A_270 : i32 to index
        %get3A_274 = arith.constant 0 : index
        %get3A_275 = tpu.vector_load %arg5[%get3A_273, %get3A_274] {strides = array<i32>} : memref<101x128xi32, #tpu.memory_space<vmem>>, vector<1x16xi32>,
        %get3A_276 = vector.shape_cast %get3A_275 : vector<1x16xi32> to vector<16xi32>
        %shift_right_logical3A_277 = arith.constant 16 : i32
        %shift_right_logical3A_278 = vector.broadcast %shift_right_logical3A_277 : i32 to vector<16xi32>
        %shift_right_logical3A_279 = arith.shrui %get3A_276, %shift_right_logical3A_278 : vector<16xi32>
        %swap3A_280 = arith.index_cast %sub3A_272 : i32 to index
        %swap3A_281 = arith.constant 0 : index
        %swap3A_282 = tpu.vector_load %arg6[%swap3A_280, %swap3A_281] {strides = array<i32>} : memref<2x128xi32, #tpu.memory_space<vmem>>, vector<1x16xi32>,
        %swap3A_283 = vector.shape_cast %swap3A_282 : vector<1x16xi32> to vector<16xi32>
        %swap3A_284 = vector.shape_cast %shift_right_logical3A_279 : vector<16xi32> to vector<1x16xi32>
        tpu.vector_store %arg6[%swap3A_280, %swap3A_281], %swap3A_284 {strides = array<i32>} : memref<2x128xi32, #tpu.memory_space<vmem>>, vector<1x16xi32>,
        %and3A_285 = arith.constant 65535 : i32
        %and3A_286 = vector.broadcast %and3A_285 : i32 to vector<16xi32>
        %and3A_287 = arith.andi %get3A_276, %and3A_286 : vector<16xi32>
        %swap3A_288 = arith.index_cast %sub3A_272 : i32 to index
        %swap3A_289 = arith.constant 0 : index
        %swap3A_290 = tpu.vector_load %arg7[%swap3A_288, %swap3A_289] {strides = array<i32>} : memref<2x128xi32, #tpu.memory_space<vmem>>, vector<1x16xi32>,
        %swap3A_291 = vector.shape_cast %swap3A_290 : vector<1x16xi32> to vector<16xi32>
        %swap3A_292 = vector.shape_cast %and3A_287 : vector<16xi32> to vector<1x16xi32>
        tpu.vector_store %arg7[%swap3A_288, %swap3A_289], %swap3A_292 {strides = array<i32>} : memref<2x128xi32, #tpu.memory_space<vmem>>, vector<1x16xi32>,
        %get3A_293 = arith.index_cast %add3A_270 : i32 to index
        %get3A_294 = arith.constant 16 : index
        %get3A_295 = tpu.vector_load %arg5[%get3A_293, %get3A_294] {strides = array<i32>} : memref<101x128xi32, #tpu.memory_space<vmem>>, vector<1x16xi32>,
        %get3A_296 = vector.shape_cast %get3A_295 : vector<1x16xi32> to vector<16xi32>
        %shift_right_logical3A_297 = arith.constant 16 : i32
        %shift_right_logical3A_298 = vector.broadcast %shift_right_logical3A_297 : i32 to vector<16xi32>
        %shift_right_logical3A_299 = arith.shrui %get3A_296, %shift_right_logical3A_298 : vector<16xi32>
        %swap3A_300 = arith.index_cast %sub3A_272 : i32 to index
        %swap3A_301 = arith.constant 16 : index
        %swap3A_302 = tpu.vector_load %arg6[%swap3A_300, %swap3A_301] {strides = array<i32>} : memref<2x128xi32, #tpu.memory_space<vmem>>, vector<1x16xi32>,
        %swap3A_303 = vector.shape_cast %swap3A_302 : vector<1x16xi32> to vector<16xi32>
        %swap3A_304 = vector.shape_cast %shift_right_logical3A_299 : vector<16xi32> to vector<1x16xi32>
        tpu.vector_store %arg6[%swap3A_300, %swap3A_301], %swap3A_304 {strides = array<i32>} : memref<2x128xi32, #tpu.memory_space<vmem>>, vector<1x16xi32>,
        %and3A_305 = arith.constant 65535 : i32
        %and3A_306 = vector.broadcast %and3A_305 : i32 to vector<16xi32>
        %and3A_307 = arith.andi %get3A_296, %and3A_306 : vector<16xi32>
        %swap3A_308 = arith.index_cast %sub3A_272 : i32 to index
        %swap3A_309 = arith.constant 16 : index
        %swap3A_310 = tpu.vector_load %arg7[%swap3A_308, %swap3A_309] {strides = array<i32>} : memref<2x128xi32, #tpu.memory_space<vmem>>, vector<1x16xi32>,
        %swap3A_311 = vector.shape_cast %swap3A_310 : vector<1x16xi32> to vector<16xi32>
        %swap3A_312 = vector.shape_cast %and3A_307 : vector<16xi32> to vector<1x16xi32>
        tpu.vector_store %arg7[%swap3A_308, %swap3A_309], %swap3A_312 {strides = array<i32>} : memref<2x128xi32, #tpu.memory_space<vmem>>, vector<1x16xi32>,
        %get3A_313 = arith.index_cast %add3A_270 : i32 to index
        %get3A_314 = arith.constant 32 : index
        %get3A_315 = tpu.vector_load %arg5[%get3A_313, %get3A_314] {strides = array<i32>} : memref<101x128xi32, #tpu.memory_space<vmem>>, vector<1x16xi32>,
        %get3A_316 = vector.shape_cast %get3A_315 : vector<1x16xi32> to vector<16xi32>
        %shift_right_logical3A_317 = arith.constant 16 : i32
        %shift_right_logical3A_318 = vector.broadcast %shift_right_logical3A_317 : i32 to vector<16xi32>
        %shift_right_logical3A_319 = arith.shrui %get3A_316, %shift_right_logical3A_318 : vector<16xi32>
        %swap3A_320 = arith.index_cast %sub3A_272 : i32 to index
        %swap3A_321 = arith.constant 32 : index
        %swap3A_322 = tpu.vector_load %arg6[%swap3A_320, %swap3A_321] {strides = array<i32>} : memref<2x128xi32, #tpu.memory_space<vmem>>, vector<1x16xi32>,
        %swap3A_323 = vector.shape_cast %swap3A_322 : vector<1x16xi32> to vector<16xi32>
        %swap3A_324 = vector.shape_cast %shift_right_logical3A_319 : vector<16xi32> to vector<1x16xi32>
        tpu.vector_store %arg6[%swap3A_320, %swap3A_321], %swap3A_324 {strides = array<i32>} : memref<2x128xi32, #tpu.memory_space<vmem>>, vector<1x16xi32>,
        %and3A_325 = arith.constant 65535 : i32
        %and3A_326 = vector.broadcast %and3A_325 : i32 to vector<16xi32>
        %and3A_327 = arith.andi %get3A_316, %and3A_326 : vector<16xi32>
        %swap3A_328 = arith.index_cast %sub3A_272 : i32 to index
        %swap3A_329 = arith.constant 32 : index
        %swap3A_330 = tpu.vector_load %arg7[%swap3A_328, %swap3A_329] {strides = array<i32>} : memref<2x128xi32, #tpu.memory_space<vmem>>, vector<1x16xi32>,
        %swap3A_331 = vector.shape_cast %swap3A_330 : vector<1x16xi32> to vector<16xi32>
        %swap3A_332 = vector.shape_cast %and3A_327 : vector<16xi32> to vector<1x16xi32>
        tpu.vector_store %arg7[%swap3A_328, %swap3A_329], %swap3A_332 {strides = array<i32>} : memref<2x128xi32, #tpu.memory_space<vmem>>, vector<1x16xi32>,
        %get3A_333 = arith.index_cast %add3A_270 : i32 to index
        %get3A_334 = arith.constant 48 : index
        %get3A_335 = tpu.vector_load %arg5[%get3A_333, %get3A_334] {strides = array<i32>} : memref<101x128xi32, #tpu.memory_space<vmem>>, vector<1x16xi32>,
        %get3A_336 = vector.shape_cast %get3A_335 : vector<1x16xi32> to vector<16xi32>
        %shift_right_logical3A_337 = arith.constant 16 : i32
        %shift_right_logical3A_338 = vector.broadcast %shift_right_logical3A_337 : i32 to vector<16xi32>
        %shift_right_logical3A_339 = arith.shrui %get3A_336, %shift_right_logical3A_338 : vector<16xi32>
        %swap3A_340 = arith.index_cast %sub3A_272 : i32 to index
        %swap3A_341 = arith.constant 48 : index
        %swap3A_342 = tpu.vector_load %arg6[%swap3A_340, %swap3A_341] {strides = array<i32>} : memref<2x128xi32, #tpu.memory_space<vmem>>, vector<1x16xi32>,
        %swap3A_343 = vector.shape_cast %swap3A_342 : vector<1x16xi32> to vector<16xi32>
        %swap3A_344 = vector.shape_cast %shift_right_logical3A_339 : vector<16xi32> to vector<1x16xi32>
        tpu.vector_store %arg6[%swap3A_340, %swap3A_341], %swap3A_344 {strides = array<i32>} : memref<2x128xi32, #tpu.memory_space<vmem>>, vector<1x16xi32>,
        %and3A_345 = arith.constant 65535 : i32
        %and3A_346 = vector.broadcast %and3A_345 : i32 to vector<16xi32>
        %and3A_347 = arith.andi %get3A_336, %and3A_346 : vector<16xi32>
        %swap3A_348 = arith.index_cast %sub3A_272 : i32 to index
        %swap3A_349 = arith.constant 48 : index
        %swap3A_350 = tpu.vector_load %arg7[%swap3A_348, %swap3A_349] {strides = array<i32>} : memref<2x128xi32, #tpu.memory_space<vmem>>, vector<1x16xi32>,
        %swap3A_351 = vector.shape_cast %swap3A_350 : vector<1x16xi32> to vector<16xi32>
        %swap3A_352 = vector.shape_cast %and3A_347 : vector<16xi32> to vector<1x16xi32>
        tpu.vector_store %arg7[%swap3A_348, %swap3A_349], %swap3A_352 {strides = array<i32>} : memref<2x128xi32, #tpu.memory_space<vmem>>, vector<1x16xi32>,
        %get3A_353 = arith.index_cast %add3A_270 : i32 to index
        %get3A_354 = arith.constant 64 : index
        %get3A_355 = tpu.vector_load %arg5[%get3A_353, %get3A_354] {strides = array<i32>} : memref<101x128xi32, #tpu.memory_space<vmem>>, vector<1x16xi32>,
        %get3A_356 = vector.shape_cast %get3A_355 : vector<1x16xi32> to vector<16xi32>
        %shift_right_logical3A_357 = arith.constant 16 : i32
        %shift_right_logical3A_358 = vector.broadcast %shift_right_logical3A_357 : i32 to vector<16xi32>
        %shift_right_logical3A_359 = arith.shrui %get3A_356, %shift_right_logical3A_358 : vector<16xi32>
        %swap3A_360 = arith.index_cast %sub3A_272 : i32 to index
        %swap3A_361 = arith.constant 64 : index
        %swap3A_362 = tpu.vector_load %arg6[%swap3A_360, %swap3A_361] {strides = array<i32>} : memref<2x128xi32, #tpu.memory_space<vmem>>, vector<1x16xi32>,
        %swap3A_363 = vector.shape_cast %swap3A_362 : vector<1x16xi32> to vector<16xi32>
        %swap3A_364 = vector.shape_cast %shift_right_logical3A_359 : vector<16xi32> to vector<1x16xi32>
        tpu.vector_store %arg6[%swap3A_360, %swap3A_361], %swap3A_364 {strides = array<i32>} : memref<2x128xi32, #tpu.memory_space<vmem>>, vector<1x16xi32>,
        %and3A_365 = arith.constant 65535 : i32
        %and3A_366 = vector.broadcast %and3A_365 : i32 to vector<16xi32>
        %and3A_367 = arith.andi %get3A_356, %and3A_366 : vector<16xi32>
        %swap3A_368 = arith.index_cast %sub3A_272 : i32 to index
        %swap3A_369 = arith.constant 64 : index
        %swap3A_370 = tpu.vector_load %arg7[%swap3A_368, %swap3A_369] {strides = array<i32>} : memref<2x128xi32, #tpu.memory_space<vmem>>, vector<1x16xi32>,
        %swap3A_371 = vector.shape_cast %swap3A_370 : vector<1x16xi32> to vector<16xi32>
        %swap3A_372 = vector.shape_cast %and3A_367 : vector<16xi32> to vector<1x16xi32>
        tpu.vector_store %arg7[%swap3A_368, %swap3A_369], %swap3A_372 {strides = array<i32>} : memref<2x128xi32, #tpu.memory_space<vmem>>, vector<1x16xi32>,
        %get3A_373 = arith.index_cast %add3A_270 : i32 to index
        %get3A_374 = arith.constant 80 : index
        %get3A_375 = tpu.vector_load %arg5[%get3A_373, %get3A_374] {strides = array<i32>} : memref<101x128xi32, #tpu.memory_space<vmem>>, vector<1x16xi32>,
        %get3A_376 = vector.shape_cast %get3A_375 : vector<1x16xi32> to vector<16xi32>
        %shift_right_logical3A_377 = arith.constant 16 : i32
        %shift_right_logical3A_378 = vector.broadcast %shift_right_logical3A_377 : i32 to vector<16xi32>
        %shift_right_logical3A_379 = arith.shrui %get3A_376, %shift_right_logical3A_378 : vector<16xi32>
        %swap3A_380 = arith.index_cast %sub3A_272 : i32 to index
        %swap3A_381 = arith.constant 80 : index
        %swap3A_382 = tpu.vector_load %arg6[%swap3A_380, %swap3A_381] {strides = array<i32>} : memref<2x128xi32, #tpu.memory_space<vmem>>, vector<1x16xi32>,
        %swap3A_383 = vector.shape_cast %swap3A_382 : vector<1x16xi32> to vector<16xi32>
        %swap3A_384 = vector.shape_cast %shift_right_logical3A_379 : vector<16xi32> to vector<1x16xi32>
        tpu.vector_store %arg6[%swap3A_380, %swap3A_381], %swap3A_384 {strides = array<i32>} : memref<2x128xi32, #tpu.memory_space<vmem>>, vector<1x16xi32>,
        %and3A_385 = arith.constant 65535 : i32
        %and3A_386 = vector.broadcast %and3A_385 : i32 to vector<16xi32>
        %and3A_387 = arith.andi %get3A_376, %and3A_386 : vector<16xi32>
        %swap3A_388 = arith.index_cast %sub3A_272 : i32 to index
        %swap3A_389 = arith.constant 80 : index
        %swap3A_390 = tpu.vector_load %arg7[%swap3A_388, %swap3A_389] {strides = array<i32>} : memref<2x128xi32, #tpu.memory_space<vmem>>, vector<1x16xi32>,
        %swap3A_391 = vector.shape_cast %swap3A_390 : vector<1x16xi32> to vector<16xi32>
        %swap3A_392 = vector.shape_cast %and3A_387 : vector<16xi32> to vector<1x16xi32>
        tpu.vector_store %arg7[%swap3A_388, %swap3A_389], %swap3A_392 {strides = array<i32>} : memref<2x128xi32, #tpu.memory_space<vmem>>, vector<1x16xi32>,
        %get3A_393 = arith.index_cast %add3A_270 : i32 to index
        %get3A_394 = arith.constant 96 : index
        %get3A_395 = tpu.vector_load %arg5[%get3A_393, %get3A_394] {strides = array<i32>} : memref<101x128xi32, #tpu.memory_space<vmem>>, vector<1x16xi32>,
        %get3A_396 = vector.shape_cast %get3A_395 : vector<1x16xi32> to vector<16xi32>
        %shift_right_logical3A_397 = arith.constant 16 : i32
        %shift_right_logical3A_398 = vector.broadcast %shift_right_logical3A_397 : i32 to vector<16xi32>
        %shift_right_logical3A_399 = arith.shrui %get3A_396, %shift_right_logical3A_398 : vector<16xi32>
        %swap3A_400 = arith.index_cast %sub3A_272 : i32 to index
        %swap3A_401 = arith.constant 96 : index
        %swap3A_402 = tpu.vector_load %arg6[%swap3A_400, %swap3A_401] {strides = array<i32>} : memref<2x128xi32, #tpu.memory_space<vmem>>, vector<1x16xi32>,
        %swap3A_403 = vector.shape_cast %swap3A_402 : vector<1x16xi32> to vector<16xi32>
        %swap3A_404 = vector.shape_cast %shift_right_logical3A_399 : vector<16xi32> to vector<1x16xi32>
        tpu.vector_store %arg6[%swap3A_400, %swap3A_401], %swap3A_404 {strides = array<i32>} : memref<2x128xi32, #tpu.memory_space<vmem>>, vector<1x16xi32>,
        %and3A_405 = arith.constant 65535 : i32
        %and3A_406 = vector.broadcast %and3A_405 : i32 to vector<16xi32>
        %and3A_407 = arith.andi %get3A_396, %and3A_406 : vector<16xi32>
        %swap3A_408 = arith.index_cast %sub3A_272 : i32 to index
        %swap3A_409 = arith.constant 96 : index
        %swap3A_410 = tpu.vector_load %arg7[%swap3A_408, %swap3A_409] {strides = array<i32>} : memref<2x128xi32, #tpu.memory_space<vmem>>, vector<1x16xi32>,
        %swap3A_411 = vector.shape_cast %swap3A_410 : vector<1x16xi32> to vector<16xi32>
        %swap3A_412 = vector.shape_cast %and3A_407 : vector<16xi32> to vector<1x16xi32>
        tpu.vector_store %arg7[%swap3A_408, %swap3A_409], %swap3A_412 {strides = array<i32>} : memref<2x128xi32, #tpu.memory_space<vmem>>, vector<1x16xi32>,
        %get3A_413 = arith.index_cast %add3A_270 : i32 to index
        %get3A_414 = arith.constant 112 : index
        %get3A_415 = tpu.vector_load %arg5[%get3A_413, %get3A_414] {strides = array<i32>} : memref<101x128xi32, #tpu.memory_space<vmem>>, vector<1x16xi32>,
        %get3A_416 = vector.shape_cast %get3A_415 : vector<1x16xi32> to vector<16xi32>
        %shift_right_logical3A_417 = arith.constant 16 : i32
        %shift_right_logical3A_418 = vector.broadcast %shift_right_logical3A_417 : i32 to vector<16xi32>
        %shift_right_logical3A_419 = arith.shrui %get3A_416, %shift_right_logical3A_418 : vector<16xi32>
        %swap3A_420 = arith.index_cast %sub3A_272 : i32 to index
        %swap3A_421 = arith.constant 112 : index
        %swap3A_422 = tpu.vector_load %arg6[%swap3A_420, %swap3A_421] {strides = array<i32>} : memref<2x128xi32, #tpu.memory_space<vmem>>, vector<1x16xi32>,
        %swap3A_423 = vector.shape_cast %swap3A_422 : vector<1x16xi32> to vector<16xi32>
        %swap3A_424 = vector.shape_cast %shift_right_logical3A_419 : vector<16xi32> to vector<1x16xi32>
        tpu.vector_store %arg6[%swap3A_420, %swap3A_421], %swap3A_424 {strides = array<i32>} : memref<2x128xi32, #tpu.memory_space<vmem>>, vector<1x16xi32>,
        %and3A_425 = arith.constant 65535 : i32
        %and3A_426 = vector.broadcast %and3A_425 : i32 to vector<16xi32>
        %and3A_427 = arith.andi %get3A_416, %and3A_426 : vector<16xi32>
        %swap3A_428 = arith.index_cast %sub3A_272 : i32 to index
        %swap3A_429 = arith.constant 112 : index
        %swap3A_430 = tpu.vector_load %arg7[%swap3A_428, %swap3A_429] {strides = array<i32>} : memref<2x128xi32, #tpu.memory_space<vmem>>, vector<1x16xi32>,
        %swap3A_431 = vector.shape_cast %swap3A_430 : vector<1x16xi32> to vector<16xi32>
        %swap3A_432 = vector.shape_cast %and3A_427 : vector<16xi32> to vector<1x16xi32>
        tpu.vector_store %arg7[%swap3A_428, %swap3A_429], %swap3A_432 {strides = array<i32>} : memref<2x128xi32, #tpu.memory_space<vmem>>, vector<1x16xi32>,
        %sub3A_433 = arith.constant 1 : i32
        %sub3A_434 = arith.subi %sub3A_433, %rem3A_241 : i32
        %sub3A_435 = arith.constant 1 : i32
        %sub3A_436 = arith.subi %sub3A_435, %rem3A_241 : i32
        %dma_start3A_437 = arith.constant 0 : i32
        %dma_start3A_438 = arith.constant 0 : i32
        %dma_start3A_439 = tpu.memref_slice %arg8[%sub3A_436, %dma_start3A_437, %dma_start3A_438] : memref<2x128x128xf32, #tpu.memory_space<vmem>> -> memref<1x128x128xf32, #tpu.memory_space<vmem>>
        %dma_start3A_440 = tpu.memref_squeeze %dma_start3A_439 : memref<1x128x128xf32, #tpu.memory_space<vmem>> -> memref<128x128xf32, #tpu.memory_space<vmem>>
        %dma_start3A_441 = arith.constant 0 : i32
        %dma_start3A_442 = tpu.memref_slice %arg6[%sub3A_434, %dma_start3A_441] : memref<2x128xi32, #tpu.memory_space<vmem>> -> memref<1x128xi32, #tpu.memory_space<vmem>>
        %dma_start3A_443 = tpu.memref_squeeze %dma_start3A_442 : memref<1x128xi32, #tpu.memory_space<vmem>> -> memref<128xi32, #tpu.memory_space<vmem>>
        %dma_start3A_444 = arith.constant 0 : i32
        %dma_start3A_445 = arith.constant 0 : i32
        %dma_start3A_446 = tpu.memref_slice %arg2[%dma_start3A_444, %dma_start3A_445] : memref<10112x128xf32, #tpu.memory_space<hbm>> -> memref<10112x128xf32, #tpu.memory_space<hbm>>
        tpu.enqueue_indirect_dma source(%dma_start3A_446 : memref<10112x128xf32, #tpu.memory_space<hbm>>) target(%dma_start3A_440 : memref<128x128xf32, #tpu.memory_space<vmem>>) offsets(%dma_start3A_443 : memref<128xi32, #tpu.memory_space<vmem>>) semaphore(%arg10 : memref<!tpu.dma_semaphore, #tpu.memory_space<semaphore_mem>>)
      } else {
      }
      %dma_start3A_259 = arith.constant 0 : i32
      %dma_start3A_260 = arith.constant 0 : i32
      %dma_start3A_261 = tpu.memref_slice %arg8[%rem3A_241, %dma_start3A_259, %dma_start3A_260] : memref<2x128x128xf32, #tpu.memory_space<vmem>> -> memref<1x128x128xf32, #tpu.memory_space<vmem>>
      %dma_start3A_262 = tpu.memref_squeeze %dma_start3A_261 : memref<1x128x128xf32, #tpu.memory_space<vmem>> -> memref<128x128xf32, #tpu.memory_space<vmem>>
      %dma_start3A_263 = arith.constant 0 : i32
      %dma_start3A_264 = tpu.memref_slice %arg7[%rem3A_241, %dma_start3A_263] : memref<2x128xi32, #tpu.memory_space<vmem>> -> memref<1x128xi32, #tpu.memory_space<vmem>>
      %dma_start3A_265 = tpu.memref_squeeze %dma_start3A_264 : memref<1x128xi32, #tpu.memory_space<vmem>> -> memref<128xi32, #tpu.memory_space<vmem>>
      %dma_start3A_266 = arith.constant 0 : i32
      %dma_start3A_267 = arith.constant 0 : i32
      %dma_start3A_268 = tpu.memref_slice %arg9[%dma_start3A_266, %dma_start3A_267] : memref<10112x128xf32, #tpu.memory_space<vmem_shared>> -> memref<10112x128xf32, #tpu.memory_space<vmem_shared>>
      tpu.enqueue_indirect_dma source(%dma_start3A_262 : memref<128x128xf32, #tpu.memory_space<vmem>>) target(%dma_start3A_268 : memref<10112x128xf32, #tpu.memory_space<vmem_shared>>) offsets(%dma_start3A_265 : memref<128xi32, #tpu.memory_space<vmem>>) semaphore(%arg11 : memref<!tpu.dma_semaphore, #tpu.memory_space<semaphore_mem>>) {add = true}
    }
    %while3A_221 = arith.constant 1 : i32
    scf.for %while3A_239 = %while3A_219 to %while3A_215 step %while3A_221  : i32 {
      %rem3A_240 = arith.constant 2 : i32
      %rem3A_241 = arith.remsi %while3A_239, %rem3A_240 : i32
      %dma_wait3A_242 = arith.constant 0 : i32
      %dma_wait3A_243 = arith.constant 0 : i32
      %dma_wait3A_244 = tpu.memref_slice %arg8[%rem3A_241, %dma_wait3A_242, %dma_wait3A_243] : memref<2x128x128xf32, #tpu.memory_space<vmem>> -> memref<1x128x128xf32, #tpu.memory_space<vmem>>
      %dma_wait3A_245 = tpu.memref_squeeze %dma_wait3A_244 : memref<1x128x128xf32, #tpu.memory_space<vmem>> -> memref<128x128xf32, #tpu.memory_space<vmem>>
      %dma_wait3A_246 = arith.constant 0 : i32
      %dma_wait3A_247 = tpu.memref_slice %arg6[%rem3A_241, %dma_wait3A_246] : memref<2x128xi32, #tpu.memory_space<vmem>> -> memref<1x128xi32, #tpu.memory_space<vmem>>
      %dma_wait3A_248 = tpu.memref_squeeze %dma_wait3A_247 : memref<1x128xi32, #tpu.memory_space<vmem>> -> memref<128xi32, #tpu.memory_space<vmem>>
      %dma_wait3A_249 = arith.constant 0 : i32
      %dma_wait3A_250 = arith.constant 0 : i32
      %dma_wait3A_251 = tpu.memref_slice %arg2[%dma_wait3A_249, %dma_wait3A_250] : memref<10112x128xf32, #tpu.memory_space<hbm>> -> memref<10112x128xf32, #tpu.memory_space<hbm>>
      tpu.wait_indirect_dma semaphore(%arg10 : memref<!tpu.dma_semaphore, #tpu.memory_space<semaphore_mem>>) src(%dma_wait3A_251 : memref<10112x128xf32, #tpu.memory_space<hbm>>) dst(%dma_wait3A_245 : memref<128x128xf32, #tpu.memory_space<vmem>>)
      %ge3A = arith.constant 1 : i32
      %ge3A_252 = arith.cmpi sge, %while3A_239, %ge3A : i32
      %convert_element_type3A = arith.extui %ge3A_252 : i1 to i32
      %cond3A = arith.constant 0 : i32
      %cond3A_253 = arith.cmpi ne, %convert_element_type3A, %cond3A : i32
      scf.if %cond3A_253 {
        %sub3A_269 = arith.constant 1 : i32
        %sub3A_270 = arith.subi %sub3A_269, %rem3A_241 : i32
        %sub3A_271 = arith.constant 1 : i32
        %sub3A_272 = arith.subi %sub3A_271, %rem3A_241 : i32
        %dma_wait3A_273 = arith.constant 0 : i32
        %dma_wait3A_274 = arith.constant 0 : i32
        %dma_wait3A_275 = tpu.memref_slice %arg8[%sub3A_270, %dma_wait3A_273, %dma_wait3A_274] : memref<2x128x128xf32, #tpu.memory_space<vmem>> -> memref<1x128x128xf32, #tpu.memory_space<vmem>>
        %dma_wait3A_276 = tpu.memref_squeeze %dma_wait3A_275 : memref<1x128x128xf32, #tpu.memory_space<vmem>> -> memref<128x128xf32, #tpu.memory_space<vmem>>
        %dma_wait3A_277 = arith.constant 0 : i32
        %dma_wait3A_278 = tpu.memref_slice %arg7[%sub3A_272, %dma_wait3A_277] : memref<2x128xi32, #tpu.memory_space<vmem>> -> memref<1x128xi32, #tpu.memory_space<vmem>>
        %dma_wait3A_279 = tpu.memref_squeeze %dma_wait3A_278 : memref<1x128xi32, #tpu.memory_space<vmem>> -> memref<128xi32, #tpu.memory_space<vmem>>
        %dma_wait3A_280 = arith.constant 0 : i32
        %dma_wait3A_281 = arith.constant 0 : i32
        %dma_wait3A_282 = tpu.memref_slice %arg9[%dma_wait3A_280, %dma_wait3A_281] : memref<10112x128xf32, #tpu.memory_space<vmem_shared>> -> memref<10112x128xf32, #tpu.memory_space<vmem_shared>>
        tpu.wait_indirect_dma semaphore(%arg11 : memref<!tpu.dma_semaphore, #tpu.memory_space<semaphore_mem>>) src(%dma_wait3A_276 : memref<128x128xf32, #tpu.memory_space<vmem>>) dst(%dma_wait3A_282 : memref<10112x128xf32, #tpu.memory_space<vmem_shared>>)
      } else {
      }
      %add3A_254 = arith.constant 1 : i32
      %add3A_255 = arith.addi %while3A_239, %add3A_254 : i32
      %lt3A = arith.cmpi slt, %add3A_255, %select_n3A : i32
      %convert_element_type3A_256 = arith.extui %lt3A : i1 to i32
      %cond3A_257 = arith.constant 0 : i32
      %cond3A_258 = arith.cmpi ne, %convert_element_type3A_256, %cond3A_257 : i32
      scf.if %cond3A_258 {
        %add3A_269 = arith.constant 1 : i32
        %add3A_270 = arith.addi %while3A_239, %add3A_269 : i32
        %sub3A_271 = arith.constant 1 : i32
        %sub3A_272 = arith.subi %sub3A_271, %rem3A_241 : i32
        %get3A_273 = arith.index_cast %add3A_270 : i32 to index
        %get3A_274 = arith.constant 0 : index
        %get3A_275 = tpu.vector_load %arg5[%get3A_273, %get3A_274] {strides = array<i32>} : memref<101x128xi32, #tpu.memory_space<vmem>>, vector<1x16xi32>,
        %get3A_276 = vector.shape_cast %get3A_275 : vector<1x16xi32> to vector<16xi32>
        %shift_right_logical3A_277 = arith.constant 16 : i32
        %shift_right_logical3A_278 = vector.broadcast %shift_right_logical3A_277 : i32 to vector<16xi32>
        %shift_right_logical3A_279 = arith.shrui %get3A_276, %shift_right_logical3A_278 : vector<16xi32>
        %swap3A_280 = arith.index_cast %sub3A_272 : i32 to index
        %swap3A_281 = arith.constant 0 : index
        %swap3A_282 = tpu.vector_load %arg6[%swap3A_280, %swap3A_281] {strides = array<i32>} : memref<2x128xi32, #tpu.memory_space<vmem>>, vector<1x16xi32>,
        %swap3A_283 = vector.shape_cast %swap3A_282 : vector<1x16xi32> to vector<16xi32>
        %swap3A_284 = vector.shape_cast %shift_right_logical3A_279 : vector<16xi32> to vector<1x16xi32>
        tpu.vector_store %arg6[%swap3A_280, %swap3A_281], %swap3A_284 {strides = array<i32>} : memref<2x128xi32, #tpu.memory_space<vmem>>, vector<1x16xi32>,
        %and3A_285 = arith.constant 65535 : i32
        %and3A_286 = vector.broadcast %and3A_285 : i32 to vector<16xi32>
        %and3A_287 = arith.andi %get3A_276, %and3A_286 : vector<16xi32>
        %swap3A_288 = arith.index_cast %sub3A_272 : i32 to index
        %swap3A_289 = arith.constant 0 : index
        %swap3A_290 = tpu.vector_load %arg7[%swap3A_288, %swap3A_289] {strides = array<i32>} : memref<2x128xi32, #tpu.memory_space<vmem>>, vector<1x16xi32>,
        %swap3A_291 = vector.shape_cast %swap3A_290 : vector<1x16xi32> to vector<16xi32>
        %swap3A_292 = vector.shape_cast %and3A_287 : vector<16xi32> to vector<1x16xi32>
        tpu.vector_store %arg7[%swap3A_288, %swap3A_289], %swap3A_292 {strides = array<i32>} : memref<2x128xi32, #tpu.memory_space<vmem>>, vector<1x16xi32>,
        %get3A_293 = arith.index_cast %add3A_270 : i32 to index
        %get3A_294 = arith.constant 16 : index
        %get3A_295 = tpu.vector_load %arg5[%get3A_293, %get3A_294] {strides = array<i32>} : memref<101x128xi32, #tpu.memory_space<vmem>>, vector<1x16xi32>,
        %get3A_296 = vector.shape_cast %get3A_295 : vector<1x16xi32> to vector<16xi32>
        %shift_right_logical3A_297 = arith.constant 16 : i32
        %shift_right_logical3A_298 = vector.broadcast %shift_right_logical3A_297 : i32 to vector<16xi32>
        %shift_right_logical3A_299 = arith.shrui %get3A_296, %shift_right_logical3A_298 : vector<16xi32>
        %swap3A_300 = arith.index_cast %sub3A_272 : i32 to index
        %swap3A_301 = arith.constant 16 : index
        %swap3A_302 = tpu.vector_load %arg6[%swap3A_300, %swap3A_301] {strides = array<i32>} : memref<2x128xi32, #tpu.memory_space<vmem>>, vector<1x16xi32>,
        %swap3A_303 = vector.shape_cast %swap3A_302 : vector<1x16xi32> to vector<16xi32>
        %swap3A_304 = vector.shape_cast %shift_right_logical3A_299 : vector<16xi32> to vector<1x16xi32>
        tpu.vector_store %arg6[%swap3A_300, %swap3A_301], %swap3A_304 {strides = array<i32>} : memref<2x128xi32, #tpu.memory_space<vmem>>, vector<1x16xi32>,
        %and3A_305 = arith.constant 65535 : i32
        %and3A_306 = vector.broadcast %and3A_305 : i32 to vector<16xi32>
        %and3A_307 = arith.andi %get3A_296, %and3A_306 : vector<16xi32>
        %swap3A_308 = arith.index_cast %sub3A_272 : i32 to index
        %swap3A_309 = arith.constant 16 : index
        %swap3A_310 = tpu.vector_load %arg7[%swap3A_308, %swap3A_309] {strides = array<i32>} : memref<2x128xi32, #tpu.memory_space<vmem>>, vector<1x16xi32>,
        %swap3A_311 = vector.shape_cast %swap3A_310 : vector<1x16xi32> to vector<16xi32>
        %swap3A_312 = vector.shape_cast %and3A_307 : vector<16xi32> to vector<1x16xi32>
        tpu.vector_store %arg7[%swap3A_308, %swap3A_309], %swap3A_312 {strides = array<i32>} : memref<2x128xi32, #tpu.memory_space<vmem>>, vector<1x16xi32>,
        %get3A_313 = arith.index_cast %add3A_270 : i32 to index
        %get3A_314 = arith.constant 32 : index
        %get3A_315 = tpu.vector_load %arg5[%get3A_313, %get3A_314] {strides = array<i32>} : memref<101x128xi32, #tpu.memory_space<vmem>>, vector<1x16xi32>,
        %get3A_316 = vector.shape_cast %get3A_315 : vector<1x16xi32> to vector<16xi32>
        %shift_right_logical3A_317 = arith.constant 16 : i32
        %shift_right_logical3A_318 = vector.broadcast %shift_right_logical3A_317 : i32 to vector<16xi32>
        %shift_right_logical3A_319 = arith.shrui %get3A_316, %shift_right_logical3A_318 : vector<16xi32>
        %swap3A_320 = arith.index_cast %sub3A_272 : i32 to index
        %swap3A_321 = arith.constant 32 : index
        %swap3A_322 = tpu.vector_load %arg6[%swap3A_320, %swap3A_321] {strides = array<i32>} : memref<2x128xi32, #tpu.memory_space<vmem>>, vector<1x16xi32>,
        %swap3A_323 = vector.shape_cast %swap3A_322 : vector<1x16xi32> to vector<16xi32>
        %swap3A_324 = vector.shape_cast %shift_right_logical3A_319 : vector<16xi32> to vector<1x16xi32>
        tpu.vector_store %arg6[%swap3A_320, %swap3A_321], %swap3A_324 {strides = array<i32>} : memref<2x128xi32, #tpu.memory_space<vmem>>, vector<1x16xi32>,
        %and3A_325 = arith.constant 65535 : i32
        %and3A_326 = vector.broadcast %and3A_325 : i32 to vector<16xi32>
        %and3A_327 = arith.andi %get3A_316, %and3A_326 : vector<16xi32>
        %swap3A_328 = arith.index_cast %sub3A_272 : i32 to index
        %swap3A_329 = arith.constant 32 : index
        %swap3A_330 = tpu.vector_load %arg7[%swap3A_328, %swap3A_329] {strides = array<i32>} : memref<2x128xi32, #tpu.memory_space<vmem>>, vector<1x16xi32>,
        %swap3A_331 = vector.shape_cast %swap3A_330 : vector<1x16xi32> to vector<16xi32>
        %swap3A_332 = vector.shape_cast %and3A_327 : vector<16xi32> to vector<1x16xi32>
        tpu.vector_store %arg7[%swap3A_328, %swap3A_329], %swap3A_332 {strides = array<i32>} : memref<2x128xi32, #tpu.memory_space<vmem>>, vector<1x16xi32>,
        %get3A_333 = arith.index_cast %add3A_270 : i32 to index
        %get3A_334 = arith.constant 48 : index
        %get3A_335 = tpu.vector_load %arg5[%get3A_333, %get3A_334] {strides = array<i32>} : memref<101x128xi32, #tpu.memory_space<vmem>>, vector<1x16xi32>,
        %get3A_336 = vector.shape_cast %get3A_335 : vector<1x16xi32> to vector<16xi32>
        %shift_right_logical3A_337 = arith.constant 16 : i32
        %shift_right_logical3A_338 = vector.broadcast %shift_right_logical3A_337 : i32 to vector<16xi32>
        %shift_right_logical3A_339 = arith.shrui %get3A_336, %shift_right_logical3A_338 : vector<16xi32>
        %swap3A_340 = arith.index_cast %sub3A_272 : i32 to index
        %swap3A_341 = arith.constant 48 : index
        %swap3A_342 = tpu.vector_load %arg6[%swap3A_340, %swap3A_341] {strides = array<i32>} : memref<2x128xi32, #tpu.memory_space<vmem>>, vector<1x16xi32>,
        %swap3A_343 = vector.shape_cast %swap3A_342 : vector<1x16xi32> to vector<16xi32>
        %swap3A_344 = vector.shape_cast %shift_right_logical3A_339 : vector<16xi32> to vector<1x16xi32>
        tpu.vector_store %arg6[%swap3A_340, %swap3A_341], %swap3A_344 {strides = array<i32>} : memref<2x128xi32, #tpu.memory_space<vmem>>, vector<1x16xi32>,
        %and3A_345 = arith.constant 65535 : i32
        %and3A_346 = vector.broadcast %and3A_345 : i32 to vector<16xi32>
        %and3A_347 = arith.andi %get3A_336, %and3A_346 : vector<16xi32>
        %swap3A_348 = arith.index_cast %sub3A_272 : i32 to index
        %swap3A_349 = arith.constant 48 : index
        %swap3A_350 = tpu.vector_load %arg7[%swap3A_348, %swap3A_349] {strides = array<i32>} : memref<2x128xi32, #tpu.memory_space<vmem>>, vector<1x16xi32>,
        %swap3A_351 = vector.shape_cast %swap3A_350 : vector<1x16xi32> to vector<16xi32>
        %swap3A_352 = vector.shape_cast %and3A_347 : vector<16xi32> to vector<1x16xi32>
        tpu.vector_store %arg7[%swap3A_348, %swap3A_349], %swap3A_352 {strides = array<i32>} : memref<2x128xi32, #tpu.memory_space<vmem>>, vector<1x16xi32>,
        %get3A_353 = arith.index_cast %add3A_270 : i32 to index
        %get3A_354 = arith.constant 64 : index
        %get3A_355 = tpu.vector_load %arg5[%get3A_353, %get3A_354] {strides = array<i32>} : memref<101x128xi32, #tpu.memory_space<vmem>>, vector<1x16xi32>,
        %get3A_356 = vector.shape_cast %get3A_355 : vector<1x16xi32> to vector<16xi32>
        %shift_right_logical3A_357 = arith.constant 16 : i32
        %shift_right_logical3A_358 = vector.broadcast %shift_right_logical3A_357 : i32 to vector<16xi32>
        %shift_right_logical3A_359 = arith.shrui %get3A_356, %shift_right_logical3A_358 : vector<16xi32>
        %swap3A_360 = arith.index_cast %sub3A_272 : i32 to index
        %swap3A_361 = arith.constant 64 : index
        %swap3A_362 = tpu.vector_load %arg6[%swap3A_360, %swap3A_361] {strides = array<i32>} : memref<2x128xi32, #tpu.memory_space<vmem>>, vector<1x16xi32>,
        %swap3A_363 = vector.shape_cast %swap3A_362 : vector<1x16xi32> to vector<16xi32>
        %swap3A_364 = vector.shape_cast %shift_right_logical3A_359 : vector<16xi32> to vector<1x16xi32>
        tpu.vector_store %arg6[%swap3A_360, %swap3A_361], %swap3A_364 {strides = array<i32>} : memref<2x128xi32, #tpu.memory_space<vmem>>, vector<1x16xi32>,
        %and3A_365 = arith.constant 65535 : i32
        %and3A_366 = vector.broadcast %and3A_365 : i32 to vector<16xi32>
        %and3A_367 = arith.andi %get3A_356, %and3A_366 : vector<16xi32>
        %swap3A_368 = arith.index_cast %sub3A_272 : i32 to index
        %swap3A_369 = arith.constant 64 : index
        %swap3A_370 = tpu.vector_load %arg7[%swap3A_368, %swap3A_369] {strides = array<i32>} : memref<2x128xi32, #tpu.memory_space<vmem>>, vector<1x16xi32>,
        %swap3A_371 = vector.shape_cast %swap3A_370 : vector<1x16xi32> to vector<16xi32>
        %swap3A_372 = vector.shape_cast %and3A_367 : vector<16xi32> to vector<1x16xi32>
        tpu.vector_store %arg7[%swap3A_368, %swap3A_369], %swap3A_372 {strides = array<i32>} : memref<2x128xi32, #tpu.memory_space<vmem>>, vector<1x16xi32>,
        %get3A_373 = arith.index_cast %add3A_270 : i32 to index
        %get3A_374 = arith.constant 80 : index
        %get3A_375 = tpu.vector_load %arg5[%get3A_373, %get3A_374] {strides = array<i32>} : memref<101x128xi32, #tpu.memory_space<vmem>>, vector<1x16xi32>,
        %get3A_376 = vector.shape_cast %get3A_375 : vector<1x16xi32> to vector<16xi32>
        %shift_right_logical3A_377 = arith.constant 16 : i32
        %shift_right_logical3A_378 = vector.broadcast %shift_right_logical3A_377 : i32 to vector<16xi32>
        %shift_right_logical3A_379 = arith.shrui %get3A_376, %shift_right_logical3A_378 : vector<16xi32>
        %swap3A_380 = arith.index_cast %sub3A_272 : i32 to index
        %swap3A_381 = arith.constant 80 : index
        %swap3A_382 = tpu.vector_load %arg6[%swap3A_380, %swap3A_381] {strides = array<i32>} : memref<2x128xi32, #tpu.memory_space<vmem>>, vector<1x16xi32>,
        %swap3A_383 = vector.shape_cast %swap3A_382 : vector<1x16xi32> to vector<16xi32>
        %swap3A_384 = vector.shape_cast %shift_right_logical3A_379 : vector<16xi32> to vector<1x16xi32>
        tpu.vector_store %arg6[%swap3A_380, %swap3A_381], %swap3A_384 {strides = array<i32>} : memref<2x128xi32, #tpu.memory_space<vmem>>, vector<1x16xi32>,
        %and3A_385 = arith.constant 65535 : i32
        %and3A_386 = vector.broadcast %and3A_385 : i32 to vector<16xi32>
        %and3A_387 = arith.andi %get3A_376, %and3A_386 : vector<16xi32>
        %swap3A_388 = arith.index_cast %sub3A_272 : i32 to index
        %swap3A_389 = arith.constant 80 : index
        %swap3A_390 = tpu.vector_load %arg7[%swap3A_388, %swap3A_389] {strides = array<i32>} : memref<2x128xi32, #tpu.memory_space<vmem>>, vector<1x16xi32>,
        %swap3A_391 = vector.shape_cast %swap3A_390 : vector<1x16xi32> to vector<16xi32>
        %swap3A_392 = vector.shape_cast %and3A_387 : vector<16xi32> to vector<1x16xi32>
        tpu.vector_store %arg7[%swap3A_388, %swap3A_389], %swap3A_392 {strides = array<i32>} : memref<2x128xi32, #tpu.memory_space<vmem>>, vector<1x16xi32>,
        %get3A_393 = arith.index_cast %add3A_270 : i32 to index
        %get3A_394 = arith.constant 96 : index
        %get3A_395 = tpu.vector_load %arg5[%get3A_393, %get3A_394] {strides = array<i32>} : memref<101x128xi32, #tpu.memory_space<vmem>>, vector<1x16xi32>,
        %get3A_396 = vector.shape_cast %get3A_395 : vector<1x16xi32> to vector<16xi32>
        %shift_right_logical3A_397 = arith.constant 16 : i32
        %shift_right_logical3A_398 = vector.broadcast %shift_right_logical3A_397 : i32 to vector<16xi32>
        %shift_right_logical3A_399 = arith.shrui %get3A_396, %shift_right_logical3A_398 : vector<16xi32>
        %swap3A_400 = arith.index_cast %sub3A_272 : i32 to index
        %swap3A_401 = arith.constant 96 : index
        %swap3A_402 = tpu.vector_load %arg6[%swap3A_400, %swap3A_401] {strides = array<i32>} : memref<2x128xi32, #tpu.memory_space<vmem>>, vector<1x16xi32>,
        %swap3A_403 = vector.shape_cast %swap3A_402 : vector<1x16xi32> to vector<16xi32>
        %swap3A_404 = vector.shape_cast %shift_right_logical3A_399 : vector<16xi32> to vector<1x16xi32>
        tpu.vector_store %arg6[%swap3A_400, %swap3A_401], %swap3A_404 {strides = array<i32>} : memref<2x128xi32, #tpu.memory_space<vmem>>, vector<1x16xi32>,
        %and3A_405 = arith.constant 65535 : i32
        %and3A_406 = vector.broadcast %and3A_405 : i32 to vector<16xi32>
        %and3A_407 = arith.andi %get3A_396, %and3A_406 : vector<16xi32>
        %swap3A_408 = arith.index_cast %sub3A_272 : i32 to index
        %swap3A_409 = arith.constant 96 : index
        %swap3A_410 = tpu.vector_load %arg7[%swap3A_408, %swap3A_409] {strides = array<i32>} : memref<2x128xi32, #tpu.memory_space<vmem>>, vector<1x16xi32>,
        %swap3A_411 = vector.shape_cast %swap3A_410 : vector<1x16xi32> to vector<16xi32>
        %swap3A_412 = vector.shape_cast %and3A_407 : vector<16xi32> to vector<1x16xi32>
        tpu.vector_store %arg7[%swap3A_408, %swap3A_409], %swap3A_412 {strides = array<i32>} : memref<2x128xi32, #tpu.memory_space<vmem>>, vector<1x16xi32>,
        %get3A_413 = arith.index_cast %add3A_270 : i32 to index
        %get3A_414 = arith.constant 112 : index
        %get3A_415 = tpu.vector_load %arg5[%get3A_413, %get3A_414] {strides = array<i32>} : memref<101x128xi32, #tpu.memory_space<vmem>>, vector<1x16xi32>,
        %get3A_416 = vector.shape_cast %get3A_415 : vector<1x16xi32> to vector<16xi32>
        %shift_right_logical3A_417 = arith.constant 16 : i32
        %shift_right_logical3A_418 = vector.broadcast %shift_right_logical3A_417 : i32 to vector<16xi32>
        %shift_right_logical3A_419 = arith.shrui %get3A_416, %shift_right_logical3A_418 : vector<16xi32>
        %swap3A_420 = arith.index_cast %sub3A_272 : i32 to index
        %swap3A_421 = arith.constant 112 : index
        %swap3A_422 = tpu.vector_load %arg6[%swap3A_420, %swap3A_421] {strides = array<i32>} : memref<2x128xi32, #tpu.memory_space<vmem>>, vector<1x16xi32>,
        %swap3A_423 = vector.shape_cast %swap3A_422 : vector<1x16xi32> to vector<16xi32>
        %swap3A_424 = vector.shape_cast %shift_right_logical3A_419 : vector<16xi32> to vector<1x16xi32>
        tpu.vector_store %arg6[%swap3A_420, %swap3A_421], %swap3A_424 {strides = array<i32>} : memref<2x128xi32, #tpu.memory_space<vmem>>, vector<1x16xi32>,
        %and3A_425 = arith.constant 65535 : i32
        %and3A_426 = vector.broadcast %and3A_425 : i32 to vector<16xi32>
        %and3A_427 = arith.andi %get3A_416, %and3A_426 : vector<16xi32>
        %swap3A_428 = arith.index_cast %sub3A_272 : i32 to index
        %swap3A_429 = arith.constant 112 : index
        %swap3A_430 = tpu.vector_load %arg7[%swap3A_428, %swap3A_429] {strides = array<i32>} : memref<2x128xi32, #tpu.memory_space<vmem>>, vector<1x16xi32>,
        %swap3A_431 = vector.shape_cast %swap3A_430 : vector<1x16xi32> to vector<16xi32>
        %swap3A_432 = vector.shape_cast %and3A_427 : vector<16xi32> to vector<1x16xi32>
        tpu.vector_store %arg7[%swap3A_428, %swap3A_429], %swap3A_432 {strides = array<i32>} : memref<2x128xi32, #tpu.memory_space<vmem>>, vector<1x16xi32>,
        %sub3A_433 = arith.constant 1 : i32
        %sub3A_434 = arith.subi %sub3A_433, %rem3A_241 : i32
        %sub3A_435 = arith.constant 1 : i32
        %sub3A_436 = arith.subi %sub3A_435, %rem3A_241 : i32
        %dma_start3A_437 = arith.constant 0 : i32
        %dma_start3A_438 = arith.constant 0 : i32
        %dma_start3A_439 = tpu.memref_slice %arg8[%sub3A_436, %dma_start3A_437, %dma_start3A_438] : memref<2x128x128xf32, #tpu.memory_space<vmem>> -> memref<1x128x128xf32, #tpu.memory_space<vmem>>
        %dma_start3A_440 = tpu.memref_squeeze %dma_start3A_439 : memref<1x128x128xf32, #tpu.memory_space<vmem>> -> memref<128x128xf32, #tpu.memory_space<vmem>>
        %dma_start3A_441 = arith.constant 0 : i32
        %dma_start3A_442 = tpu.memref_slice %arg6[%sub3A_434, %dma_start3A_441] : memref<2x128xi32, #tpu.memory_space<vmem>> -> memref<1x128xi32, #tpu.memory_space<vmem>>
        %dma_start3A_443 = tpu.memref_squeeze %dma_start3A_442 : memref<1x128xi32, #tpu.memory_space<vmem>> -> memref<128xi32, #tpu.memory_space<vmem>>
        %dma_start3A_444 = arith.constant 0 : i32
        %dma_start3A_445 = arith.constant 0 : i32
        %dma_start3A_446 = tpu.memref_slice %arg2[%dma_start3A_444, %dma_start3A_445] : memref<10112x128xf32, #tpu.memory_space<hbm>> -> memref<10112x128xf32, #tpu.memory_space<hbm>>
        tpu.enqueue_indirect_dma source(%dma_start3A_446 : memref<10112x128xf32, #tpu.memory_space<hbm>>) target(%dma_start3A_440 : memref<128x128xf32, #tpu.memory_space<vmem>>) offsets(%dma_start3A_443 : memref<128xi32, #tpu.memory_space<vmem>>) semaphore(%arg10 : memref<!tpu.dma_semaphore, #tpu.memory_space<semaphore_mem>>)
      } else {
      }
      %dma_start3A_259 = arith.constant 0 : i32
      %dma_start3A_260 = arith.constant 0 : i32
      %dma_start3A_261 = tpu.memref_slice %arg8[%rem3A_241, %dma_start3A_259, %dma_start3A_260] : memref<2x128x128xf32, #tpu.memory_space<vmem>> -> memref<1x128x128xf32, #tpu.memory_space<vmem>>
      %dma_start3A_262 = tpu.memref_squeeze %dma_start3A_261 : memref<1x128x128xf32, #tpu.memory_space<vmem>> -> memref<128x128xf32, #tpu.memory_space<vmem>>
      %dma_start3A_263 = arith.constant 0 : i32
      %dma_start3A_264 = tpu.memref_slice %arg7[%rem3A_241, %dma_start3A_263] : memref<2x128xi32, #tpu.memory_space<vmem>> -> memref<1x128xi32, #tpu.memory_space<vmem>>
      %dma_start3A_265 = tpu.memref_squeeze %dma_start3A_264 : memref<1x128xi32, #tpu.memory_space<vmem>> -> memref<128xi32, #tpu.memory_space<vmem>>
      %dma_start3A_266 = arith.constant 0 : i32
      %dma_start3A_267 = arith.constant 0 : i32
      %dma_start3A_268 = tpu.memref_slice %arg9[%dma_start3A_266, %dma_start3A_267] : memref<10112x128xf32, #tpu.memory_space<vmem_shared>> -> memref<10112x128xf32, #tpu.memory_space<vmem_shared>>
      tpu.enqueue_indirect_dma source(%dma_start3A_262 : memref<128x128xf32, #tpu.memory_space<vmem>>) target(%dma_start3A_268 : memref<10112x128xf32, #tpu.memory_space<vmem_shared>>) offsets(%dma_start3A_265 : memref<128xi32, #tpu.memory_space<vmem>>) semaphore(%arg11 : memref<!tpu.dma_semaphore, #tpu.memory_space<semaphore_mem>>) {add = true}
    }
    %sub3A = arith.constant 1 : i32
    %sub3A_222 = arith.subi %select_n3A, %sub3A : i32
    %rem3A = arith.constant 2 : i32
    %rem3A_223 = arith.remsi %sub3A_222, %rem3A : i32
    %dma_wait3A_224 = arith.constant 0 : i32
    %dma_wait3A_225 = arith.constant 0 : i32
    %dma_wait3A_226 = tpu.memref_slice %arg8[%rem3A_223, %dma_wait3A_224, %dma_wait3A_225] : memref<2x128x128xf32, #tpu.memory_space<vmem>> -> memref<1x128x128xf32, #tpu.memory_space<vmem>>
    %dma_wait3A_227 = tpu.memref_squeeze %dma_wait3A_226 : memref<1x128x128xf32, #tpu.memory_space<vmem>> -> memref<128x128xf32, #tpu.memory_space<vmem>>
    %dma_wait3A_228 = arith.constant 0 : i32
    %dma_wait3A_229 = tpu.memref_slice %arg7[%rem3A_223, %dma_wait3A_228] : memref<2x128xi32, #tpu.memory_space<vmem>> -> memref<1x128xi32, #tpu.memory_space<vmem>>
    %dma_wait3A_230 = tpu.memref_squeeze %dma_wait3A_229 : memref<1x128xi32, #tpu.memory_space<vmem>> -> memref<128xi32, #tpu.memory_space<vmem>>
    %dma_wait3A_231 = arith.constant 0 : i32
    %dma_wait3A_232 = arith.constant 0 : i32
    %dma_wait3A_233 = tpu.memref_slice %arg9[%dma_wait3A_231, %dma_wait3A_232] : memref<10112x128xf32, #tpu.memory_space<vmem_shared>> -> memref<10112x128xf32, #tpu.memory_space<vmem_shared>>
    tpu.wait_indirect_dma semaphore(%arg11 : memref<!tpu.dma_semaphore, #tpu.memory_space<semaphore_mem>>) src(%dma_wait3A_227 : memref<128x128xf32, #tpu.memory_space<vmem>>) dst(%dma_wait3A_233 : memref<10112x128xf32, #tpu.memory_space<vmem_shared>>)
    %barrier3A_234 = arith.constant 0 : index
    tpu.barrier barrier_id(%barrier3A_234)
    %mul3A_235 = arith.constant 632 : i32
    %mul3A_236 = arith.muli %arg1, %mul3A_235 : i32
    %mul3A_237 = arith.constant 632 : i32
    %mul3A_238 = arith.muli %arg1, %mul3A_237 : i32
    "tpu.region"() ({
      %run_scoped3A = tpu.sem_alloc : memref<!tpu.dma_semaphore, #tpu.memory_space<semaphore_mem>>
      %dma_start3A_239 = arith.constant 0 : i32
      %dma_start3A_240 = tpu.memref_slice %arg4[%arg0, %mul3A_238, %dma_start3A_239] : memref<2x10112x128xf32, #tpu.memory_space<hbm>> -> memref<1x632x128xf32, #tpu.memory_space<hbm>>
      %dma_start3A_241 = tpu.memref_squeeze %dma_start3A_240 : memref<1x632x128xf32, #tpu.memory_space<hbm>> -> memref<632x128xf32, #tpu.memory_space<hbm>>
      %dma_start3A_242 = arith.constant 0 : i32
      %dma_start3A_243 = tpu.memref_slice %arg9[%mul3A_236, %dma_start3A_242] : memref<10112x128xf32, #tpu.memory_space<vmem_shared>> -> memref<632x128xf32, #tpu.memory_space<vmem_shared>>
      tpu.enqueue_dma source(%dma_start3A_243 : memref<632x128xf32, #tpu.memory_space<vmem_shared>>) target(%dma_start3A_241 : memref<632x128xf32, #tpu.memory_space<hbm>>) target_semaphore(%run_scoped3A : memref<!tpu.dma_semaphore, #tpu.memory_space<semaphore_mem>>)
      %dma_wait3A_244 = arith.constant 0 : i32
      %dma_wait3A_245 = tpu.memref_slice %arg4[%arg0, %mul3A_238, %dma_wait3A_244] : memref<2x10112x128xf32, #tpu.memory_space<hbm>> -> memref<1x632x128xf32, #tpu.memory_space<hbm>>
      %dma_wait3A_246 = tpu.memref_squeeze %dma_wait3A_245 : memref<1x632x128xf32, #tpu.memory_space<hbm>> -> memref<632x128xf32, #tpu.memory_space<hbm>>
      %dma_wait3A_247 = arith.constant 0 : i32
      %dma_wait3A_248 = tpu.memref_slice %arg9[%mul3A_236, %dma_wait3A_247] : memref<10112x128xf32, #tpu.memory_space<vmem_shared>> -> memref<632x128xf32, #tpu.memory_space<vmem_shared>>
      tpu.wait_dma2 semaphore(%run_scoped3A : memref<!tpu.dma_semaphore, #tpu.memory_space<semaphore_mem>>) src(%dma_wait3A_248 : memref<632x128xf32, #tpu.memory_space<vmem_shared>>) dst(%dma_wait3A_246 : memref<632x128xf32, #tpu.memory_space<hbm>>)
      tpu.yield
    }) : () -> ()
    return
  }
}

module attributes {stable_mosaic.version = 14 : i64} {
  func.func @_tc_stats_body(%arg0: memref<10000x128xf32, #tpu.memory_space<vmem>>, %arg1: memref<2x128xf32, #tpu.memory_space<vmem>>) attributes {dimension_semantics = [], scalar_prefetch = 0 : i64, scratch_operands = 0 : i64, tpu.core_type = #tpu.core_type<tc>} {
    %get3A = arith.constant 0 : index
    %get3A_0 = arith.constant 0 : index
    %get3A_1 = vector.load %arg0[%get3A, %get3A_0] : memref<10000x128xf32, #tpu.memory_space<vmem>>, vector<10000x128xf32>
    %reduce_sum3A = arith.constant dense<0.000000e+00> : vector<128xf32>
    %reduce_sum3A_2 = vector.multi_reduction <add>, %get3A_1, %reduce_sum3A [0] : vector<10000x128xf32> to vector<128xf32>
    %broadcast_in_dim3A = vector.shape_cast %reduce_sum3A_2 : vector<128xf32> to vector<1x128xf32>
    %swap3A = arith.constant 0 : index
    %swap3A_3 = arith.constant 0 : index
    %swap3A_4 = vector.load %arg1[%swap3A, %swap3A_3] : memref<2x128xf32, #tpu.memory_space<vmem>>, vector<1x128xf32>
    tpu.vector_store %arg1[%swap3A, %swap3A_3], %broadcast_in_dim3A {strides = array<i32>} : memref<2x128xf32, #tpu.memory_space<vmem>>, vector<1x128xf32>,
    %mul3A = arith.mulf %get3A_1, %get3A_1 : vector<10000x128xf32>
    %reduce_sum3A_5 = arith.constant dense<0.000000e+00> : vector<128xf32>
    %reduce_sum3A_6 = vector.multi_reduction <add>, %mul3A, %reduce_sum3A_5 [0] : vector<10000x128xf32> to vector<128xf32>
    %broadcast_in_dim3A_7 = vector.shape_cast %reduce_sum3A_6 : vector<128xf32> to vector<1x128xf32>
    %swap3A_8 = arith.constant 1 : index
    %swap3A_9 = arith.constant 0 : index
    %swap3A_10 = vector.load %arg1[%swap3A_8, %swap3A_9] : memref<2x128xf32, #tpu.memory_space<vmem>>, vector<1x128xf32>
    tpu.vector_store %arg1[%swap3A_8, %swap3A_9], %broadcast_in_dim3A_7 {strides = array<i32>} : memref<2x128xf32, #tpu.memory_space<vmem>>, vector<1x128xf32>,
    return
  }
}

module attributes {stable_mosaic.version = 14 : i64} {
  func.func @_tc_h1_body(%arg0: i32, %arg1: memref<632x128xf32, #tpu.memory_space<vmem>>, %arg2: memref<2x632x128xf32, #tpu.memory_space<vmem>>, %arg3: memref<128x128xf32, #tpu.memory_space<vmem>>, %arg4: memref<128x1xf32, #tpu.memory_space<vmem>>, %arg5: memref<1x128xf32, #tpu.memory_space<vmem>>, %arg6: memref<632x128xf32, #tpu.memory_space<vmem>>) attributes {dimension_semantics = [#tpu.dimension_semantics<arbitrary>], iteration_bounds = array<i64: 16>, scalar_prefetch = 0 : i64, scratch_operands = 0 : i64, tpu.core_type = #tpu.core_type<tc>, window_params = [{transform_indices = @transform_0, window_bounds = array<i64: 632, 128>}, {transform_indices = @transform_1, window_bounds = array<i64: 2, 632, 128>}, {pipeline_mode = #tpu.pipeline_mode<synchronous>, transform_indices = @transform_2, window_bounds = array<i64: 128, 128>}, {pipeline_mode = #tpu.pipeline_mode<synchronous>, transform_indices = @transform_3, window_bounds = array<i64: 128, 1>}, {pipeline_mode = #tpu.pipeline_mode<synchronous>, transform_indices = @transform_4, window_bounds = array<i64: 1, 128>}, {transform_indices = @transform_5, window_bounds = array<i64: 632, 128>}]} {
    %get3A = arith.constant 0 : index
    %get3A_0 = arith.constant 0 : index
    %get3A_1 = vector.load %arg3[%get3A, %get3A_0] : memref<128x128xf32, #tpu.memory_space<vmem>>, vector<128x128xf32>
    %get3A_2 = arith.constant 0 : index
    %get3A_3 = arith.constant 0 : index
    %get3A_4 = vector.load %arg4[%get3A_2, %get3A_3] : memref<128x1xf32, #tpu.memory_space<vmem>>, vector<128x1xf32>
    %mul3A = vector.broadcast %get3A_4 : vector<128x1xf32> to vector<128x128xf32>
    %mul3A_5 = arith.mulf %get3A_1, %mul3A : vector<128x128xf32>
    %get3A_6 = arith.constant 0 : index
    %get3A_7 = arith.constant 0 : index
    %get3A_8 = vector.load %arg5[%get3A_6, %get3A_7] : memref<1x128xf32, #tpu.memory_space<vmem>>, vector<1x128xf32>
    %get3A_9 = arith.constant 0 : index
    %get3A_10 = arith.constant 0 : index
    %get3A_11 = vector.load %arg3[%get3A_9, %get3A_10] : memref<128x128xf32, #tpu.memory_space<vmem>>, vector<128x128xf32>
    %dot_general3A = arith.constant dense<0.000000e+00> : vector<1x128xf32>
    %dot_general3A_12 = tpu.matmul %get3A_8, %get3A_11, %dot_general3A {dimension_numbers = #tpu.dot_dimension_numbers<[1], [0], [0], [1], [0, 0, 1, 1], [], []>, transpose_lhs_hint = false} : vector<1x128xf32>, vector<128x128xf32>, vector<1x128xf32> -> vector<1x128xf32>
    %get3A_13 = arith.constant 0 : index
    %get3A_14 = arith.constant 0 : index
    %get3A_15 = vector.load %arg1[%get3A_13, %get3A_14] : memref<632x128xf32, #tpu.memory_space<vmem>>, vector<632x128xf32>
    %dot_general3A_16 = arith.constant dense<0.000000e+00> : vector<632x128xf32>
    %dot_general3A_17 = tpu.matmul %get3A_15, %mul3A_5, %dot_general3A_16 {dimension_numbers = #tpu.dot_dimension_numbers<[1], [0], [0], [1], [0, 0, 1, 1], [], []>, transpose_lhs_hint = false} : vector<632x128xf32>, vector<128x128xf32>, vector<632x128xf32> -> vector<632x128xf32>
    %add3A = vector.broadcast %dot_general3A_12 : vector<1x128xf32> to vector<632x128xf32>
    %add3A_18 = arith.addf %dot_general3A_17, %add3A : vector<632x128xf32>
    %get3A_19 = arith.constant 0 : index
    %get3A_20 = arith.constant 0 : index
    %get3A_21 = arith.constant 0 : index
    %get3A_22 = vector.load %arg2[%get3A_19, %get3A_20, %get3A_21] : memref<2x632x128xf32, #tpu.memory_space<vmem>>, vector<1x632x1xf32>
    %get3A_23 = vector.shape_cast %get3A_22 : vector<1x632x1xf32> to vector<632x1xf32>
    %get3A_24 = arith.constant 1 : index
    %get3A_25 = arith.constant 0 : index
    %get3A_26 = arith.constant 0 : index
    %get3A_27 = vector.load %arg2[%get3A_24, %get3A_25, %get3A_26] : memref<2x632x128xf32, #tpu.memory_space<vmem>>, vector<1x632x1xf32>
    %get3A_28 = vector.shape_cast %get3A_27 : vector<1x632x1xf32> to vector<632x1xf32>
    %add3A_29 = arith.addf %get3A_23, %get3A_28 : vector<632x1xf32>
    %add3A_30 = arith.constant 1.000000e+00 : f32
    %add3A_31 = vector.broadcast %add3A_30 : f32 to vector<632x1xf32>
    %add3A_32 = arith.addf %add3A_29, %add3A_31 : vector<632x1xf32>
    %rsqrt3A = math.rsqrt %add3A_32 : vector<632x1xf32>
    %mul3A_33 = vector.broadcast %rsqrt3A : vector<632x1xf32> to vector<632x128xf32>
    %mul3A_34 = arith.mulf %add3A_18, %mul3A_33 : vector<632x128xf32>
    %swap3A = arith.constant 0 : index
    %swap3A_35 = arith.constant 0 : index
    %swap3A_36 = vector.load %arg6[%swap3A, %swap3A_35] : memref<632x128xf32, #tpu.memory_space<vmem>>, vector<632x128xf32>
    tpu.vector_store %arg6[%swap3A, %swap3A_35], %mul3A_34 {strides = array<i32>} : memref<632x128xf32, #tpu.memory_space<vmem>>, vector<632x128xf32>,
    return
  }
  func.func @transform_0(%arg0: i32) -> (i32, i32) {
    %c0_i32 = arith.constant 0 : i32
    %c0_i32_0 = arith.constant 0 : i32
    return %arg0, %c0_i32 : i32, i32
  }
  func.func @transform_1(%arg0: i32) -> (i32, i32, i32) {
    %c0_i32 = arith.constant 0 : i32
    %c0_i32_0 = arith.constant 0 : i32
    %c0_i32_1 = arith.constant 0 : i32
    return %c0_i32, %arg0, %c0_i32_0 : i32, i32, i32
  }
  func.func @transform_2(%arg0: i32) -> (i32, i32) {
    %c0_i32 = arith.constant 0 : i32
    %c0_i32_0 = arith.constant 0 : i32
    %c0_i32_1 = arith.constant 0 : i32
    return %c0_i32, %c0_i32_0 : i32, i32
  }
  func.func @transform_3(%arg0: i32) -> (i32, i32) {
    %c0_i32 = arith.constant 0 : i32
    %c0_i32_0 = arith.constant 0 : i32
    %c0_i32_1 = arith.constant 0 : i32
    return %c0_i32, %c0_i32_0 : i32, i32
  }
  func.func @transform_4(%arg0: i32) -> (i32, i32) {
    %c0_i32 = arith.constant 0 : i32
    %c0_i32_0 = arith.constant 0 : i32
    %c0_i32_1 = arith.constant 0 : i32
    return %c0_i32, %c0_i32_0 : i32, i32
  }
  func.func @transform_5(%arg0: i32) -> (i32, i32) {
    %c0_i32 = arith.constant 0 : i32
    %c0_i32_0 = arith.constant 0 : i32
    return %arg0, %c0_i32 : i32, i32
  }
}

module attributes {stable_mosaic.version = 14 : i64} {
  func.func @_tc_h2_body(%arg0: i32, %arg1: memref<2x632x128xf32, #tpu.memory_space<vmem>>, %arg2: memref<632x128xf32, #tpu.memory_space<vmem>>, %arg3: memref<2x632x128xf32, #tpu.memory_space<vmem>>, %arg4: memref<128x128xf32, #tpu.memory_space<vmem>>, %arg5: memref<1x128xf32, #tpu.memory_space<vmem>>, %arg6: memref<632x128xf32, #tpu.memory_space<vmem>>) attributes {dimension_semantics = [#tpu.dimension_semantics<arbitrary>], iteration_bounds = array<i64: 16>, scalar_prefetch = 0 : i64, scratch_operands = 0 : i64, tpu.core_type = #tpu.core_type<tc>, window_params = [{transform_indices = @transform_0, window_bounds = array<i64: 2, 632, 128>}, {transform_indices = @transform_1, window_bounds = array<i64: 632, 128>}, {transform_indices = @transform_2, window_bounds = array<i64: 2, 632, 128>}, {pipeline_mode = #tpu.pipeline_mode<synchronous>, transform_indices = @transform_3, window_bounds = array<i64: 128, 128>}, {pipeline_mode = #tpu.pipeline_mode<synchronous>, transform_indices = @transform_4, window_bounds = array<i64: 1, 128>}, {transform_indices = @transform_5, window_bounds = array<i64: 632, 128>}]} {
    %get3A = arith.constant 0 : index
    %get3A_0 = arith.constant 0 : index
    %get3A_1 = arith.constant 0 : index
    %get3A_2 = vector.load %arg3[%get3A, %get3A_0, %get3A_1] : memref<2x632x128xf32, #tpu.memory_space<vmem>>, vector<1x632x1xf32>
    %get3A_3 = vector.shape_cast %get3A_2 : vector<1x632x1xf32> to vector<632x1xf32>
    %get3A_4 = arith.constant 1 : index
    %get3A_5 = arith.constant 0 : index
    %get3A_6 = arith.constant 0 : index
    %get3A_7 = vector.load %arg3[%get3A_4, %get3A_5, %get3A_6] : memref<2x632x128xf32, #tpu.memory_space<vmem>>, vector<1x632x1xf32>
    %get3A_8 = vector.shape_cast %get3A_7 : vector<1x632x1xf32> to vector<632x1xf32>
    %add3A = arith.addf %get3A_3, %get3A_8 : vector<632x1xf32>
    %add3A_9 = arith.constant 1.000000e+00 : f32
    %add3A_10 = vector.broadcast %add3A_9 : f32 to vector<632x1xf32>
    %add3A_11 = arith.addf %add3A, %add3A_10 : vector<632x1xf32>
    %rsqrt3A = math.rsqrt %add3A_11 : vector<632x1xf32>
    %get3A_12 = arith.constant 0 : index
    %get3A_13 = arith.constant 0 : index
    %get3A_14 = arith.constant 0 : index
    %get3A_15 = vector.load %arg1[%get3A_12, %get3A_13, %get3A_14] : memref<2x632x128xf32, #tpu.memory_space<vmem>>, vector<1x632x128xf32>
    %get3A_16 = vector.shape_cast %get3A_15 : vector<1x632x128xf32> to vector<632x128xf32>
    %get3A_17 = arith.constant 1 : index
    %get3A_18 = arith.constant 0 : index
    %get3A_19 = arith.constant 0 : index
    %get3A_20 = vector.load %arg1[%get3A_17, %get3A_18, %get3A_19] : memref<2x632x128xf32, #tpu.memory_space<vmem>>, vector<1x632x128xf32>
    %get3A_21 = vector.shape_cast %get3A_20 : vector<1x632x128xf32> to vector<632x128xf32>
    %add3A_22 = arith.addf %get3A_16, %get3A_21 : vector<632x128xf32>
    %get3A_23 = arith.constant 0 : index
    %get3A_24 = arith.constant 0 : index
    %get3A_25 = vector.load %arg2[%get3A_23, %get3A_24] : memref<632x128xf32, #tpu.memory_space<vmem>>, vector<632x128xf32>
    %sub3A = arith.subf %add3A_22, %get3A_25 : vector<632x128xf32>
    %mul3A = vector.broadcast %rsqrt3A : vector<632x1xf32> to vector<632x128xf32>
    %mul3A_26 = arith.mulf %mul3A, %sub3A : vector<632x128xf32>
    %get3A_27 = arith.constant 0 : index
    %get3A_28 = arith.constant 0 : index
    %get3A_29 = vector.load %arg5[%get3A_27, %get3A_28] : memref<1x128xf32, #tpu.memory_space<vmem>>, vector<1x128xf32>
    %add3A_30 = vector.broadcast %get3A_29 : vector<1x128xf32> to vector<632x128xf32>
    %add3A_31 = arith.addf %mul3A_26, %add3A_30 : vector<632x128xf32>
    %get3A_32 = arith.constant 0 : index
    %get3A_33 = arith.constant 0 : index
    %get3A_34 = vector.load %arg4[%get3A_32, %get3A_33] : memref<128x128xf32, #tpu.memory_space<vmem>>, vector<128x128xf32>
    %dot_general3A = arith.constant dense<0.000000e+00> : vector<632x128xf32>
    %dot_general3A_35 = tpu.matmul %add3A_31, %get3A_34, %dot_general3A {dimension_numbers = #tpu.dot_dimension_numbers<[1], [0], [0], [1], [0, 0, 1, 1], [], []>, transpose_lhs_hint = false} : vector<632x128xf32>, vector<128x128xf32>, vector<632x128xf32> -> vector<632x128xf32>
    %mul3A_36 = vector.broadcast %rsqrt3A : vector<632x1xf32> to vector<632x128xf32>
    %mul3A_37 = arith.mulf %dot_general3A_35, %mul3A_36 : vector<632x128xf32>
    %swap3A = arith.constant 0 : index
    %swap3A_38 = arith.constant 0 : index
    %swap3A_39 = vector.load %arg6[%swap3A, %swap3A_38] : memref<632x128xf32, #tpu.memory_space<vmem>>, vector<632x128xf32>
    tpu.vector_store %arg6[%swap3A, %swap3A_38], %mul3A_37 {strides = array<i32>} : memref<632x128xf32, #tpu.memory_space<vmem>>, vector<632x128xf32>,
    return
  }
  func.func @transform_0(%arg0: i32) -> (i32, i32, i32) {
    %c0_i32 = arith.constant 0 : i32
    %c0_i32_0 = arith.constant 0 : i32
    %c0_i32_1 = arith.constant 0 : i32
    return %c0_i32, %arg0, %c0_i32_0 : i32, i32, i32
  }
  func.func @transform_1(%arg0: i32) -> (i32, i32) {
    %c0_i32 = arith.constant 0 : i32
    %c0_i32_0 = arith.constant 0 : i32
    return %arg0, %c0_i32 : i32, i32
  }
  func.func @transform_2(%arg0: i32) -> (i32, i32, i32) {
    %c0_i32 = arith.constant 0 : i32
    %c0_i32_0 = arith.constant 0 : i32
    %c0_i32_1 = arith.constant 0 : i32
    return %c0_i32, %arg0, %c0_i32_0 : i32, i32, i32
  }
  func.func @transform_3(%arg0: i32) -> (i32, i32) {
    %c0_i32 = arith.constant 0 : i32
    %c0_i32_0 = arith.constant 0 : i32
    %c0_i32_1 = arith.constant 0 : i32
    return %c0_i32, %c0_i32_0 : i32, i32
  }
  func.func @transform_4(%arg0: i32) -> (i32, i32) {
    %c0_i32 = arith.constant 0 : i32
    %c0_i32_0 = arith.constant 0 : i32
    %c0_i32_1 = arith.constant 0 : i32
    return %c0_i32, %c0_i32_0 : i32, i32
  }
  func.func @transform_5(%arg0: i32) -> (i32, i32) {
    %c0_i32 = arith.constant 0 : i32
    %c0_i32_0 = arith.constant 0 : i32
    return %arg0, %c0_i32 : i32, i32
  }
}

module attributes {stable_mosaic.version = 14 : i64} {
  func.func @_tc_x2_body(%arg0: i32, %arg1: memref<2x632x128xf32, #tpu.memory_space<vmem>>, %arg2: memref<632x128xf32, #tpu.memory_space<vmem>>, %arg3: memref<2x632x128xf32, #tpu.memory_space<vmem>>, %arg4: memref<1x128xf32, #tpu.memory_space<vmem>>, %arg5: memref<632x128xf32, #tpu.memory_space<vmem>>) attributes {dimension_semantics = [#tpu.dimension_semantics<arbitrary>], iteration_bounds = array<i64: 16>, scalar_prefetch = 0 : i64, scratch_operands = 0 : i64, tpu.core_type = #tpu.core_type<tc>, window_params = [{transform_indices = @transform_0, window_bounds = array<i64: 2, 632, 128>}, {transform_indices = @transform_1, window_bounds = array<i64: 632, 128>}, {transform_indices = @transform_2, window_bounds = array<i64: 2, 632, 128>}, {pipeline_mode = #tpu.pipeline_mode<synchronous>, transform_indices = @transform_3, window_bounds = array<i64: 1, 128>}, {transform_indices = @transform_4, window_bounds = array<i64: 632, 128>}]} {
    %get3A = arith.constant 0 : index
    %get3A_0 = arith.constant 0 : index
    %get3A_1 = arith.constant 0 : index
    %get3A_2 = vector.load %arg3[%get3A, %get3A_0, %get3A_1] : memref<2x632x128xf32, #tpu.memory_space<vmem>>, vector<1x632x1xf32>
    %get3A_3 = vector.shape_cast %get3A_2 : vector<1x632x1xf32> to vector<632x1xf32>
    %get3A_4 = arith.constant 1 : index
    %get3A_5 = arith.constant 0 : index
    %get3A_6 = arith.constant 0 : index
    %get3A_7 = vector.load %arg3[%get3A_4, %get3A_5, %get3A_6] : memref<2x632x128xf32, #tpu.memory_space<vmem>>, vector<1x632x1xf32>
    %get3A_8 = vector.shape_cast %get3A_7 : vector<1x632x1xf32> to vector<632x1xf32>
    %add3A = arith.addf %get3A_3, %get3A_8 : vector<632x1xf32>
    %add3A_9 = arith.constant 1.000000e+00 : f32
    %add3A_10 = vector.broadcast %add3A_9 : f32 to vector<632x1xf32>
    %add3A_11 = arith.addf %add3A, %add3A_10 : vector<632x1xf32>
    %rsqrt3A = math.rsqrt %add3A_11 : vector<632x1xf32>
    %get3A_12 = arith.constant 0 : index
    %get3A_13 = arith.constant 0 : index
    %get3A_14 = arith.constant 0 : index
    %get3A_15 = vector.load %arg1[%get3A_12, %get3A_13, %get3A_14] : memref<2x632x128xf32, #tpu.memory_space<vmem>>, vector<1x632x128xf32>
    %get3A_16 = vector.shape_cast %get3A_15 : vector<1x632x128xf32> to vector<632x128xf32>
    %get3A_17 = arith.constant 1 : index
    %get3A_18 = arith.constant 0 : index
    %get3A_19 = arith.constant 0 : index
    %get3A_20 = vector.load %arg1[%get3A_17, %get3A_18, %get3A_19] : memref<2x632x128xf32, #tpu.memory_space<vmem>>, vector<1x632x128xf32>
    %get3A_21 = vector.shape_cast %get3A_20 : vector<1x632x128xf32> to vector<632x128xf32>
    %add3A_22 = arith.addf %get3A_16, %get3A_21 : vector<632x128xf32>
    %get3A_23 = arith.constant 0 : index
    %get3A_24 = arith.constant 0 : index
    %get3A_25 = vector.load %arg2[%get3A_23, %get3A_24] : memref<632x128xf32, #tpu.memory_space<vmem>>, vector<632x128xf32>
    %sub3A = arith.subf %add3A_22, %get3A_25 : vector<632x128xf32>
    %mul3A = vector.broadcast %rsqrt3A : vector<632x1xf32> to vector<632x128xf32>
    %mul3A_26 = arith.mulf %mul3A, %sub3A : vector<632x128xf32>
    %get3A_27 = arith.constant 0 : index
    %get3A_28 = arith.constant 0 : index
    %get3A_29 = vector.load %arg4[%get3A_27, %get3A_28] : memref<1x128xf32, #tpu.memory_space<vmem>>, vector<1x128xf32>
    %add3A_30 = vector.broadcast %get3A_29 : vector<1x128xf32> to vector<632x128xf32>
    %add3A_31 = arith.addf %mul3A_26, %add3A_30 : vector<632x128xf32>
    %swap3A = arith.constant 0 : index
    %swap3A_32 = arith.constant 0 : index
    %swap3A_33 = vector.load %arg5[%swap3A, %swap3A_32] : memref<632x128xf32, #tpu.memory_space<vmem>>, vector<632x128xf32>
    tpu.vector_store %arg5[%swap3A, %swap3A_32], %add3A_31 {strides = array<i32>} : memref<632x128xf32, #tpu.memory_space<vmem>>, vector<632x128xf32>,
    return
  }
  func.func @transform_0(%arg0: i32) -> (i32, i32, i32) {
    %c0_i32 = arith.constant 0 : i32
    %c0_i32_0 = arith.constant 0 : i32
    %c0_i32_1 = arith.constant 0 : i32
    return %c0_i32, %arg0, %c0_i32_0 : i32, i32, i32
  }
  func.func @transform_1(%arg0: i32) -> (i32, i32) {
    %c0_i32 = arith.constant 0 : i32
    %c0_i32_0 = arith.constant 0 : i32
    return %arg0, %c0_i32 : i32, i32
  }
  func.func @transform_2(%arg0: i32) -> (i32, i32, i32) {
    %c0_i32 = arith.constant 0 : i32
    %c0_i32_0 = arith.constant 0 : i32
    %c0_i32_1 = arith.constant 0 : i32
    return %c0_i32, %arg0, %c0_i32_0 : i32, i32, i32
  }
  func.func @transform_3(%arg0: i32) -> (i32, i32) {
    %c0_i32 = arith.constant 0 : i32
    %c0_i32_0 = arith.constant 0 : i32
    %c0_i32_1 = arith.constant 0 : i32
    return %c0_i32, %c0_i32_0 : i32, i32
  }
  func.func @transform_4(%arg0: i32) -> (i32, i32) {
    %c0_i32 = arith.constant 0 : i32
    %c0_i32_0 = arith.constant 0 : i32
    return %arg0, %c0_i32 : i32, i32
  }
}

module attributes {stable_mosaic.version = 14 : i64} {
  func.func @_tc_dec_body(%arg0: memref<8192x128xf32, #tpu.memory_space<vmem>>, %arg1: memref<4096x1xi32, #tpu.memory_space<vmem>>, %arg2: memref<2x128x128xf32, #tpu.memory_space<vmem>>, %arg3: memref<2x8xf32, #tpu.memory_space<vmem>>, %arg4: memref<1x1xf32, #tpu.memory_space<vmem>>, %arg5: memref<4096x1xf32, #tpu.memory_space<vmem>>) attributes {dimension_semantics = [], scalar_prefetch = 0 : i64, scratch_operands = 0 : i64, tpu.core_type = #tpu.core_type<tc>} {
    %get3A = arith.constant 0 : index
    %get3A_0 = arith.constant 0 : index
    %get3A_1 = vector.load %arg0[%get3A, %get3A_0] : memref<8192x128xf32, #tpu.memory_space<vmem>>, vector<4096x128xf32>
    %get3A_2 = arith.constant 4096 : index
    %get3A_3 = arith.constant 0 : index
    %get3A_4 = vector.load %arg0[%get3A_2, %get3A_3] : memref<8192x128xf32, #tpu.memory_space<vmem>>, vector<4096x128xf32>
    %get3A_5 = arith.constant 0 : index
    %get3A_6 = arith.constant 0 : index
    %get3A_7 = arith.constant 0 : index
    %get3A_8 = vector.load %arg2[%get3A_5, %get3A_6, %get3A_7] : memref<2x128x128xf32, #tpu.memory_space<vmem>>, vector<1x128x128xf32>
    %get3A_9 = vector.shape_cast %get3A_8 : vector<1x128x128xf32> to vector<128x128xf32>
    %dot_general3A = arith.constant dense<0.000000e+00> : vector<4096x128xf32>
    %dot_general3A_10 = tpu.matmul %get3A_4, %get3A_9, %dot_general3A {dimension_numbers = #tpu.dot_dimension_numbers<[1], [0], [0], [1], [0, 0, 1, 1], [], []>, transpose_lhs_hint = false} : vector<4096x128xf32>, vector<128x128xf32>, vector<4096x128xf32> -> vector<4096x128xf32>
    %get3A_11 = arith.constant 1 : index
    %get3A_12 = arith.constant 0 : index
    %get3A_13 = arith.constant 0 : index
    %get3A_14 = vector.load %arg2[%get3A_11, %get3A_12, %get3A_13] : memref<2x128x128xf32, #tpu.memory_space<vmem>>, vector<1x128x128xf32>
    %get3A_15 = vector.shape_cast %get3A_14 : vector<1x128x128xf32> to vector<128x128xf32>
    %dot_general3A_16 = arith.constant dense<0.000000e+00> : vector<4096x128xf32>
    %dot_general3A_17 = tpu.matmul %get3A_4, %get3A_15, %dot_general3A_16 {dimension_numbers = #tpu.dot_dimension_numbers<[1], [0], [0], [1], [0, 0, 1, 1], [], []>, transpose_lhs_hint = false} : vector<4096x128xf32>, vector<128x128xf32>, vector<4096x128xf32> -> vector<4096x128xf32>
    %mul3A = arith.mulf %get3A_1, %dot_general3A_10 : vector<4096x128xf32>
    %reduce_sum3A = arith.constant dense<0.000000e+00> : vector<4096xf32>
    %reduce_sum3A_18 = vector.multi_reduction <add>, %mul3A, %reduce_sum3A [1] : vector<4096x128xf32> to vector<4096xf32>
    %broadcast_in_dim3A = vector.shape_cast %reduce_sum3A_18 : vector<4096xf32> to vector<4096x1xf32>
    %mul3A_19 = arith.mulf %get3A_1, %dot_general3A_17 : vector<4096x128xf32>
    %reduce_sum3A_20 = arith.constant dense<0.000000e+00> : vector<4096xf32>
    %reduce_sum3A_21 = vector.multi_reduction <add>, %mul3A_19, %reduce_sum3A_20 [1] : vector<4096x128xf32> to vector<4096xf32>
    %broadcast_in_dim3A_22 = vector.shape_cast %reduce_sum3A_21 : vector<4096xf32> to vector<4096x1xf32>
    %get3A_23 = arith.constant 0 : index
    %get3A_24 = arith.constant 0 : index
    %get3A_25 = vector.load %arg3[%get3A_23, %get3A_24] : memref<2x8xf32, #tpu.memory_space<vmem>>, vector<2x8xf32>
    %slice3A = vector.extract_strided_slice %get3A_25 {offsets = [0, 0], sizes = [1, 8], strides = [1, 1]} : vector<2x8xf32> to vector<1x8xf32>
    %mul3A_26 = vector.broadcast %broadcast_in_dim3A : vector<4096x1xf32> to vector<4096x8xf32>
    %mul3A_27 = vector.broadcast %slice3A : vector<1x8xf32> to vector<4096x8xf32>
    %mul3A_28 = arith.mulf %mul3A_26, %mul3A_27 : vector<4096x8xf32>
    %slice3A_29 = vector.extract_strided_slice %get3A_25 {offsets = [1, 0], sizes = [1, 8], strides = [1, 1]} : vector<2x8xf32> to vector<1x8xf32>
    %mul3A_30 = vector.broadcast %broadcast_in_dim3A_22 : vector<4096x1xf32> to vector<4096x8xf32>
    %mul3A_31 = vector.broadcast %slice3A_29 : vector<1x8xf32> to vector<4096x8xf32>
    %mul3A_32 = arith.mulf %mul3A_30, %mul3A_31 : vector<4096x8xf32>
    %add3A = arith.addf %mul3A_28, %mul3A_32 : vector<4096x8xf32>
    %iota3A = tpu.iota {dimensions = array<i32: 1>} : vector<4096x8xi32>
    %lt3A = arith.constant 5 : i32
    %lt3A_33 = vector.broadcast %lt3A : i32 to vector<4096x8xi32>
    %lt3A_34 = arith.cmpi slt, %iota3A, %lt3A_33 : vector<4096x8xi32>
    %jit3A = arith.constant -1.000000e+30 : f32
    %broadcast_in_dim3A_35 = vector.broadcast %jit3A : f32 to vector<4096x8xf32>
    %select_n3A = arith.select %lt3A_34, %add3A, %broadcast_in_dim3A_35 : vector<4096x8xi1>, vector<4096x8xf32>
    %reduce_max3A = arith.constant dense<0xFF800000> : vector<4096xf32>
    %reduce_max3A_36 = vector.multi_reduction <maximumf>, %select_n3A, %reduce_max3A [1] : vector<4096x8xf32> to vector<4096xf32>
    %broadcast_in_dim3A_37 = vector.shape_cast %reduce_max3A_36 : vector<4096xf32> to vector<4096x1xf32>
    %sub3A = vector.broadcast %broadcast_in_dim3A_37 : vector<4096x1xf32> to vector<4096x8xf32>
    %sub3A_38 = arith.subf %select_n3A, %sub3A : vector<4096x8xf32>
    %exp3A = math.exp %sub3A_38 : vector<4096x8xf32>
    %reduce_sum3A_39 = arith.constant dense<0.000000e+00> : vector<4096xf32>
    %reduce_sum3A_40 = vector.multi_reduction <add>, %exp3A, %reduce_sum3A_39 [1] : vector<4096x8xf32> to vector<4096xf32>
    %broadcast_in_dim3A_41 = vector.shape_cast %reduce_sum3A_40 : vector<4096xf32> to vector<4096x1xf32>
    %sub3A_42 = vector.broadcast %broadcast_in_dim3A_37 : vector<4096x1xf32> to vector<4096x8xf32>
    %sub3A_43 = arith.subf %select_n3A, %sub3A_42 : vector<4096x8xf32>
    %log3A = math.log %broadcast_in_dim3A_41 : vector<4096x1xf32>
    %sub3A_44 = vector.broadcast %log3A : vector<4096x1xf32> to vector<4096x8xf32>
    %sub3A_45 = arith.subf %sub3A_43, %sub3A_44 : vector<4096x8xf32>
    %div3A = vector.broadcast %broadcast_in_dim3A_41 : vector<4096x1xf32> to vector<4096x8xf32>
    %div3A_46 = arith.divf %exp3A, %div3A : vector<4096x8xf32>
    %convert_element_type3A = arith.sitofp %iota3A : vector<4096x8xi32> to vector<4096x8xf32>
    %mul3A_47 = arith.mulf %div3A_46, %convert_element_type3A : vector<4096x8xf32>
    %reduce_sum3A_48 = arith.constant dense<0.000000e+00> : vector<4096xf32>
    %reduce_sum3A_49 = vector.multi_reduction <add>, %mul3A_47, %reduce_sum3A_48 [1] : vector<4096x8xf32> to vector<4096xf32>
    %broadcast_in_dim3A_50 = vector.shape_cast %reduce_sum3A_49 : vector<4096xf32> to vector<4096x1xf32>
    %swap3A = arith.constant 0 : index
    %swap3A_51 = arith.constant 0 : index
    %swap3A_52 = vector.load %arg5[%swap3A, %swap3A_51] : memref<4096x1xf32, #tpu.memory_space<vmem>>, vector<4096x1xf32>
    tpu.vector_store %arg5[%swap3A, %swap3A_51], %broadcast_in_dim3A_50 {strides = array<i32>} : memref<4096x1xf32, #tpu.memory_space<vmem>>, vector<4096x1xf32>,
    %get3A_53 = arith.constant 0 : index
    %get3A_54 = arith.constant 0 : index
    %get3A_55 = vector.load %arg1[%get3A_53, %get3A_54] : memref<4096x1xi32, #tpu.memory_space<vmem>>, vector<4096x1xi32>
    %eq3A = vector.broadcast %get3A_55 : vector<4096x1xi32> to vector<4096x8xi32>
    %eq3A_56 = arith.cmpi eq, %iota3A, %eq3A : vector<4096x8xi32>
    %jit3A_57 = arith.constant 0.000000e+00 : f32
    %broadcast_in_dim3A_58 = vector.broadcast %jit3A_57 : f32 to vector<4096x8xf32>
    %select_n3A_59 = arith.select %eq3A_56, %sub3A_45, %broadcast_in_dim3A_58 : vector<4096x8xi1>, vector<4096x8xf32>
    %reduce_sum3A_60 = vector.shape_cast %select_n3A_59 : vector<4096x8xf32> to vector<1x4096x8xf32>
    %reduce_sum3A_61 = arith.constant dense<0.000000e+00> : vector<1xf32>
    %reduce_sum3A_62 = vector.multi_reduction <add>, %reduce_sum3A_60, %reduce_sum3A_61 [1, 2] : vector<1x4096x8xf32> to vector<1xf32>
    %reduce_sum3A_63 = vector.shape_cast %reduce_sum3A_62 : vector<1xf32> to vector<1x1x1xf32>
    %reduce_sum3A_64 = vector.extract %reduce_sum3A_63[0, 0, 0] : f32 from vector<1x1x1xf32>
    %neg3A = arith.constant 0.000000e+00 : f32
    %neg3A_65 = arith.subf %neg3A, %reduce_sum3A_64 : f32
    %div3A_66 = arith.constant 4.096000e+03 : f32
    %div3A_67 = arith.divf %neg3A_65, %div3A_66 : f32
    %reshape3A = vector.broadcast %div3A_67 : f32 to vector<1x1xf32>
    %swap3A_68 = arith.constant 0 : index
    %swap3A_69 = arith.constant 0 : index
    %swap3A_70 = vector.load %arg4[%swap3A_68, %swap3A_69] : memref<1x1xf32, #tpu.memory_space<vmem>>, vector<1x1xf32>
    tpu.vector_store %arg4[%swap3A_68, %swap3A_69], %reshape3A {strides = array<i32>} : memref<1x1xf32, #tpu.memory_space<vmem>>, vector<1x1xf32>,
    return
  }
}

</mosaic_0001>

<sc_bundles>
// kernel: kernel.11.cloned.1.call-start
scs
__scs_entry_jumppad:
0x0: {  	(pc) =	sbr.rel $0x88, $3  }
0x1: {  	(tag) =	ssettag $0x0;
	lr =	simm.s32 $0x1  }
0x2: {  	[smem:$0x3F96] =	sst lr;
	_ =	strace $0xD0000000  }
0x3: {  	_ = 	snop  }
0x4: {  	_ = 	snop  }
0x5: {  	_ = 	snop  }
0x6: {  	_ = 	snop  }
0x7: {  	_ = 	snop  }
__scs_overlays_trampoline_lowered:
0x8: {  	[smem:$0x3FA5] =	sst s0  }
0x9: {  	[smem:$0x3FA6] =	sst s1  }
0xa: {  	[smem:$0x3FA7] =	sst s2  }
0xb: {  	[smem:$0x3FA8] =	sst s3  }
0xc: {  	[smem:$0x3FA9] =	sst s4  }
0xd: {  	[smem:$0x3FAA] =	sst s5  }
0xe: {  	[smem:$0x3FAB] =	sst s6  }
0xf: {  	[smem:$0x3FAC] =	sst s7  }
0x10: {  	[smem:$0x3FAD] =	sst s8  }
0x11: {  	[smem:$0x3FAE] =	sst s9;
	s0 =	simm.s32 @!p0 $0x0  }
0x12: {  	s1 =	sld [smem:$0x3F94];
	s0 =	simm.s32 @p0 $0x1  }
0x13: {  	[smem:$0x3FAF] =	sst s0;
	s0 =	simm.s32 @!p1 $0x0  }
0x14: {  	s2 =	sld [smem:$0x3F93];
	s0 =	simm.s32 @p1 $0x1  }
0x15: {  	[smem:$0x3FB0] =	sst s0;
	s0 =	simm.s32 @!p2 $0x0  }
0x16: {  	s3 =	sld [smem:$0x3FDB];
	s0 =	simm.s32 @p2 $0x1  }
0x17: {  	s4 =	simm.s32 $0x1BF5;
	[smem:$0x3FB2] =	sst s0  }
0x18: {  	s0 =	sld [smem:$0x3F95];
	_ =	swait.ge [sflag:s4], $0x0  }
0x19: {  	s7 =	sld [smem:$0x3F96]  }
0x1a: {  	s8 =	sadd.s32 $0xFFFFE003, lr  }
0x1b: {  	s9 =	sadd.s32 $0xFFFFFEF7, lr;
	s5 =	simm.s32 $0xFFFFFFFF;
	p2 =	slt.u32 s8, $0xFFFFF086  }
0x1c: {  	p1 =	slt.u32 s9, $0xF7A;
	s5 =	simm.s32 @!p2 $0x0  }
0x1d: {  	s5 =	simm.s32 @p1 $0x1;
	p0 =	seq.s32 s7, s2  }
0x1e: {  	s7 =	smul.u32 @!p0 $0xF7A, s2;
	p2 =	seq.s32 @!p0 s5, $0x0  }
0x1f: {  	s9 =	smul.u32 $0xF7A, s1;
	s8 =	simm.s32 @!p0 $0x1BF5;
	p2 =	por !p2, p0  }
0x20: {  	[sflag:s8] =	ssyncset.s32 @!p0 $0xFFFFF086;
	s6 =	sadd.s32 @!p0 s3, s7;
	s7 =	simm.s32 @!p0 $0x108  }
0x21: {  	s3 =	sadd.s32 s3, s9;
	s6 =	sadd.s32 @!p0 $0x88, s6;
	s7 =	simm.s32 @p2 $0x1082  }
0x22: {  	[simem:s7], [sflag:s8] =	dma.local @!p0 [hbm:s6], $0xF7A  }
0x23: {  	s9 =	sor.u32 $0xD0000000, s2;
	s6 =	simm.s32 $0x108;
	_ =	swait.ge @!p0 [sflag:s8], $0x0  }
0x24: {  	s3 =	sadd.s32 $0x88, s3;
	s6 =	simm.s32 @!p1 $0x1082;
	[sflag:s4] =	ssyncset.s32 $0xFFFFF086  }
0x25: {  	[simem:s6], [sflag:s4] =	dma.local [hbm:s3], $0xF7A  }
0x26: {  	[smem:$0x3F96] =	sst s1;
	(tag) =	ssettag s2;
	_ =	strace s9  }
0x27: {  	s1 =	sld [smem:$0x3FA6]  }
0x28: {  	s2 =	sld [smem:$0x3FA7]  }
0x29: {  	s4 =	sld [smem:$0x3FA9]  }
0x2a: {  	p0 =	seq.s32 s5, $0x0;
	s5 =	sld [smem:$0x3FAA]  }
0x2b: {  	s6 =	sld [smem:$0x3FAB]  }
0x2c: {  	s7 =	sld [smem:$0x3FAC]  }
0x2d: {  	s3 =	simm.s32 $0x108;
	s8 =	sld [smem:$0x3FAD]  }
0x2e: {  	s3 =	simm.s32 @!p0 $0x1082;
	s9 =	sld [smem:$0x3FAE]  }
0x2f: {  	lr =	sadd.s32 s0, s3;
	s0 =	sld [smem:$0x3FA5]  }
0x30: {  	s3 =	sld [smem:$0x3FA8]  }
0x31: {  	[smem:$0x3FB1] =	sst s10  }
0x32: {  	s10 =	sld [smem:$0x3FAF];
	_ =	sdelay $0x3  }
0x33: {  	p0 =	seq.s32 s10, $0x1;
	s10 =	sld [smem:$0x3FB1];
	_ =	sdelay $0x3  }
0x34: {  	[smem:$0x3FB1] =	sst s10  }
0x35: {  	s10 =	sld [smem:$0x3FB0];
	_ =	sdelay $0x3  }
0x36: {  	p1 =	seq.s32 s10, $0x1;
	s10 =	sld [smem:$0x3FB1];
	_ =	sdelay $0x3  }
0x37: {  	[smem:$0x3FB1] =	sst s10  }
0x38: {  	s10 =	sld [smem:$0x3FB2]  }
0x39: {  	_ = 	snop;
	(pc) =	sbr.ind lr, $3  }
0x3a: {  	_ = 	snop  }
0x3b: {  	_ = 	snop  }
0x3c: {  	p2 =	seq.s32 s10, $0x1;
	s10 =	sld [smem:$0x3FB1]  }
0x3d: {  	_ =	shalt  }
0x3e: {  	_ =	shalt  }
0x3f: {  	_ =	shalt  }
0x40: {  	_ =	shalt  }
0x41: {  	_ =	shalt  }
0x42: {  	_ =	shalt  }
0x43: {  	_ =	shalt  }
0x44: {  	_ =	shalt  }
0x45: {  	_ =	shalt  }
0x46: {  	_ =	shalt  }
0x47: {  	_ =	shalt  }
0x48: {  	_ =	shalt  }
0x49: {  	_ =	shalt  }
0x4a: {  	_ =	shalt  }
0x4b: {  	_ =	shalt  }
0x4c: {  	_ =	shalt  }
0x4d: {  	_ =	shalt  }
0x4e: {  	_ =	shalt  }
0x4f: {  	_ =	shalt  }
0x50: {  	_ =	shalt  }
0x51: {  	_ =	shalt  }
0x52: {  	_ =	shalt  }
0x53: {  	_ =	shalt  }
0x54: {  	_ =	shalt  }
0x55: {  	_ =	shalt  }
0x56: {  	_ =	shalt  }
0x57: {  	_ =	shalt  }
0x58: {  	_ =	shalt  }
0x59: {  	_ =	shalt  }
0x5a: {  	_ =	shalt  }
0x5b: {  	_ =	shalt  }
0x5c: {  	_ =	shalt  }
0x5d: {  	_ =	shalt  }
0x5e: {  	_ =	shalt  }
0x5f: {  	_ =	shalt  }
0x60: {  	_ =	shalt  }
0x61: {  	_ =	shalt  }
0x62: {  	_ =	shalt  }
0x63: {  	_ =	shalt  }
0x64: {  	_ =	shalt  }
0x65: {  	_ =	shalt  }
0x66: {  	_ =	shalt  }
0x67: {  	_ =	shalt  }
0x68: {  	_ =	shalt  }
0x69: {  	_ =	shalt  }
0x6a: {  	_ =	shalt  }
0x6b: {  	_ =	shalt  }
0x6c: {  	_ =	shalt  }
0x6d: {  	_ =	shalt  }
0x6e: {  	_ =	shalt  }
0x6f: {  	_ =	shalt  }
0x70: {  	_ =	shalt  }
0x71: {  	_ =	shalt  }
0x72: {  	_ =	shalt  }
0x73: {  	_ =	shalt  }
0x74: {  	_ =	shalt  }
0x75: {  	_ =	shalt  }
0x76: {  	_ =	shalt  }
0x77: {  	_ =	shalt  }
0x78: {  	_ =	shalt  }
0x79: {  	_ =	shalt  }
0x7a: {  	_ =	shalt  }
0x7b: {  	_ =	shalt  }
0x7c: {  	_ =	shalt  }
0x7d: {  	_ =	shalt  }
0x7e: {  	_ =	shalt  }
0x7f: {  	_ =	shalt  }
0x80: {  	_ =	shalt  }
0x81: {  	_ =	shalt  }
0x82: {  	_ =	shalt  }
0x83: {  	_ =	shalt  }
0x84: {  	_ =	shalt  }
0x85: {  	_ =	shalt  }
0x86: {  	_ =	shalt  }
0x87: {  	_ =	shalt  }
.Lfunc_end0:
.L_simem_size_0:
called_computation_lowered:
.L_overlay_start_0:
0x88: {  	s2 =	sld [smem:$0x3FD9]  }
0x89: {  	s3 =	sld [smem:$0x3FFE];
	_ =	sdelay $0x1  }
0x8a: {  	s1 =	srdreg.scid  }
0x8b: {  	s0 =	sand.u32 $0x1, s1  }
0x8c: {  	s16 =	sshll.u32 s0, $0xA;
	s2 =	sadd.s32 s3, s2  }
0x8d: {  	s2 =	sadd.s32 s2, s16  }
0x8e: {  	[smem:$0x3FBD] =	sst s2  }
0x8f: {  	_ = 	snop  }
0x90: {  	(tm) =	ssettm $0x1  }
0x91: {  	s17 =	sld [smem:$0x3FFB];
	_ =	sdelay $0x3  }
0x92: {  	_ =	strace s17  }
0x93: {  	s2 =	sld [smem:$0x3FFC];
	_ =	sdelay $0x3  }
0x94: {  	_ =	strace s2  }
0x95: {  	s2 =	sld [smem:$0x3FFD];
	_ =	sdelay $0x3  }
0x96: {  	_ =	strace s2  }
0x97: {  	_ =	strace $0x8FFFFFFF  }
0x98: {  	s18 =	sld [smem:$0x3FDB];
	_ =	sdelay $0x1  }
0x99: {  	s19 =	simm.s32 $_scs_section_size  }
0x9a: {  	s4 =	simm.s32 $_size__tile_overlayer_lowered;
	s5 =	simm.s32 $_tile_overlayer_lowered  }
0x9b: {  	s22 =	simm.s32 $0x1BFF;
	s21 =	sshll.u32 s5, $0x1;
	s2 =	sadd.s32 s19, s18  }
0x9c: {  	s6 =	simm.s32 $0x0;
	s20 =	sshll.u32 s4, $0x1;
	s4 =	sadd.s32 s21, s2  }
0x9d: {  	[timem:s6], [sflag:s22] =	dma.local [hbm:s4], s20  }
0x9e: {  	_ =	swait.ge [sflag:s22], s20  }
0x9f: {  	s3 =	ssub.s32 $0x0, s20;
	[sflag:s22] =	ssyncset.done $0x0  }
0xa0: {  	[sflag:s22] =	ssyncadd.s32 s3;
	_ =	sdelay $0x1  }
0xa1: {  	s23 =	simm.s32 $0x1B8B  }
0xa2: {  	_ =	swait.ge [sflag:s23], $0x1  }
0xa3: {  	[sflag:s23] =	ssyncset.done $0x0  }
0xa4: {  	s25 =	simm.s32 $0x1B8E;
	s24 =	sld [smem:$0x3FFE];
	[sflag:s23] =	ssyncadd.s32 $0xFFFFFFFF  }
0xa5: {  	s26 =	simm.s32 $execute0_lowered;
	[smem:$0x3FD2] =	sst s25  }
0xa6: {  	s4 =	sshll.u32 s26, $0x1;
	_ =	strace $0x80000046;
	[dreg:$0x1] =	wrdreg $0xFFFFFFFF  }
0xa7: {  	s28 =	simm.s32 $_size_execute0_lowered;
	s2 =	sadd.s32 s2, s4;
	[dreg:$0x0] =	wrdreg $0x0  }
0xa8: {  	s4 =	sshll.u32 s28, $0x1;
	[dreg:$0x2] =	wrdreg s2  }
0xa9: {  	[dreg:$0x3] =	wrdreg s4  }
0xaa: {  	[dreg:$0x4] =	wrdreg $0xC0  }
0xab: {  	_ =	task [dreg:s6], $0x5FFFF  }
0xac: {  	[dreg:$0x1] =	wrdreg $0xFFFFFFFF  }
0xad: {  	[dreg:$0x0] =	wrdreg $0x60  }
0xae: {  	[dreg:$0x2] =	wrdreg s24  }
0xaf: {  	[dreg:$0x3] =	wrdreg $0x68000  }
0xb0: {  	[dreg:$0x4] =	wrdreg $0x9  }
0xb1: {  	_ =	task.clear_ibuf [dreg:s6], $0x5FFFF;
	_ =	strace $0x90000046  }
0xb2: {  	s29 =	simm.s32 $0x9;
	_ =	strace $0x80000048  }
0xb3: {  	_ =	swait.ge [sflag:s29], $0x1  }
0xb4: {  	[sflag:s29] =	ssyncadd.s32 $0xFFFFFFFF  }
0xb5: {  	_ =	strace $0x90000048  }
0xb6: {  	_ =	sfence  }
0xb7: {  	s30 =	sld [smem:$0x0];
	_ =	sdelay $0x2  }
0xb8: {  	s31 =	sshll.u32 s1, $0xD;
	s1 =	sshrl.u32 s1, $0x2  }
0xb9: {  	s3 =	sand.u32 $0x4000, s31;
	s1 =	sadd.s32 s1, s30  }
0xba: {  	s0 =	sor.u32 s3, s0;
	s1 =	sshll.u32 s1, $0x11  }
0xbb: {  	s0 =	sor.u32 s1, s0  }
0xbc: {  	s0 =	sadd.s32 $0x8F2B, s0  }
0xbd: {  	[sflag:s0] =	ssyncadd.remote.s32 $0x1  }
0xbe: {  	_ =	sfence.sel $0xFFFF  }
0xbf: {  	[dreg:$0x0] =	wrdreg $0xFFFFFFFF;
	(pc) =	sbr.abs _section_cstart, $3  }
0xc0: {  	[dreg:$0x1] =	wrdreg $0xFFFFFFFF  }
0xc1: {  	_ =	task.clear_ibuf [dreg:s6], $0x2FFFF;
	_ =	strace $0x9FFFFFFF  }
0xc2: {  	(tm) =	ssettm $0x7FFFFFFF  }
0xc3: {  	_ =	shalt  }
tec
execute0_lowered:
.L_overlay_start_1:
0x0: {  	(tag) =	ssettag $0x1  }
0x1: {  	s7 =	rddreg [dreg:$0x0]  }
0x2: {  	s0 =	srdreg.scid;
	s2 =	rddreg [dreg:$0x1];
	s3 =	simm.s32 $0x0  }
0x3: {  	s13 =	simm.s32 $0x1;
	s14 =	simm.s32 $0x80;
	s6 =	sand.u32 $0x1, s0  }
0x4: {  	s15 =	simm.s32 $0x0;
	s0 =	stileid.u32;
	s5 =	smul.u32 $0x13C000, s6  }
0x5: {  	[smem:$0x7FF] =	sst s3;
	s1 =	sshll.u32 s6, $0x4;
	s8 =	smul.u32 $0x13C00, s0  }
0x6: {  	s10 =	smul.u32 $0x4F000, s0;
	s6 =	ssub.s32 $0x2, s6;
	s1 =	sor.u32 s0, s1  }
0x7: {  	s11 =	sshll.u32 s0, $0x6;
	s31 =	sshrl.u32 s6, $0x1;
	s4 =	smul.u32 $0x500, s1  }
0x8: {  	s1 =	rddreg [dreg:$0x2];
	_ =	strace $0x80000047;
	s5 =	sadd.s32 s8, s5  }
0x9: {  	s10 =	sshrl.u32 s10, $0x2;
	s12 =	ssub.s32 s6, s31;
	s6 =	sor.u32 $0x1C02, s11  }
0xa: {  	s11 =	simm.s32 $0x2;
	s8 =	sshrl.u32 s5, $0x3;
	s5 =	sadd.s32 $0xF200, s7  }
0xb: {  	s10 =	sadd.s32 s10, s2;
	s9 =	sadd.s32 s4, s7;
	s4 =	sadd.s32 $0xCA00, s7  }
0xc: {  	s8 =	sadd.s32 s8, s7;
	s10 =	sshrl.u32 s10, $0x3;
	s7 =	sadd.s32 $0x2A00, s9  }
0xd: {  	s8 =	sadd.s32 $0xFA00, s8;
	s9 =	smax.u32 s12, $0x1;
	s12 =	simm.s32 $0x2800  }
.LBB2_1:
0xe: {  	[spmem:s10], [sflag:s6] =	dma.local [hbm:s4], $0x2780  }
0xf: {  	_ =	swait.ge [sflag:s11], $0x2780  }
0x10: {  	[sflag:s11] =	ssyncset.done $0x0  }
0x11: {  	[sflag:s11] =	ssyncadd.s32 $0xFFFFD880  }
0x12: {  	[tilespmem:s12], [sflag:$0x2] =	stream.linear.gather [hbm4b:s5+s3], $0x4000, $0x38;
	[tilespmem:$0x1A400] =	vst v63  }
0x13: {  	_ =	swait.ge [sflag:s11], $0x4000  }
0x14: {  	[sflag:s11] =	ssyncset.done $0x0  }
0x15: {  	[sflag:s11] =	ssyncadd.s32 $0xFFFFC000  }
0x16: {  	[tilespmem:s3], [sflag:$0x1] =	stream.linear.gather [hbm4b:s7+s3], $0x2800, $0x38;
	[tilespmem:$0x1A400] =	vst v63  }
0x17: {  	_ =	swait.ge [sflag:s13], $0x2800  }
0x18: {  	[sflag:s13] =	ssyncset.done $0x0  }
0x19: {  	[sflag:s13] =	ssyncadd.s32 $0xFFFFD800  }
0x1a: {  	s16 =	simm.s32 $0x0;
	[bflag:$0x0] =	sbarrier.arrive $0xFFFF  }
0x1b: {  	[spmem:s2] =	stream.indirect.scatter.add.f32 [tilespmem:s12], [sflag:$0x2], $0x80, s16, s14, $0xb8;
	[tilespmem:$0x1A400] =	vst v63  }
0x1c: {  	_ =	swait.ge [sflag:s11], $0x4000  }
0x1d: {  	s16 =	simm.s32 $0x200;
	[sflag:s11] =	ssyncset.done $0x0  }
.LBB2_2:
0x1e: {  	s17 =	sshra.s32 s16, $0x2;
	[sflag:s11] =	ssyncadd.s32 $0xFFFFC000;
	p0 =	sne.s32 s16, $0x9E00  }
0x1f: {  	[spmem:s2] =	stream.indirect.scatter.add.f32 [tilespmem:s12], [sflag:$0x2], $0x80, s17, s14, $0xb8;
	[tilespmem:$0x1A400] =	vst v63  }
.Ltmp0:
0x20: {  	_ = 	snop;
	(pc) =	sbr.rel @p0 .LBB2_2-.Ltmp0, $4  }
0x21: {  	_ = 	snop  }
0x22: {  	s16 =	sadd.s32 $0x200, s16  }
0x23: {  	_ =	swait.ge [sflag:s11], $0x4000  }
0x24: {  	[sflag:s11] =	ssyncset.done $0x0  }
0x25: {  	s15 =	sadd.s32 $0x1, s15  }
0x26: {  	[sflag:s11] =	ssyncadd.s32 $0xFFFFC000;
	p0 =	sne.s32 s15, s9  }
.Ltmp1:
0x27: {  	[bflag:$0x0] =	sbarrier.arrive $0xFFFF;
	(pc) =	sbr.rel @p0 .LBB2_1-.Ltmp1, $4  }
0x28: {  	[hbm:s8], [sflag:s6] =	dma.local [spmem:s10], $0x2780  }
0x29: {  	_ =	swait.ge [sflag:s11], $0x2780  }
0x2a: {  	[sflag:s11] =	ssyncset.done $0x0  }
0x2b: {  	[sflag:s11] =	ssyncadd.s32 $0xFFFFD880  }
0x2c: {  	_ =	sfence.sel $0x180000  }
0x2d: {  	[bflag:$0x0] =	sbarrier.arrive $0xFFFF  }
0x2e: {  	p0 =	sne.s32 s0, $0x0;
	_ =	strace $0x90000047  }
0x2f: {  	s0 =	sadd.s32 @!p0 $0x100000, s1;
	[bflag:$0x2] =	sbarrier.arrive $0xFFFF  }
0x30: {  	[sflag:s0] =	ssyncadd.tile.s32 @!p0 $0x1;
	_ =	shalt  }
.Lfunc_end2:
_tile_overlayer_lowered:
.L_overlay_start_2:
0x31: {  	(tag) =	ssettag $0x2  }
0x32: {  	s0 =	rddreg [dreg:$0x0];
	s2 =	stileid.u32  }
0x33: {  	s1 =	rddreg [dreg:$0x1];
	p0 =	sne.s32 s2, $0x0  }
0x34: {  	s3 =	rddreg [dreg:$0x2];
	[bflag:$0x3] =	sbarrier.arrive $0xFFFF;
	s2 =	simm.s32 @!p0 $0x1C02  }
0x35: {  	[timem:s3], [sflag:s2] =	dma.local @!p0 [hbm:s0], s1  }
0x36: {  	s0 =	simm.s32 @!p0 $0x2  }
0x37: {  	_ =	swait.ge @!p0 [sflag:s0], s1  }
0x38: {  	s1 =	ssub.s32 @!p0 $0x0, s1;
	[sflag:s0] =	ssyncset.done @!p0 $0x0  }
0x39: {  	[sflag:s0] =	ssyncadd.s32 @!p0 s1  }
0x3a: {  	[bflag:$0x3] =	sbarrier.arrive $0xFFFF  }
0x3b: {  	_ =	shalt  }

// kernel: kernel.14.cloned.1.call-start
scs
__scs_entry_jumppad:
0x0: {  	(pc) =	sbr.rel $0x88, $3  }
0x1: {  	(tag) =	ssettag $0x0;
	lr =	simm.s32 $0x1  }
0x2: {  	[smem:$0x3F96] =	sst lr;
	_ =	strace $0xD0000000  }
0x3: {  	_ = 	snop  }
0x4: {  	_ = 	snop  }
0x5: {  	_ = 	snop  }
0x6: {  	_ = 	snop  }
0x7: {  	_ = 	snop  }
__scs_overlays_trampoline_lowered:
0x8: {  	[smem:$0x3FA5] =	sst s0  }
0x9: {  	[smem:$0x3FA6] =	sst s1  }
0xa: {  	[smem:$0x3FA7] =	sst s2  }
0xb: {  	[smem:$0x3FA8] =	sst s3  }
0xc: {  	[smem:$0x3FA9] =	sst s4  }
0xd: {  	[smem:$0x3FAA] =	sst s5  }
0xe: {  	[smem:$0x3FAB] =	sst s6  }
0xf: {  	[smem:$0x3FAC] =	sst s7  }
0x10: {  	[smem:$0x3FAD] =	sst s8  }
0x11: {  	[smem:$0x3FAE] =	sst s9;
	s0 =	simm.s32 @!p0 $0x0  }
0x12: {  	s1 =	sld [smem:$0x3F94];
	s0 =	simm.s32 @p0 $0x1  }
0x13: {  	[smem:$0x3FAF] =	sst s0;
	s0 =	simm.s32 @!p1 $0x0  }
0x14: {  	s2 =	sld [smem:$0x3F93];
	s0 =	simm.s32 @p1 $0x1  }
0x15: {  	[smem:$0x3FB0] =	sst s0;
	s0 =	simm.s32 @!p2 $0x0  }
0x16: {  	s3 =	sld [smem:$0x3FDB];
	s0 =	simm.s32 @p2 $0x1  }
0x17: {  	s4 =	simm.s32 $0x1BF5;
	[smem:$0x3FB2] =	sst s0  }
0x18: {  	s0 =	sld [smem:$0x3F95];
	_ =	swait.ge [sflag:s4], $0x0  }
0x19: {  	s7 =	sld [smem:$0x3F96]  }
0x1a: {  	s8 =	sadd.s32 $0xFFFFE003, lr  }
0x1b: {  	s9 =	sadd.s32 $0xFFFFFEF7, lr;
	s5 =	simm.s32 $0xFFFFFFFF;
	p2 =	slt.u32 s8, $0xFFFFF086  }
0x1c: {  	p1 =	slt.u32 s9, $0xF7A;
	s5 =	simm.s32 @!p2 $0x0  }
0x1d: {  	s5 =	simm.s32 @p1 $0x1;
	p0 =	seq.s32 s7, s2  }
0x1e: {  	s7 =	smul.u32 @!p0 $0xF7A, s2;
	p2 =	seq.s32 @!p0 s5, $0x0  }
0x1f: {  	s9 =	smul.u32 $0xF7A, s1;
	s8 =	simm.s32 @!p0 $0x1BF5;
	p2 =	por !p2, p0  }
0x20: {  	[sflag:s8] =	ssyncset.s32 @!p0 $0xFFFFF086;
	s6 =	sadd.s32 @!p0 s3, s7;
	s7 =	simm.s32 @!p0 $0x108  }
0x21: {  	s3 =	sadd.s32 s3, s9;
	s6 =	sadd.s32 @!p0 $0x88, s6;
	s7 =	simm.s32 @p2 $0x1082  }
0x22: {  	[simem:s7], [sflag:s8] =	dma.local @!p0 [hbm:s6], $0xF7A  }
0x23: {  	s9 =	sor.u32 $0xD0000000, s2;
	s6 =	simm.s32 $0x108;
	_ =	swait.ge @!p0 [sflag:s8], $0x0  }
0x24: {  	s3 =	sadd.s32 $0x88, s3;
	s6 =	simm.s32 @!p1 $0x1082;
	[sflag:s4] =	ssyncset.s32 $0xFFFFF086  }
0x25: {  	[simem:s6], [sflag:s4] =	dma.local [hbm:s3], $0xF7A  }
0x26: {  	[smem:$0x3F96] =	sst s1;
	(tag) =	ssettag s2;
	_ =	strace s9  }
0x27: {  	s1 =	sld [smem:$0x3FA6]  }
0x28: {  	s2 =	sld [smem:$0x3FA7]  }
0x29: {  	s4 =	sld [smem:$0x3FA9]  }
0x2a: {  	p0 =	seq.s32 s5, $0x0;
	s5 =	sld [smem:$0x3FAA]  }
0x2b: {  	s6 =	sld [smem:$0x3FAB]  }
0x2c: {  	s7 =	sld [smem:$0x3FAC]  }
0x2d: {  	s3 =	simm.s32 $0x108;
	s8 =	sld [smem:$0x3FAD]  }
0x2e: {  	s3 =	simm.s32 @!p0 $0x1082;
	s9 =	sld [smem:$0x3FAE]  }
0x2f: {  	lr =	sadd.s32 s0, s3;
	s0 =	sld [smem:$0x3FA5]  }
0x30: {  	s3 =	sld [smem:$0x3FA8]  }
0x31: {  	[smem:$0x3FB1] =	sst s10  }
0x32: {  	s10 =	sld [smem:$0x3FAF];
	_ =	sdelay $0x3  }
0x33: {  	p0 =	seq.s32 s10, $0x1;
	s10 =	sld [smem:$0x3FB1];
	_ =	sdelay $0x3  }
0x34: {  	[smem:$0x3FB1] =	sst s10  }
0x35: {  	s10 =	sld [smem:$0x3FB0];
	_ =	sdelay $0x3  }
0x36: {  	p1 =	seq.s32 s10, $0x1;
	s10 =	sld [smem:$0x3FB1];
	_ =	sdelay $0x3  }
0x37: {  	[smem:$0x3FB1] =	sst s10  }
0x38: {  	s10 =	sld [smem:$0x3FB2]  }
0x39: {  	_ = 	snop;
	(pc) =	sbr.ind lr, $3  }
0x3a: {  	_ = 	snop  }
0x3b: {  	_ = 	snop  }
0x3c: {  	p2 =	seq.s32 s10, $0x1;
	s10 =	sld [smem:$0x3FB1]  }
0x3d: {  	_ =	shalt  }
0x3e: {  	_ =	shalt  }
0x3f: {  	_ =	shalt  }
0x40: {  	_ =	shalt  }
0x41: {  	_ =	shalt  }
0x42: {  	_ =	shalt  }
0x43: {  	_ =	shalt  }
0x44: {  	_ =	shalt  }
0x45: {  	_ =	shalt  }
0x46: {  	_ =	shalt  }
0x47: {  	_ =	shalt  }
0x48: {  	_ =	shalt  }
0x49: {  	_ =	shalt  }
0x4a: {  	_ =	shalt  }
0x4b: {  	_ =	shalt  }
0x4c: {  	_ =	shalt  }
0x4d: {  	_ =	shalt  }
0x4e: {  	_ =	shalt  }
0x4f: {  	_ =	shalt  }
0x50: {  	_ =	shalt  }
0x51: {  	_ =	shalt  }
0x52: {  	_ =	shalt  }
0x53: {  	_ =	shalt  }
0x54: {  	_ =	shalt  }
0x55: {  	_ =	shalt  }
0x56: {  	_ =	shalt  }
0x57: {  	_ =	shalt  }
0x58: {  	_ =	shalt  }
0x59: {  	_ =	shalt  }
0x5a: {  	_ =	shalt  }
0x5b: {  	_ =	shalt  }
0x5c: {  	_ =	shalt  }
0x5d: {  	_ =	shalt  }
0x5e: {  	_ =	shalt  }
0x5f: {  	_ =	shalt  }
0x60: {  	_ =	shalt  }
0x61: {  	_ =	shalt  }
0x62: {  	_ =	shalt  }
0x63: {  	_ =	shalt  }
0x64: {  	_ =	shalt  }
0x65: {  	_ =	shalt  }
0x66: {  	_ =	shalt  }
0x67: {  	_ =	shalt  }
0x68: {  	_ =	shalt  }
0x69: {  	_ =	shalt  }
0x6a: {  	_ =	shalt  }
0x6b: {  	_ =	shalt  }
0x6c: {  	_ =	shalt  }
0x6d: {  	_ =	shalt  }
0x6e: {  	_ =	shalt  }
0x6f: {  	_ =	shalt  }
0x70: {  	_ =	shalt  }
0x71: {  	_ =	shalt  }
0x72: {  	_ =	shalt  }
0x73: {  	_ =	shalt  }
0x74: {  	_ =	shalt  }
0x75: {  	_ =	shalt  }
0x76: {  	_ =	shalt  }
0x77: {  	_ =	shalt  }
0x78: {  	_ =	shalt  }
0x79: {  	_ =	shalt  }
0x7a: {  	_ =	shalt  }
0x7b: {  	_ =	shalt  }
0x7c: {  	_ =	shalt  }
0x7d: {  	_ =	shalt  }
0x7e: {  	_ =	shalt  }
0x7f: {  	_ =	shalt  }
0x80: {  	_ =	shalt  }
0x81: {  	_ =	shalt  }
0x82: {  	_ =	shalt  }
0x83: {  	_ =	shalt  }
0x84: {  	_ =	shalt  }
0x85: {  	_ =	shalt  }
0x86: {  	_ =	shalt  }
0x87: {  	_ =	shalt  }
.Lfunc_end0:
.L_simem_size_0:
called_computation.1_lowered:
.L_overlay_start_0:
0x88: {  	s2 =	sld [smem:$0x3FD9]  }
0x89: {  	s3 =	sld [smem:$0x3FFE];
	_ =	sdelay $0x1  }
0x8a: {  	s1 =	srdreg.scid  }
0x8b: {  	s0 =	sand.u32 $0x1, s1  }
0x8c: {  	s16 =	sshll.u32 s0, $0xA;
	s2 =	sadd.s32 s3, s2  }
0x8d: {  	s2 =	sadd.s32 s2, s16  }
0x8e: {  	[smem:$0x3FBD] =	sst s2  }
0x8f: {  	_ = 	snop  }
0x90: {  	(tm) =	ssettm $0x1  }
0x91: {  	s17 =	sld [smem:$0x3FFB];
	_ =	sdelay $0x3  }
0x92: {  	_ =	strace s17  }
0x93: {  	s2 =	sld [smem:$0x3FFC];
	_ =	sdelay $0x3  }
0x94: {  	_ =	strace s2  }
0x95: {  	s2 =	sld [smem:$0x3FFD];
	_ =	sdelay $0x3  }
0x96: {  	_ =	strace s2  }
0x97: {  	_ =	strace $0x8FFFFFFF  }
0x98: {  	s18 =	sld [smem:$0x3FDB];
	_ =	sdelay $0x1  }
0x99: {  	s19 =	simm.s32 $_scs_section_size  }
0x9a: {  	s4 =	simm.s32 $_size__tile_overlayer_lowered;
	s5 =	simm.s32 $_tile_overlayer_lowered  }
0x9b: {  	s22 =	simm.s32 $0x1BFF;
	s21 =	sshll.u32 s5, $0x1;
	s2 =	sadd.s32 s19, s18  }
0x9c: {  	s6 =	simm.s32 $0x0;
	s20 =	sshll.u32 s4, $0x1;
	s4 =	sadd.s32 s21, s2  }
0x9d: {  	[timem:s6], [sflag:s22] =	dma.local [hbm:s4], s20  }
0x9e: {  	_ =	swait.ge [sflag:s22], s20  }
0x9f: {  	s3 =	ssub.s32 $0x0, s20;
	[sflag:s22] =	ssyncset.done $0x0  }
0xa0: {  	[sflag:s22] =	ssyncadd.s32 s3;
	_ =	sdelay $0x1  }
0xa1: {  	s23 =	simm.s32 $0x1B8B  }
0xa2: {  	_ =	swait.ge [sflag:s23], $0x1  }
0xa3: {  	[sflag:s23] =	ssyncset.done $0x0  }
0xa4: {  	s25 =	simm.s32 $0x1B8E;
	s24 =	sld [smem:$0x3FFE];
	[sflag:s23] =	ssyncadd.s32 $0xFFFFFFFF  }
0xa5: {  	s26 =	simm.s32 $execute0_lowered;
	[smem:$0x3FD2] =	sst s25  }
0xa6: {  	s4 =	sshll.u32 s26, $0x1;
	_ =	strace $0x80000049;
	[dreg:$0x1] =	wrdreg $0xFFFFFFFF  }
0xa7: {  	s28 =	simm.s32 $_size_execute0_lowered;
	s2 =	sadd.s32 s2, s4;
	[dreg:$0x0] =	wrdreg $0x0  }
0xa8: {  	s4 =	sshll.u32 s28, $0x1;
	[dreg:$0x2] =	wrdreg s2  }
0xa9: {  	[dreg:$0x3] =	wrdreg s4  }
0xaa: {  	[dreg:$0x4] =	wrdreg $0xC0  }
0xab: {  	_ =	task [dreg:s6], $0x5FFFF  }
0xac: {  	[dreg:$0x1] =	wrdreg $0xFFFFFFFF  }
0xad: {  	[dreg:$0x0] =	wrdreg $0x60  }
0xae: {  	[dreg:$0x2] =	wrdreg s24  }
0xaf: {  	[dreg:$0x3] =	wrdreg $0xB6000  }
0xb0: {  	[dreg:$0x4] =	wrdreg $0x9  }
0xb1: {  	_ =	task.clear_ibuf [dreg:s6], $0x5FFFF;
	_ =	strace $0x90000049  }
0xb2: {  	s29 =	simm.s32 $0x9;
	_ =	strace $0x8000004B  }
0xb3: {  	_ =	swait.ge [sflag:s29], $0x1  }
0xb4: {  	[sflag:s29] =	ssyncadd.s32 $0xFFFFFFFF  }
0xb5: {  	_ =	strace $0x9000004B  }
0xb6: {  	_ =	sfence  }
0xb7: {  	s30 =	sld [smem:$0x0];
	_ =	sdelay $0x2  }
0xb8: {  	s31 =	sshll.u32 s1, $0xD;
	s1 =	sshrl.u32 s1, $0x2  }
0xb9: {  	s3 =	sand.u32 $0x4000, s31;
	s1 =	sadd.s32 s1, s30  }
0xba: {  	s0 =	sor.u32 s3, s0;
	s1 =	sshll.u32 s1, $0x11  }
0xbb: {  	s0 =	sor.u32 s1, s0  }
0xbc: {  	s0 =	sadd.s32 $0x8F2B, s0  }
0xbd: {  	[sflag:s0] =	ssyncadd.remote.s32 $0x1  }
0xbe: {  	_ =	sfence.sel $0xFFFF  }
0xbf: {  	[dreg:$0x0] =	wrdreg $0xFFFFFFFF;
	(pc) =	sbr.abs _section_cstart, $3  }
0xc0: {  	[dreg:$0x1] =	wrdreg $0xFFFFFFFF  }
0xc1: {  	_ =	task.clear_ibuf [dreg:s6], $0x2FFFF;
	_ =	strace $0x9FFFFFFF  }
0xc2: {  	(tm) =	ssettm $0x7FFFFFFF  }
0xc3: {  	_ =	shalt  }
tec
execute0_lowered:
.L_overlay_start_1:
0x0: {  	(tag) =	ssettag $0x1  }
0x1: {  	s5 =	rddreg [dreg:$0x0]  }
0x2: {  	s2 =	rddreg [dreg:$0x1]  }
0x3: {  	s0 =	rddreg [dreg:$0x2];
	s4 =	srdreg.scid  }
0x4: {  	s1 =	stileid.u32;
	s3 =	simm.s32 $0x0;
	s13 =	simm.s32 $0x1  }
0x5: {  	s14 =	simm.s32 $0x80;
	s15 =	simm.s32 $0x3400;
	s16 =	simm.s32 $0x3600  }
0x6: {  	s17 =	simm.s32 $0x2;
	s18 =	simm.s32 $0x0;
	s6 =	smul.u32 $0x13C00, s1  }
0x7: {  	s7 =	sand.u32 $0x1, s4;
	[smem:$0x7FF] =	sst s3;
	s11 =	smul.u32 $0x4F000, s1  }
0x8: {  	s31 =	sshll.u32 s1, $0x6;
	s4 =	sshll.u32 s7, $0x4;
	s8 =	smul.u32 $0x13C000, s7  }
0x9: {  	_ =	strace $0x8000004A;
	s10 =	ssub.s32 $0x2, s7;
	p0 =	seq.s32 s7, $0x0  }
0xa: {  	s7 =	simm.s32 $0x65;
	s9 =	sor.u32 s1, s4;
	s4 =	sadd.s32 $0x6BA00, s5  }
0xb: {  	s29 =	sshrl.u32 s10, $0x1;
	s30 =	sshrl.u32 s11, $0x2;
	s7 =	simm.s32 @!p0 $0x38  }
0xc: {  	s9 =	smul.u32 $0x680, s9;
	s8 =	sadd.s32 s6, s8;
	s10 =	ssub.s32 s10, s29  }
0xd: {  	s6 =	sshrl.u32 s6, $0x3;
	s11 =	sadd.s32 s30, s2;
	s8 =	sshrl.u32 s8, $0x3  }
0xe: {  	s10 =	smax.u32 s10, $0x1;
	s11 =	sshrl.u32 s11, $0x3;
	s9 =	sadd.s32 s9, s5  }
0xf: {  	s12 =	sadd.s32 s8, s5;
	s5 =	sadd.s32 s4, s6;
	s6 =	sor.u32 $0x1C03, s31  }
0x10: {  	s8 =	sadd.s32 $0x5EA00, s9;
	s9 =	sadd.s32 $0x93200, s12;
	s12 =	simm.s32 $0x3  }
.LBB2_1:
0x11: {  	[spmem:s11], [sflag:s6] =	dma.local [hbm:s5], $0x2780  }
0x12: {  	_ =	swait.ge [sflag:s12], $0x2780  }
0x13: {  	[sflag:s12] =	ssyncset.done $0x0  }
0x14: {  	[sflag:s12] =	ssyncadd.s32 $0xFFFFD880  }
0x15: {  	[tilespmem:s3], [sflag:$0x1] =	stream.linear.gather [hbm4b:s8+s3], $0x3280, $0x38;
	[tilespmem:$0x1F200] =	vst v63  }
0x16: {  	_ =	swait.ge [sflag:s13], $0x3280  }
0x17: {  	[sflag:s13] =	ssyncset.done $0x0  }
0x18: {  	[sflag:s13] =	ssyncadd.s32 $0xFFFFCD80  }
0x19: {  	[bflag:$0x0] =	sbarrier.arrive $0xFFFF  }
0x1a: {  	v0 =	vld [tilespmem:$0x0];
	_ =	sdelay $0x1  }
0x1b: {  	v1 =	vld [tilespmem:$0x10];
	_ =	sdelay $0x1  }
0x1c: {  	v2 =	vld [tilespmem:$0x20]  }
0x1d: {  	v3 =	vshrl.u32 v0, $0x10  }
0x1e: {  	v0 =	vand.u32 $0xFFFF, v0;
	[tilespmem:$0x3400] =	vst v3;
	v3 =	vld [tilespmem:$0x30]  }
0x1f: {  	[tilespmem:$0x3500] =	vst v0;
	v0 =	vshrl.u32 v1, $0x10  }
0x20: {  	[tilespmem:$0x3410] =	vst v0;
	v0 =	vand.u32 $0xFFFF, v1;
	v1 =	vld [tilespmem:$0x40]  }
0x21: {  	[tilespmem:$0x3510] =	vst v0;
	v0 =	vshrl.u32 v2, $0x10  }
0x22: {  	[tilespmem:$0x3420] =	vst v0;
	v0 =	vand.u32 $0xFFFF, v2;
	v2 =	vld [tilespmem:$0x50]  }
0x23: {  	[tilespmem:$0x3520] =	vst v0;
	v0 =	vshrl.u32 v3, $0x10  }
0x24: {  	[tilespmem:$0x3430] =	vst v0;
	v0 =	vand.u32 $0xFFFF, v3;
	v3 =	vld [tilespmem:$0x60]  }
0x25: {  	[tilespmem:$0x3530] =	vst v0;
	v0 =	vshrl.u32 v1, $0x10  }
0x26: {  	[tilespmem:$0x3440] =	vst v0;
	v0 =	vand.u32 $0xFFFF, v1;
	v1 =	vld [tilespmem:$0x70]  }
0x27: {  	[tilespmem:$0x3540] =	vst v0;
	v0 =	vshrl.u32 v2, $0x10  }
0x28: {  	[tilespmem:$0x3450] =	vst v0;
	v0 =	vand.u32 $0xFFFF, v2  }
0x29: {  	[tilespmem:$0x3550] =	vst v0;
	v0 =	vshrl.u32 v3, $0x10  }
0x2a: {  	[tilespmem:$0x3460] =	vst v0;
	v0 =	vand.u32 $0xFFFF, v3  }
0x2b: {  	[tilespmem:$0x3560] =	vst v0;
	v0 =	vshrl.u32 v1, $0x10  }
0x2c: {  	[tilespmem:$0x3470] =	vst v0;
	v0 =	vand.u32 $0xFFFF, v1  }
0x2d: {  	[tilespmem:$0x3570] =	vst v0  }
0x2e: {  	[tilespmem:s16], [sflag:$0x1] =	stream.indirect.gather [hbm4b:s4+s14], $0x80, s15, s14, $0xb8;
	[tilespmem:$0x1F200] =	vst v63  }
0x2f: {  	_ =	swait.ge [sflag:s13], $0x4000  }
0x30: {  	p0 =	por $0x1, $0x1;
	[sflag:s13] =	ssyncset.done $0x0  }
0x31: {  	s20 =	simm.s32 @!p0 $0x2;
	[sflag:s13] =	ssyncadd.s32 $0xFFFFC000  }
0x32: {  	_ =	swait.ge @!p0 [sflag:s20], $0x4000  }
0x33: {  	[sflag:s20] =	ssyncset.done @!p0 $0x0  }
0x34: {  	s19 =	simm.s32 $0xF0;
	[sflag:s20] =	ssyncadd.s32 @!p0 $0xFFFFC000;
	p0 =	sle.u32 s7, $0x1  }
0x35: {  	v0 =	vld @!p0 [tilespmem:s19+$0xFFFFFF90];
	_ =	sdelay $0x2  }
0x36: {  	s22 =	sand.u32 $0x1, s3  }
0x37: {  	s23 =	sxor.u32 @!p0 $0x1, s22  }
0x38: {  	s21 =	sshll.u32 @!p0 s23, $0x7;
	v1 =	vshrl.u32 @!p0 v0, $0x10  }
0x39: {  	v0 =	vand.u32 @!p0 $0xFFFF, v0;
	[tilespmem:s21+$0x3400] =	vst @!p0 v1  }
0x3a: {  	[tilespmem:s21+$0x3500] =	vst @!p0 v0  }
0x3b: {  	v0 =	vld @!p0 [tilespmem:s19+$0xFFFFFFA0];
	_ =	sdelay $0x4  }
0x3c: {  	v1 =	vshrl.u32 @!p0 v0, $0x10  }
0x3d: {  	v0 =	vand.u32 @!p0 $0xFFFF, v0;
	[tilespmem:s21+$0x3410] =	vst @!p0 v1  }
0x3e: {  	[tilespmem:s21+$0x3510] =	vst @!p0 v0  }
0x3f: {  	v0 =	vld @!p0 [tilespmem:s19+$0xFFFFFFB0];
	_ =	sdelay $0x4  }
0x40: {  	v1 =	vshrl.u32 @!p0 v0, $0x10  }
0x41: {  	v0 =	vand.u32 @!p0 $0xFFFF, v0;
	[tilespmem:s21+$0x3420] =	vst @!p0 v1  }
0x42: {  	[tilespmem:s21+$0x3520] =	vst @!p0 v0  }
0x43: {  	v0 =	vld @!p0 [tilespmem:s19+$0xFFFFFFC0];
	_ =	sdelay $0x4  }
0x44: {  	v1 =	vshrl.u32 @!p0 v0, $0x10  }
0x45: {  	v0 =	vand.u32 @!p0 $0xFFFF, v0;
	[tilespmem:s21+$0x3430] =	vst @!p0 v1  }
0x46: {  	[tilespmem:s21+$0x3530] =	vst @!p0 v0  }
0x47: {  	v0 =	vld @!p0 [tilespmem:s19+$0xFFFFFFD0];
	_ =	sdelay $0x4  }
0x48: {  	v1 =	vshrl.u32 @!p0 v0, $0x10  }
0x49: {  	v0 =	vand.u32 @!p0 $0xFFFF, v0;
	[tilespmem:s21+$0x3440] =	vst @!p0 v1  }
0x4a: {  	[tilespmem:s21+$0x3540] =	vst @!p0 v0  }
0x4b: {  	v0 =	vld @!p0 [tilespmem:s19+$0xFFFFFFE0];
	_ =	sdelay $0x4  }
0x4c: {  	v1 =	vshrl.u32 @!p0 v0, $0x10  }
0x4d: {  	v0 =	vand.u32 @!p0 $0xFFFF, v0;
	[tilespmem:s21+$0x3450] =	vst @!p0 v1  }
0x4e: {  	[tilespmem:s21+$0x3550] =	vst @!p0 v0  }
0x4f: {  	v0 =	vld @!p0 [tilespmem:s19+$0xFFFFFFF0];
	_ =	sdelay $0x3  }
0x50: {  	p1 =	sne.s32 s7, $0x1  }
.Ltmp0:
0x51: {  	v1 =	vshrl.u32 @!p0 v0, $0x10;
	(pc) =	sbr.rel @!p1 .LBB2_3-.Ltmp0, $4  }
0x52: {  	s24 =	sshll.u32 s22, $0xE;
	v0 =	vand.u32 @!p0 $0xFFFF, v0;
	[tilespmem:s21+$0x3460] =	vst @!p0 v1  }
0x53: {  	s25 =	sshll.u32 s22, $0x7;
	s24 =	sor.u32 $0x3600, s24;
	[tilespmem:s21+$0x3560] =	vst @!p0 v0  }
0x54: {  	s25 =	sor.u32 $0x3500, s25;
	s20 =	simm.s32 $0x1;
	s23 =	sshll.u32 @!p0 s23, $0xE;
	v0 =	vld @!p0 [tilespmem:s19+$0x0]  }
0x55: {  	s26 =	simm.s32 @!p0 $0x80;
	s22 =	sor.u32 @!p0 $0x3600, s23;
	s23 =	sor.u32 @!p0 $0x3400, s21  }
.LBB2_2:
0x56: {  	s19 =	sadd.s32 $0x80, s19;
	s28 =	smov.u32 s20;
	s20 =	sadd.s32 $0x1, s20  }
0x57: {  	p1 =	sne.s32 s7, s20;
	_ =	sdelay $0x1  }
0x58: {  	v1 =	vshrl.u32 @!p0 v0, $0x10;
	v0 =	vand.u32 @!p0 $0xFFFF, v0  }
0x59: {  	[tilespmem:s21+$0x3470] =	vst @!p0 v1  }
0x5a: {  	[tilespmem:s21+$0x3570] =	vst @!p0 v0  }
0x5b: {  	[tilespmem:s22], [sflag:$0x1] =	stream.indirect.gather @!p0 [hbm4b:s4+s26], $0x80, s23, s26, $0xb8;
	[tilespmem:$0x1F200] =	vst v63  }
0x5c: {  	_ = 	snop  }
0x5d: {  	[spmem:s2] =	stream.indirect.scatter.add.f32 [tilespmem:s24], [sflag:$0x2], $0x80, s25, s14, $0xb8;
	[tilespmem:$0x1F200] =	vst v63  }
0x5e: {  	_ =	swait.ge [sflag:s13], $0x4000  }
0x5f: {  	p0 =	seq.s32 s28, $0x0;
	[sflag:s13] =	ssyncset.done $0x0  }
0x60: {  	s21 =	simm.s32 @!p0 $0x2;
	[sflag:s13] =	ssyncadd.s32 $0xFFFFC000  }
0x61: {  	_ =	swait.ge @!p0 [sflag:s21], $0x4000  }
0x62: {  	[sflag:s21] =	ssyncset.done @!p0 $0x0  }
0x63: {  	s22 =	sand.u32 $0x1, s28;
	[sflag:s21] =	ssyncadd.s32 @!p0 $0xFFFFC000;
	p0 =	sge.u32 s20, s7  }
0x64: {  	s24 =	sshll.u32 s22, $0xE;
	s25 =	sshll.u32 s22, $0x7;
	s21 =	sxor.u32 @!p0 $0x1, s22;
	v0 =	vld @!p0 [tilespmem:s19+$0xFFFFFF90]  }
0x65: {  	s22 =	sshll.u32 @!p0 s21, $0xE  }
0x66: {  	s22 =	sor.u32 @!p0 $0x3600, s22;
	_ =	sdelay $0x2  }
0x67: {  	s21 =	sshll.u32 @!p0 s21, $0x7;
	v1 =	vshrl.u32 @!p0 v0, $0x10;
	v0 =	vand.u32 @!p0 $0xFFFF, v0  }
0x68: {  	s23 =	sor.u32 @!p0 $0x3400, s21;
	[tilespmem:s21+$0x3400] =	vst @!p0 v1  }
0x69: {  	[tilespmem:s21+$0x3500] =	vst @!p0 v0  }
0x6a: {  	v0 =	vld @!p0 [tilespmem:s19+$0xFFFFFFA0];
	_ =	sdelay $0x4  }
0x6b: {  	v1 =	vshrl.u32 @!p0 v0, $0x10;
	v0 =	vand.u32 @!p0 $0xFFFF, v0  }
0x6c: {  	[tilespmem:s21+$0x3410] =	vst @!p0 v1  }
0x6d: {  	[tilespmem:s21+$0x3510] =	vst @!p0 v0  }
0x6e: {  	v0 =	vld @!p0 [tilespmem:s19+$0xFFFFFFB0];
	_ =	sdelay $0x4  }
0x6f: {  	v1 =	vshrl.u32 @!p0 v0, $0x10;
	v0 =	vand.u32 @!p0 $0xFFFF, v0  }
0x70: {  	[tilespmem:s21+$0x3420] =	vst @!p0 v1  }
0x71: {  	[tilespmem:s21+$0x3520] =	vst @!p0 v0  }
0x72: {  	v0 =	vld @!p0 [tilespmem:s19+$0xFFFFFFC0];
	_ =	sdelay $0x4  }
0x73: {  	v1 =	vshrl.u32 @!p0 v0, $0x10;
	v0 =	vand.u32 @!p0 $0xFFFF, v0  }
0x74: {  	[tilespmem:s21+$0x3430] =	vst @!p0 v1  }
0x75: {  	[tilespmem:s21+$0x3530] =	vst @!p0 v0  }
0x76: {  	v0 =	vld @!p0 [tilespmem:s19+$0xFFFFFFD0];
	_ =	sdelay $0x4  }
0x77: {  	v1 =	vshrl.u32 @!p0 v0, $0x10;
	v0 =	vand.u32 @!p0 $0xFFFF, v0  }
0x78: {  	[tilespmem:s21+$0x3440] =	vst @!p0 v1  }
0x79: {  	[tilespmem:s21+$0x3540] =	vst @!p0 v0  }
0x7a: {  	v0 =	vld @!p0 [tilespmem:s19+$0xFFFFFFE0];
	_ =	sdelay $0x4  }
0x7b: {  	v1 =	vshrl.u32 @!p0 v0, $0x10;
	v0 =	vand.u32 @!p0 $0xFFFF, v0  }
0x7c: {  	[tilespmem:s21+$0x3450] =	vst @!p0 v1  }
0x7d: {  	[tilespmem:s21+$0x3550] =	vst @!p0 v0  }
0x7e: {  	v0 =	vld @!p0 [tilespmem:s19+$0xFFFFFFF0];
	_ =	sdelay $0x4  }
.Ltmp1:
0x7f: {  	v1 =	vshrl.u32 @!p0 v0, $0x10;
	v0 =	vand.u32 @!p0 $0xFFFF, v0;
	(pc) =	sbr.rel @p1 .LBB2_2-.Ltmp1, $4  }
0x80: {  	[tilespmem:s21+$0x3460] =	vst @!p0 v1  }
0x81: {  	s26 =	simm.s32 @!p0 $0x80;
	[tilespmem:s21+$0x3560] =	vst @!p0 v0  }
0x82: {  	v0 =	vld @!p0 [tilespmem:s19+$0x0]  }
0x83: {  	s24 =	sor.u32 $0x3600, s24;
	s25 =	sor.u32 $0x3500, s25  }
.LBB2_3:
0x84: {  	_ =	sdelay $0x2  }
0x85: {  	v1 =	vshrl.u32 @!p0 v0, $0x10  }
0x86: {  	v0 =	vand.u32 @!p0 $0xFFFF, v0;
	[tilespmem:s21+$0x3470] =	vst @!p0 v1  }
0x87: {  	[tilespmem:s21+$0x3570] =	vst @!p0 v0  }
0x88: {  	[tilespmem:s22], [sflag:$0x1] =	stream.indirect.gather @!p0 [hbm4b:s4+s26], $0x80, s23, s26, $0xb8;
	[tilespmem:$0x1F200] =	vst v63  }
0x89: {  	_ = 	snop  }
0x8a: {  	[spmem:s2] =	stream.indirect.scatter.add.f32 [tilespmem:s24], [sflag:$0x2], $0x80, s25, s14, $0xb8;
	[tilespmem:$0x1F200] =	vst v63  }
0x8b: {  	_ =	swait.ge [sflag:s17], $0x4000  }
0x8c: {  	s18 =	sadd.s32 $0x1, s18;
	[sflag:s17] =	ssyncset.done $0x0  }
0x8d: {  	p0 =	sne.s32 s18, s10;
	[sflag:s17] =	ssyncadd.s32 $0xFFFFC000  }
.Ltmp2:
0x8e: {  	[bflag:$0x0] =	sbarrier.arrive $0xFFFF;
	(pc) =	sbr.rel @p0 .LBB2_1-.Ltmp2, $4  }
0x8f: {  	[hbm:s9], [sflag:s6] =	dma.local [spmem:s11], $0x2780  }
0x90: {  	_ =	swait.ge [sflag:s12], $0x2780  }
0x91: {  	[sflag:s12] =	ssyncset.done $0x0  }
0x92: {  	[sflag:s12] =	ssyncadd.s32 $0xFFFFD880  }
0x93: {  	_ =	sfence.sel $0x180000  }
0x94: {  	[bflag:$0x0] =	sbarrier.arrive $0xFFFF  }
0x95: {  	p0 =	sne.s32 s1, $0x0;
	_ =	strace $0x9000004A  }
0x96: {  	s0 =	sadd.s32 @!p0 $0x100000, s0;
	[bflag:$0x2] =	sbarrier.arrive $0xFFFF  }
0x97: {  	[sflag:s0] =	ssyncadd.tile.s32 @!p0 $0x1;
	_ =	shalt  }
.Lfunc_end2:
_tile_overlayer_lowered:
.L_overlay_start_2:
0x98: {  	(tag) =	ssettag $0x2  }
0x99: {  	s0 =	rddreg [dreg:$0x0];
	s2 =	stileid.u32  }
0x9a: {  	s1 =	rddreg [dreg:$0x1];
	p0 =	sne.s32 s2, $0x0  }
0x9b: {  	s3 =	rddreg [dreg:$0x2];
	[bflag:$0x3] =	sbarrier.arrive $0xFFFF;
	s2 =	simm.s32 @!p0 $0x1C03  }
0x9c: {  	[timem:s3], [sflag:s2] =	dma.local @!p0 [hbm:s0], s1  }
0x9d: {  	s0 =	simm.s32 @!p0 $0x3  }
0x9e: {  	_ =	swait.ge @!p0 [sflag:s0], s1  }
0x9f: {  	s1 =	ssub.s32 @!p0 $0x0, s1;
	[sflag:s0] =	ssyncset.done @!p0 $0x0  }
0xa0: {  	[sflag:s0] =	ssyncadd.s32 @!p0 s1  }
0xa1: {  	[bflag:$0x3] =	sbarrier.arrive $0xFFFF  }
0xa2: {  	_ =	shalt  }

// kernel: kernel.17.cloned.1.call-start
scs
__scs_entry_jumppad:
0x0: {  	(pc) =	sbr.rel $0x88, $3  }
0x1: {  	(tag) =	ssettag $0x0;
	lr =	simm.s32 $0x1  }
0x2: {  	[smem:$0x3F96] =	sst lr;
	_ =	strace $0xD0000000  }
0x3: {  	_ = 	snop  }
0x4: {  	_ = 	snop  }
0x5: {  	_ = 	snop  }
0x6: {  	_ = 	snop  }
0x7: {  	_ = 	snop  }
__scs_overlays_trampoline_lowered:
0x8: {  	[smem:$0x3FA5] =	sst s0  }
0x9: {  	[smem:$0x3FA6] =	sst s1  }
0xa: {  	[smem:$0x3FA7] =	sst s2  }
0xb: {  	[smem:$0x3FA8] =	sst s3  }
0xc: {  	[smem:$0x3FA9] =	sst s4  }
0xd: {  	[smem:$0x3FAA] =	sst s5  }
0xe: {  	[smem:$0x3FAB] =	sst s6  }
0xf: {  	[smem:$0x3FAC] =	sst s7  }
0x10: {  	[smem:$0x3FAD] =	sst s8  }
0x11: {  	[smem:$0x3FAE] =	sst s9;
	s0 =	simm.s32 @!p0 $0x0  }
0x12: {  	s1 =	sld [smem:$0x3F94];
	s0 =	simm.s32 @p0 $0x1  }
0x13: {  	[smem:$0x3FAF] =	sst s0;
	s0 =	simm.s32 @!p1 $0x0  }
0x14: {  	s2 =	sld [smem:$0x3F93];
	s0 =	simm.s32 @p1 $0x1  }
0x15: {  	[smem:$0x3FB0] =	sst s0;
	s0 =	simm.s32 @!p2 $0x0  }
0x16: {  	s3 =	sld [smem:$0x3FDB];
	s0 =	simm.s32 @p2 $0x1  }
0x17: {  	s4 =	simm.s32 $0x1BF5;
	[smem:$0x3FB2] =	sst s0  }
0x18: {  	s0 =	sld [smem:$0x3F95];
	_ =	swait.ge [sflag:s4], $0x0  }
0x19: {  	s7 =	sld [smem:$0x3F96]  }
0x1a: {  	s8 =	sadd.s32 $0xFFFFE003, lr  }
0x1b: {  	s9 =	sadd.s32 $0xFFFFFEF7, lr;
	s5 =	simm.s32 $0xFFFFFFFF;
	p2 =	slt.u32 s8, $0xFFFFF086  }
0x1c: {  	p1 =	slt.u32 s9, $0xF7A;
	s5 =	simm.s32 @!p2 $0x0  }
0x1d: {  	s5 =	simm.s32 @p1 $0x1;
	p0 =	seq.s32 s7, s2  }
0x1e: {  	s7 =	smul.u32 @!p0 $0xF7A, s2;
	p2 =	seq.s32 @!p0 s5, $0x0  }
0x1f: {  	s9 =	smul.u32 $0xF7A, s1;
	s8 =	simm.s32 @!p0 $0x1BF5;
	p2 =	por !p2, p0  }
0x20: {  	[sflag:s8] =	ssyncset.s32 @!p0 $0xFFFFF086;
	s6 =	sadd.s32 @!p0 s3, s7;
	s7 =	simm.s32 @!p0 $0x108  }
0x21: {  	s3 =	sadd.s32 s3, s9;
	s6 =	sadd.s32 @!p0 $0x88, s6;
	s7 =	simm.s32 @p2 $0x1082  }
0x22: {  	[simem:s7], [sflag:s8] =	dma.local @!p0 [hbm:s6], $0xF7A  }
0x23: {  	s9 =	sor.u32 $0xD0000000, s2;
	s6 =	simm.s32 $0x108;
	_ =	swait.ge @!p0 [sflag:s8], $0x0  }
0x24: {  	s3 =	sadd.s32 $0x88, s3;
	s6 =	simm.s32 @!p1 $0x1082;
	[sflag:s4] =	ssyncset.s32 $0xFFFFF086  }
0x25: {  	[simem:s6], [sflag:s4] =	dma.local [hbm:s3], $0xF7A  }
0x26: {  	[smem:$0x3F96] =	sst s1;
	(tag) =	ssettag s2;
	_ =	strace s9  }
0x27: {  	s1 =	sld [smem:$0x3FA6]  }
0x28: {  	s2 =	sld [smem:$0x3FA7]  }
0x29: {  	s4 =	sld [smem:$0x3FA9]  }
0x2a: {  	p0 =	seq.s32 s5, $0x0;
	s5 =	sld [smem:$0x3FAA]  }
0x2b: {  	s6 =	sld [smem:$0x3FAB]  }
0x2c: {  	s7 =	sld [smem:$0x3FAC]  }
0x2d: {  	s3 =	simm.s32 $0x108;
	s8 =	sld [smem:$0x3FAD]  }
0x2e: {  	s3 =	simm.s32 @!p0 $0x1082;
	s9 =	sld [smem:$0x3FAE]  }
0x2f: {  	lr =	sadd.s32 s0, s3;
	s0 =	sld [smem:$0x3FA5]  }
0x30: {  	s3 =	sld [smem:$0x3FA8]  }
0x31: {  	[smem:$0x3FB1] =	sst s10  }
0x32: {  	s10 =	sld [smem:$0x3FAF];
	_ =	sdelay $0x3  }
0x33: {  	p0 =	seq.s32 s10, $0x1;
	s10 =	sld [smem:$0x3FB1];
	_ =	sdelay $0x3  }
0x34: {  	[smem:$0x3FB1] =	sst s10  }
0x35: {  	s10 =	sld [smem:$0x3FB0];
	_ =	sdelay $0x3  }
0x36: {  	p1 =	seq.s32 s10, $0x1;
	s10 =	sld [smem:$0x3FB1];
	_ =	sdelay $0x3  }
0x37: {  	[smem:$0x3FB1] =	sst s10  }
0x38: {  	s10 =	sld [smem:$0x3FB2]  }
0x39: {  	_ = 	snop;
	(pc) =	sbr.ind lr, $3  }
0x3a: {  	_ = 	snop  }
0x3b: {  	_ = 	snop  }
0x3c: {  	p2 =	seq.s32 s10, $0x1;
	s10 =	sld [smem:$0x3FB1]  }
0x3d: {  	_ =	shalt  }
0x3e: {  	_ =	shalt  }
0x3f: {  	_ =	shalt  }
0x40: {  	_ =	shalt  }
0x41: {  	_ =	shalt  }
0x42: {  	_ =	shalt  }
0x43: {  	_ =	shalt  }
0x44: {  	_ =	shalt  }
0x45: {  	_ =	shalt  }
0x46: {  	_ =	shalt  }
0x47: {  	_ =	shalt  }
0x48: {  	_ =	shalt  }
0x49: {  	_ =	shalt  }
0x4a: {  	_ =	shalt  }
0x4b: {  	_ =	shalt  }
0x4c: {  	_ =	shalt  }
0x4d: {  	_ =	shalt  }
0x4e: {  	_ =	shalt  }
0x4f: {  	_ =	shalt  }
0x50: {  	_ =	shalt  }
0x51: {  	_ =	shalt  }
0x52: {  	_ =	shalt  }
0x53: {  	_ =	shalt  }
0x54: {  	_ =	shalt  }
0x55: {  	_ =	shalt  }
0x56: {  	_ =	shalt  }
0x57: {  	_ =	shalt  }
0x58: {  	_ =	shalt  }
0x59: {  	_ =	shalt  }
0x5a: {  	_ =	shalt  }
0x5b: {  	_ =	shalt  }
0x5c: {  	_ =	shalt  }
0x5d: {  	_ =	shalt  }
0x5e: {  	_ =	shalt  }
0x5f: {  	_ =	shalt  }
0x60: {  	_ =	shalt  }
0x61: {  	_ =	shalt  }
0x62: {  	_ =	shalt  }
0x63: {  	_ =	shalt  }
0x64: {  	_ =	shalt  }
0x65: {  	_ =	shalt  }
0x66: {  	_ =	shalt  }
0x67: {  	_ =	shalt  }
0x68: {  	_ =	shalt  }
0x69: {  	_ =	shalt  }
0x6a: {  	_ =	shalt  }
0x6b: {  	_ =	shalt  }
0x6c: {  	_ =	shalt  }
0x6d: {  	_ =	shalt  }
0x6e: {  	_ =	shalt  }
0x6f: {  	_ =	shalt  }
0x70: {  	_ =	shalt  }
0x71: {  	_ =	shalt  }
0x72: {  	_ =	shalt  }
0x73: {  	_ =	shalt  }
0x74: {  	_ =	shalt  }
0x75: {  	_ =	shalt  }
0x76: {  	_ =	shalt  }
0x77: {  	_ =	shalt  }
0x78: {  	_ =	shalt  }
0x79: {  	_ =	shalt  }
0x7a: {  	_ =	shalt  }
0x7b: {  	_ =	shalt  }
0x7c: {  	_ =	shalt  }
0x7d: {  	_ =	shalt  }
0x7e: {  	_ =	shalt  }
0x7f: {  	_ =	shalt  }
0x80: {  	_ =	shalt  }
0x81: {  	_ =	shalt  }
0x82: {  	_ =	shalt  }
0x83: {  	_ =	shalt  }
0x84: {  	_ =	shalt  }
0x85: {  	_ =	shalt  }
0x86: {  	_ =	shalt  }
0x87: {  	_ =	shalt  }
.Lfunc_end0:
.L_simem_size_0:
called_computation.2_lowered:
.L_overlay_start_0:
0x88: {  	s2 =	sld [smem:$0x3FD9]  }
0x89: {  	s3 =	sld [smem:$0x3FFE];
	_ =	sdelay $0x1  }
0x8a: {  	s1 =	srdreg.scid  }
0x8b: {  	s0 =	sand.u32 $0x1, s1  }
0x8c: {  	s16 =	sshll.u32 s0, $0xA;
	s2 =	sadd.s32 s3, s2  }
0x8d: {  	s2 =	sadd.s32 s2, s16  }
0x8e: {  	[smem:$0x3FBD] =	sst s2  }
0x8f: {  	_ = 	snop  }
0x90: {  	(tm) =	ssettm $0x1  }
0x91: {  	s17 =	sld [smem:$0x3FFB];
	_ =	sdelay $0x3  }
0x92: {  	_ =	strace s17  }
0x93: {  	s2 =	sld [smem:$0x3FFC];
	_ =	sdelay $0x3  }
0x94: {  	_ =	strace s2  }
0x95: {  	s2 =	sld [smem:$0x3FFD];
	_ =	sdelay $0x3  }
0x96: {  	_ =	strace s2  }
0x97: {  	_ =	strace $0x8FFFFFFF  }
0x98: {  	s18 =	sld [smem:$0x3FDB];
	_ =	sdelay $0x1  }
0x99: {  	s19 =	simm.s32 $_scs_section_size  }
0x9a: {  	s4 =	simm.s32 $_size__tile_overlayer_lowered;
	s5 =	simm.s32 $_tile_overlayer_lowered  }
0x9b: {  	s22 =	simm.s32 $0x1BFF;
	s21 =	sshll.u32 s5, $0x1;
	s2 =	sadd.s32 s19, s18  }
0x9c: {  	s6 =	simm.s32 $0x0;
	s20 =	sshll.u32 s4, $0x1;
	s4 =	sadd.s32 s21, s2  }
0x9d: {  	[timem:s6], [sflag:s22] =	dma.local [hbm:s4], s20  }
0x9e: {  	_ =	swait.ge [sflag:s22], s20  }
0x9f: {  	s3 =	ssub.s32 $0x0, s20;
	[sflag:s22] =	ssyncset.done $0x0  }
0xa0: {  	[sflag:s22] =	ssyncadd.s32 s3;
	_ =	sdelay $0x1  }
0xa1: {  	s23 =	simm.s32 $0x1B8B  }
0xa2: {  	_ =	swait.ge [sflag:s23], $0x1  }
0xa3: {  	[sflag:s23] =	ssyncset.done $0x0  }
0xa4: {  	s25 =	simm.s32 $0x1B8E;
	s24 =	sld [smem:$0x3FFE];
	[sflag:s23] =	ssyncadd.s32 $0xFFFFFFFF  }
0xa5: {  	s26 =	simm.s32 $execute0_lowered;
	[smem:$0x3FD2] =	sst s25  }
0xa6: {  	s4 =	sshll.u32 s26, $0x1;
	_ =	strace $0x8000004C;
	[dreg:$0x1] =	wrdreg $0xFFFFFFFF  }
0xa7: {  	s28 =	simm.s32 $_size_execute0_lowered;
	s2 =	sadd.s32 s2, s4;
	[dreg:$0x0] =	wrdreg $0x0  }
0xa8: {  	s4 =	sshll.u32 s28, $0x1;
	[dreg:$0x2] =	wrdreg s2  }
0xa9: {  	[dreg:$0x3] =	wrdreg s4  }
0xaa: {  	[dreg:$0x4] =	wrdreg $0xC0  }
0xab: {  	_ =	task [dreg:s6], $0x5FFFF  }
0xac: {  	[dreg:$0x1] =	wrdreg $0xFFFFFFFF  }
0xad: {  	[dreg:$0x0] =	wrdreg $0x60  }
0xae: {  	[dreg:$0x2] =	wrdreg s24  }
0xaf: {  	[dreg:$0x3] =	wrdreg $0xB6000  }
0xb0: {  	[dreg:$0x4] =	wrdreg $0x9  }
0xb1: {  	_ =	task.clear_ibuf [dreg:s6], $0x5FFFF;
	_ =	strace $0x9000004C  }
0xb2: {  	s29 =	simm.s32 $0x9;
	_ =	strace $0x8000004E  }
0xb3: {  	_ =	swait.ge [sflag:s29], $0x1  }
0xb4: {  	[sflag:s29] =	ssyncadd.s32 $0xFFFFFFFF  }
0xb5: {  	_ =	strace $0x9000004E  }
0xb6: {  	_ =	sfence  }
0xb7: {  	s30 =	sld [smem:$0x0];
	_ =	sdelay $0x2  }
0xb8: {  	s31 =	sshll.u32 s1, $0xD;
	s1 =	sshrl.u32 s1, $0x2  }
0xb9: {  	s3 =	sand.u32 $0x4000, s31;
	s1 =	sadd.s32 s1, s30  }
0xba: {  	s0 =	sor.u32 s3, s0;
	s1 =	sshll.u32 s1, $0x11  }
0xbb: {  	s0 =	sor.u32 s1, s0  }
0xbc: {  	s0 =	sadd.s32 $0x8F2B, s0  }
0xbd: {  	[sflag:s0] =	ssyncadd.remote.s32 $0x1  }
0xbe: {  	_ =	sfence.sel $0xFFFF  }
0xbf: {  	[dreg:$0x0] =	wrdreg $0xFFFFFFFF;
	(pc) =	sbr.abs _section_cstart, $3  }
0xc0: {  	[dreg:$0x1] =	wrdreg $0xFFFFFFFF  }
0xc1: {  	_ =	task.clear_ibuf [dreg:s6], $0x2FFFF;
	_ =	strace $0x9FFFFFFF  }
0xc2: {  	(tm) =	ssettm $0x7FFFFFFF  }
0xc3: {  	_ =	shalt  }
tec
execute0_lowered:
.L_overlay_start_1:
0x0: {  	(tag) =	ssettag $0x1  }
0x1: {  	s5 =	rddreg [dreg:$0x0]  }
0x2: {  	s2 =	rddreg [dreg:$0x1]  }
0x3: {  	s0 =	rddreg [dreg:$0x2];
	s4 =	srdreg.scid  }
0x4: {  	s1 =	stileid.u32;
	s3 =	simm.s32 $0x0;
	s13 =	simm.s32 $0x1  }
0x5: {  	s14 =	simm.s32 $0x80;
	s15 =	simm.s32 $0x3400;
	s16 =	simm.s32 $0x3600  }
0x6: {  	s17 =	simm.s32 $0x2;
	s18 =	simm.s32 $0x0;
	s6 =	smul.u32 $0x13C00, s1  }
0x7: {  	s7 =	sand.u32 $0x1, s4;
	[smem:$0x7FF] =	sst s3;
	s11 =	smul.u32 $0x4F000, s1  }
0x8: {  	s31 =	sshll.u32 s1, $0x6;
	s4 =	sshll.u32 s7, $0x4;
	s8 =	smul.u32 $0x13C000, s7  }
0x9: {  	_ =	strace $0x8000004D;
	s10 =	ssub.s32 $0x2, s7;
	p0 =	seq.s32 s7, $0x0  }
0xa: {  	s7 =	simm.s32 $0x65;
	s9 =	sor.u32 s1, s4;
	s4 =	sadd.s32 $0x6BA00, s5  }
0xb: {  	s29 =	sshrl.u32 s10, $0x1;
	s30 =	sshrl.u32 s11, $0x2;
	s7 =	simm.s32 @!p0 $0x38  }
0xc: {  	s9 =	smul.u32 $0x680, s9;
	s8 =	sadd.s32 s6, s8;
	s10 =	ssub.s32 s10, s29  }
0xd: {  	s6 =	sshrl.u32 s6, $0x3;
	s11 =	sadd.s32 s30, s2;
	s8 =	sshrl.u32 s8, $0x3  }
0xe: {  	s10 =	smax.u32 s10, $0x1;
	s11 =	sshrl.u32 s11, $0x3;
	s9 =	sadd.s32 s9, s5  }
0xf: {  	s12 =	sadd.s32 s8, s5;
	s5 =	sadd.s32 s4, s6;
	s6 =	sor.u32 $0x1C03, s31  }
0x10: {  	s8 =	sadd.s32 $0x5EA00, s9;
	s9 =	sadd.s32 $0x93200, s12;
	s12 =	simm.s32 $0x3  }
.LBB2_1:
0x11: {  	[spmem:s11], [sflag:s6] =	dma.local [hbm:s5], $0x2780  }
0x12: {  	_ =	swait.ge [sflag:s12], $0x2780  }
0x13: {  	[sflag:s12] =	ssyncset.done $0x0  }
0x14: {  	[sflag:s12] =	ssyncadd.s32 $0xFFFFD880  }
0x15: {  	[tilespmem:s3], [sflag:$0x1] =	stream.linear.gather [hbm4b:s8+s3], $0x3280, $0x38;
	[tilespmem:$0x1F200] =	vst v63  }
0x16: {  	_ =	swait.ge [sflag:s13], $0x3280  }
0x17: {  	[sflag:s13] =	ssyncset.done $0x0  }
0x18: {  	[sflag:s13] =	ssyncadd.s32 $0xFFFFCD80  }
0x19: {  	[bflag:$0x0] =	sbarrier.arrive $0xFFFF  }
0x1a: {  	v0 =	vld [tilespmem:$0x0];
	_ =	sdelay $0x1  }
0x1b: {  	v1 =	vld [tilespmem:$0x10];
	_ =	sdelay $0x1  }
0x1c: {  	v2 =	vld [tilespmem:$0x20]  }
0x1d: {  	v3 =	vshrl.u32 v0, $0x10  }
0x1e: {  	v0 =	vand.u32 $0xFFFF, v0;
	[tilespmem:$0x3400] =	vst v3;
	v3 =	vld [tilespmem:$0x30]  }
0x1f: {  	[tilespmem:$0x3500] =	vst v0;
	v0 =	vshrl.u32 v1, $0x10  }
0x20: {  	[tilespmem:$0x3410] =	vst v0;
	v0 =	vand.u32 $0xFFFF, v1;
	v1 =	vld [tilespmem:$0x40]  }
0x21: {  	[tilespmem:$0x3510] =	vst v0;
	v0 =	vshrl.u32 v2, $0x10  }
0x22: {  	[tilespmem:$0x3420] =	vst v0;
	v0 =	vand.u32 $0xFFFF, v2;
	v2 =	vld [tilespmem:$0x50]  }
0x23: {  	[tilespmem:$0x3520] =	vst v0;
	v0 =	vshrl.u32 v3, $0x10  }
0x24: {  	[tilespmem:$0x3430] =	vst v0;
	v0 =	vand.u32 $0xFFFF, v3;
	v3 =	vld [tilespmem:$0x60]  }
0x25: {  	[tilespmem:$0x3530] =	vst v0;
	v0 =	vshrl.u32 v1, $0x10  }
0x26: {  	[tilespmem:$0x3440] =	vst v0;
	v0 =	vand.u32 $0xFFFF, v1;
	v1 =	vld [tilespmem:$0x70]  }
0x27: {  	[tilespmem:$0x3540] =	vst v0;
	v0 =	vshrl.u32 v2, $0x10  }
0x28: {  	[tilespmem:$0x3450] =	vst v0;
	v0 =	vand.u32 $0xFFFF, v2  }
0x29: {  	[tilespmem:$0x3550] =	vst v0;
	v0 =	vshrl.u32 v3, $0x10  }
0x2a: {  	[tilespmem:$0x3460] =	vst v0;
	v0 =	vand.u32 $0xFFFF, v3  }
0x2b: {  	[tilespmem:$0x3560] =	vst v0;
	v0 =	vshrl.u32 v1, $0x10  }
0x2c: {  	[tilespmem:$0x3470] =	vst v0;
	v0 =	vand.u32 $0xFFFF, v1  }
0x2d: {  	[tilespmem:$0x3570] =	vst v0  }
0x2e: {  	[tilespmem:s16], [sflag:$0x1] =	stream.indirect.gather [hbm4b:s4+s14], $0x80, s15, s14, $0xb8;
	[tilespmem:$0x1F200] =	vst v63  }
0x2f: {  	_ =	swait.ge [sflag:s13], $0x4000  }
0x30: {  	p0 =	por $0x1, $0x1;
	[sflag:s13] =	ssyncset.done $0x0  }
0x31: {  	s20 =	simm.s32 @!p0 $0x2;
	[sflag:s13] =	ssyncadd.s32 $0xFFFFC000  }
0x32: {  	_ =	swait.ge @!p0 [sflag:s20], $0x4000  }
0x33: {  	[sflag:s20] =	ssyncset.done @!p0 $0x0  }
0x34: {  	s19 =	simm.s32 $0xF0;
	[sflag:s20] =	ssyncadd.s32 @!p0 $0xFFFFC000;
	p0 =	sle.u32 s7, $0x1  }
0x35: {  	v0 =	vld @!p0 [tilespmem:s19+$0xFFFFFF90];
	_ =	sdelay $0x2  }
0x36: {  	s22 =	sand.u32 $0x1, s3  }
0x37: {  	s23 =	sxor.u32 @!p0 $0x1, s22  }
0x38: {  	s21 =	sshll.u32 @!p0 s23, $0x7;
	v1 =	vshrl.u32 @!p0 v0, $0x10  }
0x39: {  	v0 =	vand.u32 @!p0 $0xFFFF, v0;
	[tilespmem:s21+$0x3400] =	vst @!p0 v1  }
0x3a: {  	[tilespmem:s21+$0x3500] =	vst @!p0 v0  }
0x3b: {  	v0 =	vld @!p0 [tilespmem:s19+$0xFFFFFFA0];
	_ =	sdelay $0x4  }
0x3c: {  	v1 =	vshrl.u32 @!p0 v0, $0x10  }
0x3d: {  	v0 =	vand.u32 @!p0 $0xFFFF, v0;
	[tilespmem:s21+$0x3410] =	vst @!p0 v1  }
0x3e: {  	[tilespmem:s21+$0x3510] =	vst @!p0 v0  }
0x3f: {  	v0 =	vld @!p0 [tilespmem:s19+$0xFFFFFFB0];
	_ =	sdelay $0x4  }
0x40: {  	v1 =	vshrl.u32 @!p0 v0, $0x10  }
0x41: {  	v0 =	vand.u32 @!p0 $0xFFFF, v0;
	[tilespmem:s21+$0x3420] =	vst @!p0 v1  }
0x42: {  	[tilespmem:s21+$0x3520] =	vst @!p0 v0  }
0x43: {  	v0 =	vld @!p0 [tilespmem:s19+$0xFFFFFFC0];
	_ =	sdelay $0x4  }
0x44: {  	v1 =	vshrl.u32 @!p0 v0, $0x10  }
0x45: {  	v0 =	vand.u32 @!p0 $0xFFFF, v0;
	[tilespmem:s21+$0x3430] =	vst @!p0 v1  }
0x46: {  	[tilespmem:s21+$0x3530] =	vst @!p0 v0  }
0x47: {  	v0 =	vld @!p0 [tilespmem:s19+$0xFFFFFFD0];
	_ =	sdelay $0x4  }
0x48: {  	v1 =	vshrl.u32 @!p0 v0, $0x10  }
0x49: {  	v0 =	vand.u32 @!p0 $0xFFFF, v0;
	[tilespmem:s21+$0x3440] =	vst @!p0 v1  }
0x4a: {  	[tilespmem:s21+$0x3540] =	vst @!p0 v0  }
0x4b: {  	v0 =	vld @!p0 [tilespmem:s19+$0xFFFFFFE0];
	_ =	sdelay $0x4  }
0x4c: {  	v1 =	vshrl.u32 @!p0 v0, $0x10  }
0x4d: {  	v0 =	vand.u32 @!p0 $0xFFFF, v0;
	[tilespmem:s21+$0x3450] =	vst @!p0 v1  }
0x4e: {  	[tilespmem:s21+$0x3550] =	vst @!p0 v0  }
0x4f: {  	v0 =	vld @!p0 [tilespmem:s19+$0xFFFFFFF0];
	_ =	sdelay $0x3  }
0x50: {  	p1 =	sne.s32 s7, $0x1  }
.Ltmp0:
0x51: {  	v1 =	vshrl.u32 @!p0 v0, $0x10;
	(pc) =	sbr.rel @!p1 .LBB2_3-.Ltmp0, $4  }
0x52: {  	s24 =	sshll.u32 s22, $0xE;
	v0 =	vand.u32 @!p0 $0xFFFF, v0;
	[tilespmem:s21+$0x3460] =	vst @!p0 v1  }
0x53: {  	s25 =	sshll.u32 s22, $0x7;
	s24 =	sor.u32 $0x3600, s24;
	[tilespmem:s21+$0x3560] =	vst @!p0 v0  }
0x54: {  	s25 =	sor.u32 $0x3500, s25;
	s20 =	simm.s32 $0x1;
	s23 =	sshll.u32 @!p0 s23, $0xE;
	v0 =	vld @!p0 [tilespmem:s19+$0x0]  }
0x55: {  	s26 =	simm.s32 @!p0 $0x80;
	s22 =	sor.u32 @!p0 $0x3600, s23;
	s23 =	sor.u32 @!p0 $0x3400, s21  }
.LBB2_2:
0x56: {  	s19 =	sadd.s32 $0x80, s19;
	s28 =	smov.u32 s20;
	s20 =	sadd.s32 $0x1, s20  }
0x57: {  	p1 =	sne.s32 s7, s20;
	_ =	sdelay $0x1  }
0x58: {  	v1 =	vshrl.u32 @!p0 v0, $0x10;
	v0 =	vand.u32 @!p0 $0xFFFF, v0  }
0x59: {  	[tilespmem:s21+$0x3470] =	vst @!p0 v1  }
0x5a: {  	[tilespmem:s21+$0x3570] =	vst @!p0 v0  }
0x5b: {  	[tilespmem:s22], [sflag:$0x1] =	stream.indirect.gather @!p0 [hbm4b:s4+s26], $0x80, s23, s26, $0xb8;
	[tilespmem:$0x1F200] =	vst v63  }
0x5c: {  	_ = 	snop  }
0x5d: {  	[spmem:s2] =	stream.indirect.scatter.add.f32 [tilespmem:s24], [sflag:$0x2], $0x80, s25, s14, $0xb8;
	[tilespmem:$0x1F200] =	vst v63  }
0x5e: {  	_ =	swait.ge [sflag:s13], $0x4000  }
0x5f: {  	p0 =	seq.s32 s28, $0x0;
	[sflag:s13] =	ssyncset.done $0x0  }
0x60: {  	s21 =	simm.s32 @!p0 $0x2;
	[sflag:s13] =	ssyncadd.s32 $0xFFFFC000  }
0x61: {  	_ =	swait.ge @!p0 [sflag:s21], $0x4000  }
0x62: {  	[sflag:s21] =	ssyncset.done @!p0 $0x0  }
0x63: {  	s22 =	sand.u32 $0x1, s28;
	[sflag:s21] =	ssyncadd.s32 @!p0 $0xFFFFC000;
	p0 =	sge.u32 s20, s7  }
0x64: {  	s24 =	sshll.u32 s22, $0xE;
	s25 =	sshll.u32 s22, $0x7;
	s21 =	sxor.u32 @!p0 $0x1, s22;
	v0 =	vld @!p0 [tilespmem:s19+$0xFFFFFF90]  }
0x65: {  	s22 =	sshll.u32 @!p0 s21, $0xE  }
0x66: {  	s22 =	sor.u32 @!p0 $0x3600, s22;
	_ =	sdelay $0x2  }
0x67: {  	s21 =	sshll.u32 @!p0 s21, $0x7;
	v1 =	vshrl.u32 @!p0 v0, $0x10;
	v0 =	vand.u32 @!p0 $0xFFFF, v0  }
0x68: {  	s23 =	sor.u32 @!p0 $0x3400, s21;
	[tilespmem:s21+$0x3400] =	vst @!p0 v1  }
0x69: {  	[tilespmem:s21+$0x3500] =	vst @!p0 v0  }
0x6a: {  	v0 =	vld @!p0 [tilespmem:s19+$0xFFFFFFA0];
	_ =	sdelay $0x4  }
0x6b: {  	v1 =	vshrl.u32 @!p0 v0, $0x10;
	v0 =	vand.u32 @!p0 $0xFFFF, v0  }
0x6c: {  	[tilespmem:s21+$0x3410] =	vst @!p0 v1  }
0x6d: {  	[tilespmem:s21+$0x3510] =	vst @!p0 v0  }
0x6e: {  	v0 =	vld @!p0 [tilespmem:s19+$0xFFFFFFB0];
	_ =	sdelay $0x4  }
0x6f: {  	v1 =	vshrl.u32 @!p0 v0, $0x10;
	v0 =	vand.u32 @!p0 $0xFFFF, v0  }
0x70: {  	[tilespmem:s21+$0x3420] =	vst @!p0 v1  }
0x71: {  	[tilespmem:s21+$0x3520] =	vst @!p0 v0  }
0x72: {  	v0 =	vld @!p0 [tilespmem:s19+$0xFFFFFFC0];
	_ =	sdelay $0x4  }
0x73: {  	v1 =	vshrl.u32 @!p0 v0, $0x10;
	v0 =	vand.u32 @!p0 $0xFFFF, v0  }
0x74: {  	[tilespmem:s21+$0x3430] =	vst @!p0 v1  }
0x75: {  	[tilespmem:s21+$0x3530] =	vst @!p0 v0  }
0x76: {  	v0 =	vld @!p0 [tilespmem:s19+$0xFFFFFFD0];
	_ =	sdelay $0x4  }
0x77: {  	v1 =	vshrl.u32 @!p0 v0, $0x10;
	v0 =	vand.u32 @!p0 $0xFFFF, v0  }
0x78: {  	[tilespmem:s21+$0x3440] =	vst @!p0 v1  }
0x79: {  	[tilespmem:s21+$0x3540] =	vst @!p0 v0  }
0x7a: {  	v0 =	vld @!p0 [tilespmem:s19+$0xFFFFFFE0];
	_ =	sdelay $0x4  }
0x7b: {  	v1 =	vshrl.u32 @!p0 v0, $0x10;
	v0 =	vand.u32 @!p0 $0xFFFF, v0  }
0x7c: {  	[tilespmem:s21+$0x3450] =	vst @!p0 v1  }
0x7d: {  	[tilespmem:s21+$0x3550] =	vst @!p0 v0  }
0x7e: {  	v0 =	vld @!p0 [tilespmem:s19+$0xFFFFFFF0];
	_ =	sdelay $0x4  }
.Ltmp1:
0x7f: {  	v1 =	vshrl.u32 @!p0 v0, $0x10;
	v0 =	vand.u32 @!p0 $0xFFFF, v0;
	(pc) =	sbr.rel @p1 .LBB2_2-.Ltmp1, $4  }
0x80: {  	[tilespmem:s21+$0x3460] =	vst @!p0 v1  }
0x81: {  	s26 =	simm.s32 @!p0 $0x80;
	[tilespmem:s21+$0x3560] =	vst @!p0 v0  }
0x82: {  	v0 =	vld @!p0 [tilespmem:s19+$0x0]  }
0x83: {  	s24 =	sor.u32 $0x3600, s24;
	s25 =	sor.u32 $0x3500, s25  }
.LBB2_3:
0x84: {  	_ =	sdelay $0x2  }
0x85: {  	v1 =	vshrl.u32 @!p0 v0, $0x10  }
0x86: {  	v0 =	vand.u32 @!p0 $0xFFFF, v0;
	[tilespmem:s21+$0x3470] =	vst @!p0 v1  }
0x87: {  	[tilespmem:s21+$0x3570] =	vst @!p0 v0  }
0x88: {  	[tilespmem:s22], [sflag:$0x1] =	stream.indirect.gather @!p0 [hbm4b:s4+s26], $0x80, s23, s26, $0xb8;
	[tilespmem:$0x1F200] =	vst v63  }
0x89: {  	_ = 	snop  }
0x8a: {  	[spmem:s2] =	stream.indirect.scatter.add.f32 [tilespmem:s24], [sflag:$0x2], $0x80, s25, s14, $0xb8;
	[tilespmem:$0x1F200] =	vst v63  }
0x8b: {  	_ =	swait.ge [sflag:s17], $0x4000  }
0x8c: {  	s18 =	sadd.s32 $0x1, s18;
	[sflag:s17] =	ssyncset.done $0x0  }
0x8d: {  	p0 =	sne.s32 s18, s10;
	[sflag:s17] =	ssyncadd.s32 $0xFFFFC000  }
.Ltmp2:
0x8e: {  	[bflag:$0x0] =	sbarrier.arrive $0xFFFF;
	(pc) =	sbr.rel @p0 .LBB2_1-.Ltmp2, $4  }
0x8f: {  	[hbm:s9], [sflag:s6] =	dma.local [spmem:s11], $0x2780  }
0x90: {  	_ =	swait.ge [sflag:s12], $0x2780  }
0x91: {  	[sflag:s12] =	ssyncset.done $0x0  }
0x92: {  	[sflag:s12] =	ssyncadd.s32 $0xFFFFD880  }
0x93: {  	_ =	sfence.sel $0x180000  }
0x94: {  	[bflag:$0x0] =	sbarrier.arrive $0xFFFF  }
0x95: {  	p0 =	sne.s32 s1, $0x0;
	_ =	strace $0x9000004D  }
0x96: {  	s0 =	sadd.s32 @!p0 $0x100000, s0;
	[bflag:$0x2] =	sbarrier.arrive $0xFFFF  }
0x97: {  	[sflag:s0] =	ssyncadd.tile.s32 @!p0 $0x1;
	_ =	shalt  }
.Lfunc_end2:
_tile_overlayer_lowered:
.L_overlay_start_2:
0x98: {  	(tag) =	ssettag $0x2  }
0x99: {  	s0 =	rddreg [dreg:$0x0];
	s2 =	stileid.u32  }
0x9a: {  	s1 =	rddreg [dreg:$0x1];
	p0 =	sne.s32 s2, $0x0  }
0x9b: {  	s3 =	rddreg [dreg:$0x2];
	[bflag:$0x3] =	sbarrier.arrive $0xFFFF;
	s2 =	simm.s32 @!p0 $0x1C03  }
0x9c: {  	[timem:s3], [sflag:s2] =	dma.local @!p0 [hbm:s0], s1  }
0x9d: {  	s0 =	simm.s32 @!p0 $0x3  }
0x9e: {  	_ =	swait.ge @!p0 [sflag:s0], s1  }
0x9f: {  	s1 =	ssub.s32 @!p0 $0x0, s1;
	[sflag:s0] =	ssyncset.done @!p0 $0x0  }
0xa0: {  	[sflag:s0] =	ssyncadd.s32 @!p0 s1  }
0xa1: {  	[bflag:$0x3] =	sbarrier.arrive $0xFFFF  }
0xa2: {  	_ =	shalt  }

// kernel: kernel.20.cloned.1.call-start
scs
__scs_entry_jumppad:
0x0: {  	(pc) =	sbr.rel $0x88, $3  }
0x1: {  	(tag) =	ssettag $0x0;
	lr =	simm.s32 $0x1  }
0x2: {  	[smem:$0x3F96] =	sst lr;
	_ =	strace $0xD0000000  }
0x3: {  	_ = 	snop  }
0x4: {  	_ = 	snop  }
0x5: {  	_ = 	snop  }
0x6: {  	_ = 	snop  }
0x7: {  	_ = 	snop  }
__scs_overlays_trampoline_lowered:
0x8: {  	[smem:$0x3FA5] =	sst s0  }
0x9: {  	[smem:$0x3FA6] =	sst s1  }
0xa: {  	[smem:$0x3FA7] =	sst s2  }
0xb: {  	[smem:$0x3FA8] =	sst s3  }
0xc: {  	[smem:$0x3FA9] =	sst s4  }
0xd: {  	[smem:$0x3FAA] =	sst s5  }
0xe: {  	[smem:$0x3FAB] =	sst s6  }
0xf: {  	[smem:$0x3FAC] =	sst s7  }
0x10: {  	[smem:$0x3FAD] =	sst s8  }
0x11: {  	[smem:$0x3FAE] =	sst s9;
	s0 =	simm.s32 @!p0 $0x0  }
0x12: {  	s1 =	sld [smem:$0x3F94];
	s0 =	simm.s32 @p0 $0x1  }
0x13: {  	[smem:$0x3FAF] =	sst s0;
	s0 =	simm.s32 @!p1 $0x0  }
0x14: {  	s2 =	sld [smem:$0x3F93];
	s0 =	simm.s32 @p1 $0x1  }
0x15: {  	[smem:$0x3FB0] =	sst s0;
	s0 =	simm.s32 @!p2 $0x0  }
0x16: {  	s3 =	sld [smem:$0x3FDB];
	s0 =	simm.s32 @p2 $0x1  }
0x17: {  	s4 =	simm.s32 $0x1BF5;
	[smem:$0x3FB2] =	sst s0  }
0x18: {  	s0 =	sld [smem:$0x3F95];
	_ =	swait.ge [sflag:s4], $0x0  }
0x19: {  	s7 =	sld [smem:$0x3F96]  }
0x1a: {  	s8 =	sadd.s32 $0xFFFFE003, lr  }
0x1b: {  	s9 =	sadd.s32 $0xFFFFFEF7, lr;
	s5 =	simm.s32 $0xFFFFFFFF;
	p2 =	slt.u32 s8, $0xFFFFF086  }
0x1c: {  	p1 =	slt.u32 s9, $0xF7A;
	s5 =	simm.s32 @!p2 $0x0  }
0x1d: {  	s5 =	simm.s32 @p1 $0x1;
	p0 =	seq.s32 s7, s2  }
0x1e: {  	s7 =	smul.u32 @!p0 $0xF7A, s2;
	p2 =	seq.s32 @!p0 s5, $0x0  }
0x1f: {  	s9 =	smul.u32 $0xF7A, s1;
	s8 =	simm.s32 @!p0 $0x1BF5;
	p2 =	por !p2, p0  }
0x20: {  	[sflag:s8] =	ssyncset.s32 @!p0 $0xFFFFF086;
	s6 =	sadd.s32 @!p0 s3, s7;
	s7 =	simm.s32 @!p0 $0x108  }
0x21: {  	s3 =	sadd.s32 s3, s9;
	s6 =	sadd.s32 @!p0 $0x88, s6;
	s7 =	simm.s32 @p2 $0x1082  }
0x22: {  	[simem:s7], [sflag:s8] =	dma.local @!p0 [hbm:s6], $0xF7A  }
0x23: {  	s9 =	sor.u32 $0xD0000000, s2;
	s6 =	simm.s32 $0x108;
	_ =	swait.ge @!p0 [sflag:s8], $0x0  }
0x24: {  	s3 =	sadd.s32 $0x88, s3;
	s6 =	simm.s32 @!p1 $0x1082;
	[sflag:s4] =	ssyncset.s32 $0xFFFFF086  }
0x25: {  	[simem:s6], [sflag:s4] =	dma.local [hbm:s3], $0xF7A  }
0x26: {  	[smem:$0x3F96] =	sst s1;
	(tag) =	ssettag s2;
	_ =	strace s9  }
0x27: {  	s1 =	sld [smem:$0x3FA6]  }
0x28: {  	s2 =	sld [smem:$0x3FA7]  }
0x29: {  	s4 =	sld [smem:$0x3FA9]  }
0x2a: {  	p0 =	seq.s32 s5, $0x0;
	s5 =	sld [smem:$0x3FAA]  }
0x2b: {  	s6 =	sld [smem:$0x3FAB]  }
0x2c: {  	s7 =	sld [smem:$0x3FAC]  }
0x2d: {  	s3 =	simm.s32 $0x108;
	s8 =	sld [smem:$0x3FAD]  }
0x2e: {  	s3 =	simm.s32 @!p0 $0x1082;
	s9 =	sld [smem:$0x3FAE]  }
0x2f: {  	lr =	sadd.s32 s0, s3;
	s0 =	sld [smem:$0x3FA5]  }
0x30: {  	s3 =	sld [smem:$0x3FA8]  }
0x31: {  	[smem:$0x3FB1] =	sst s10  }
0x32: {  	s10 =	sld [smem:$0x3FAF];
	_ =	sdelay $0x3  }
0x33: {  	p0 =	seq.s32 s10, $0x1;
	s10 =	sld [smem:$0x3FB1];
	_ =	sdelay $0x3  }
0x34: {  	[smem:$0x3FB1] =	sst s10  }
0x35: {  	s10 =	sld [smem:$0x3FB0];
	_ =	sdelay $0x3  }
0x36: {  	p1 =	seq.s32 s10, $0x1;
	s10 =	sld [smem:$0x3FB1];
	_ =	sdelay $0x3  }
0x37: {  	[smem:$0x3FB1] =	sst s10  }
0x38: {  	s10 =	sld [smem:$0x3FB2]  }
0x39: {  	_ = 	snop;
	(pc) =	sbr.ind lr, $3  }
0x3a: {  	_ = 	snop  }
0x3b: {  	_ = 	snop  }
0x3c: {  	p2 =	seq.s32 s10, $0x1;
	s10 =	sld [smem:$0x3FB1]  }
0x3d: {  	_ =	shalt  }
0x3e: {  	_ =	shalt  }
0x3f: {  	_ =	shalt  }
0x40: {  	_ =	shalt  }
0x41: {  	_ =	shalt  }
0x42: {  	_ =	shalt  }
0x43: {  	_ =	shalt  }
0x44: {  	_ =	shalt  }
0x45: {  	_ =	shalt  }
0x46: {  	_ =	shalt  }
0x47: {  	_ =	shalt  }
0x48: {  	_ =	shalt  }
0x49: {  	_ =	shalt  }
0x4a: {  	_ =	shalt  }
0x4b: {  	_ =	shalt  }
0x4c: {  	_ =	shalt  }
0x4d: {  	_ =	shalt  }
0x4e: {  	_ =	shalt  }
0x4f: {  	_ =	shalt  }
0x50: {  	_ =	shalt  }
0x51: {  	_ =	shalt  }
0x52: {  	_ =	shalt  }
0x53: {  	_ =	shalt  }
0x54: {  	_ =	shalt  }
0x55: {  	_ =	shalt  }
0x56: {  	_ =	shalt  }
0x57: {  	_ =	shalt  }
0x58: {  	_ =	shalt  }
0x59: {  	_ =	shalt  }
0x5a: {  	_ =	shalt  }
0x5b: {  	_ =	shalt  }
0x5c: {  	_ =	shalt  }
0x5d: {  	_ =	shalt  }
0x5e: {  	_ =	shalt  }
0x5f: {  	_ =	shalt  }
0x60: {  	_ =	shalt  }
0x61: {  	_ =	shalt  }
0x62: {  	_ =	shalt  }
0x63: {  	_ =	shalt  }
0x64: {  	_ =	shalt  }
0x65: {  	_ =	shalt  }
0x66: {  	_ =	shalt  }
0x67: {  	_ =	shalt  }
0x68: {  	_ =	shalt  }
0x69: {  	_ =	shalt  }
0x6a: {  	_ =	shalt  }
0x6b: {  	_ =	shalt  }
0x6c: {  	_ =	shalt  }
0x6d: {  	_ =	shalt  }
0x6e: {  	_ =	shalt  }
0x6f: {  	_ =	shalt  }
0x70: {  	_ =	shalt  }
0x71: {  	_ =	shalt  }
0x72: {  	_ =	shalt  }
0x73: {  	_ =	shalt  }
0x74: {  	_ =	shalt  }
0x75: {  	_ =	shalt  }
0x76: {  	_ =	shalt  }
0x77: {  	_ =	shalt  }
0x78: {  	_ =	shalt  }
0x79: {  	_ =	shalt  }
0x7a: {  	_ =	shalt  }
0x7b: {  	_ =	shalt  }
0x7c: {  	_ =	shalt  }
0x7d: {  	_ =	shalt  }
0x7e: {  	_ =	shalt  }
0x7f: {  	_ =	shalt  }
0x80: {  	_ =	shalt  }
0x81: {  	_ =	shalt  }
0x82: {  	_ =	shalt  }
0x83: {  	_ =	shalt  }
0x84: {  	_ =	shalt  }
0x85: {  	_ =	shalt  }
0x86: {  	_ =	shalt  }
0x87: {  	_ =	shalt  }
.Lfunc_end0:
.L_simem_size_0:
called_computation.3_lowered:
.L_overlay_start_0:
0x88: {  	s2 =	sld [smem:$0x3FD9]  }
0x89: {  	s3 =	sld [smem:$0x3FFE];
	_ =	sdelay $0x1  }
0x8a: {  	s1 =	srdreg.scid  }
0x8b: {  	s0 =	sand.u32 $0x1, s1  }
0x8c: {  	s16 =	sshll.u32 s0, $0xA;
	s2 =	sadd.s32 s3, s2  }
0x8d: {  	s2 =	sadd.s32 s2, s16  }
0x8e: {  	[smem:$0x3FBD] =	sst s2  }
0x8f: {  	_ = 	snop  }
0x90: {  	(tm) =	ssettm $0x1  }
0x91: {  	s17 =	sld [smem:$0x3FFB];
	_ =	sdelay $0x3  }
0x92: {  	_ =	strace s17  }
0x93: {  	s2 =	sld [smem:$0x3FFC];
	_ =	sdelay $0x3  }
0x94: {  	_ =	strace s2  }
0x95: {  	s2 =	sld [smem:$0x3FFD];
	_ =	sdelay $0x3  }
0x96: {  	_ =	strace s2  }
0x97: {  	_ =	strace $0x8FFFFFFF  }
0x98: {  	s18 =	sld [smem:$0x3FDB];
	_ =	sdelay $0x1  }
0x99: {  	s19 =	simm.s32 $_scs_section_size  }
0x9a: {  	s4 =	simm.s32 $_size__tile_overlayer_lowered;
	s5 =	simm.s32 $_tile_overlayer_lowered  }
0x9b: {  	s22 =	simm.s32 $0x1BFF;
	s21 =	sshll.u32 s5, $0x1;
	s2 =	sadd.s32 s19, s18  }
0x9c: {  	s6 =	simm.s32 $0x0;
	s20 =	sshll.u32 s4, $0x1;
	s4 =	sadd.s32 s21, s2  }
0x9d: {  	[timem:s6], [sflag:s22] =	dma.local [hbm:s4], s20  }
0x9e: {  	_ =	swait.ge [sflag:s22], s20  }
0x9f: {  	s3 =	ssub.s32 $0x0, s20;
	[sflag:s22] =	ssyncset.done $0x0  }
0xa0: {  	[sflag:s22] =	ssyncadd.s32 s3;
	_ =	sdelay $0x1  }
0xa1: {  	s23 =	simm.s32 $0x1B8B  }
0xa2: {  	_ =	swait.ge [sflag:s23], $0x1  }
0xa3: {  	[sflag:s23] =	ssyncset.done $0x0  }
0xa4: {  	s25 =	simm.s32 $0x1B8E;
	s24 =	sld [smem:$0x3FFE];
	[sflag:s23] =	ssyncadd.s32 $0xFFFFFFFF  }
0xa5: {  	s26 =	simm.s32 $execute0_lowered;
	[smem:$0x3FD2] =	sst s25  }
0xa6: {  	s4 =	sshll.u32 s26, $0x1;
	_ =	strace $0x8000004F;
	[dreg:$0x1] =	wrdreg $0xFFFFFFFF  }
0xa7: {  	s28 =	simm.s32 $_size_execute0_lowered;
	s2 =	sadd.s32 s2, s4;
	[dreg:$0x0] =	wrdreg $0x0  }
0xa8: {  	s4 =	sshll.u32 s28, $0x1;
	[dreg:$0x2] =	wrdreg s2  }
0xa9: {  	[dreg:$0x3] =	wrdreg s4  }
0xaa: {  	[dreg:$0x4] =	wrdreg $0xC0  }
0xab: {  	_ =	task [dreg:s6], $0x5FFFF  }
0xac: {  	[dreg:$0x1] =	wrdreg $0xFFFFFFFF  }
0xad: {  	[dreg:$0x0] =	wrdreg $0x60  }
0xae: {  	[dreg:$0x2] =	wrdreg s24  }
0xaf: {  	[dreg:$0x3] =	wrdreg $0x9  }
0xb0: {  	_ =	task.clear_ibuf [dreg:s6], $0x4FFFF;
	_ =	strace $0x9000004F  }
0xb1: {  	s29 =	simm.s32 $0x9;
	_ =	strace $0x80000051  }
0xb2: {  	_ =	swait.ge [sflag:s29], $0x1  }
0xb3: {  	[sflag:s29] =	ssyncadd.s32 $0xFFFFFFFF  }
0xb4: {  	_ =	strace $0x90000051  }
0xb5: {  	_ =	sfence  }
0xb6: {  	s30 =	sld [smem:$0x0];
	_ =	sdelay $0x2  }
0xb7: {  	s31 =	sshll.u32 s1, $0xD;
	s1 =	sshrl.u32 s1, $0x2  }
0xb8: {  	s3 =	sand.u32 $0x4000, s31;
	s1 =	sadd.s32 s1, s30  }
0xb9: {  	s0 =	sor.u32 s3, s0;
	s1 =	sshll.u32 s1, $0x11  }
0xba: {  	s0 =	sor.u32 s1, s0  }
0xbb: {  	s0 =	sadd.s32 $0x8F2B, s0  }
0xbc: {  	[sflag:s0] =	ssyncadd.remote.s32 $0x1  }
0xbd: {  	_ =	sfence.sel $0xFFFF  }
0xbe: {  	[dreg:$0x0] =	wrdreg $0xFFFFFFFF;
	(pc) =	sbr.abs _section_cstart, $3  }
0xbf: {  	[dreg:$0x1] =	wrdreg $0xFFFFFFFF  }
0xc0: {  	_ =	task.clear_ibuf [dreg:s6], $0x2FFFF;
	_ =	strace $0x9FFFFFFF  }
0xc1: {  	(tm) =	ssettm $0x7FFFFFFF  }
tec
execute0_lowered:
.L_overlay_start_1:
0x0: {  	(tag) =	ssettag $0x1  }
0x1: {  	s1 =	srdreg.scid  }
0x2: {  	s0 =	stileid.u32;
	s8 =	sand.u32 $0x1, s1  }
0x3: {  	s2 =	sshll.u32 s0, $0x8;
	s1 =	sshll.u32 s8, $0xC  }
0x4: {  	s10 =	sor.u32 s2, s1  }
0x5: {  	s9 =	rddreg [dreg:$0x0];
	s2 =	simm.s32 $0x0;
	s3 =	sshrl.u32 s10, $0x3  }
0x6: {  	s4 =	simm.s32 $0x1;
	[smem:$0x7FF] =	sst s2;
	s3 =	sadd.s32 s3, s9  }
0x7: {  	s1 =	rddreg [dreg:$0x1];
	_ =	strace $0x80000050;
	s3 =	sadd.s32 $0x2A00, s3  }
0x8: {  	[tilespmem:s2], [sflag:$0x1] =	stream.linear.gather [hbm4b:s3+s2], $0x100, $0x38;
	[tilespmem:$0x8100] =	vst v63  }
0x9: {  	_ =	swait.ge [sflag:s4], $0x100  }
0xa: {  	s6 =	simm.s32 $0x80;
	s7 =	simm.s32 $0x100;
	[sflag:s4] =	ssyncset.done $0x0  }
0xb: {  	s5 =	sadd.s32 $0x2E00, s9;
	s11 =	ssub.s32 $0x2, s8;
	[sflag:s4] =	ssyncadd.s32 $0xFFFFFF00  }
0xc: {  	[tilespmem:s7], [sflag:$0x1] =	stream.indirect.gather [hbm4b:s5+s6], $0x80, s2, s6, $0xb8;
	[tilespmem:$0x8100] =	vst v63  }
0xd: {  	s31 =	sshrl.u32 s11, $0x1;
	s10 =	sshll.u32 s10, $0x4;
	_ =	swait.ge [sflag:s4], $0x4000  }
0xe: {  	s9 =	sadd.s32 s10, s9;
	s10 =	ssub.s32 s11, s31;
	[sflag:s4] =	ssyncset.done $0x0  }
0xf: {  	s8 =	simm.s32 $0x4100;
	s11 =	smax.u32 s10, $0x1;
	[sflag:s4] =	ssyncadd.s32 $0xFFFFC000  }
0x10: {  	[tilespmem:s8], [sflag:$0x1] =	stream.indirect.gather [hbm4b:s5+s6], $0x80, s6, s6, $0xb8;
	[tilespmem:$0x8100] =	vst v63  }
0x11: {  	p0 =	sne.s32 s11, $0x1;
	_ =	swait.ge [sflag:s4], $0x4000  }
.Ltmp0:
0x12: {  	[sflag:s4] =	ssyncset.done $0x0;
	(pc) =	sbr.rel @!p0 .LBB2_2-.Ltmp0, $4  }
0x13: {  	s9 =	sadd.s32 $0x2A600, s9;
	s10 =	simm.s32 $0x2;
	[sflag:s4] =	ssyncadd.s32 $0xFFFFC000  }
0x14: {  	[hbm4b:s9+s2] =	stream.linear.scatter [tilespmem:s7], [sflag:$0x2], $0x8000, $0x38;
	[tilespmem:$0x8100] =	vst v63  }
0x15: {  	_ =	swait.ge [sflag:s10], $0x8000  }
0x16: {  	s11 =	sadd.s32 $0xFFFFFFFF, s11;
	[sflag:s10] =	ssyncset.done $0x0  }
.LBB2_1:
0x17: {  	p0 =	sne.s32 s11, $0x1;
	s11 =	sadd.s32 $0xFFFFFFFF, s11;
	[sflag:s10] =	ssyncadd.s32 $0xFFFF8000  }
0x18: {  	[tilespmem:s2], [sflag:$0x1] =	stream.linear.gather [hbm4b:s3+s2], $0x100, $0x38;
	[tilespmem:$0x8100] =	vst v63  }
0x19: {  	_ =	swait.ge [sflag:s4], $0x100  }
0x1a: {  	[sflag:s4] =	ssyncset.done $0x0  }
0x1b: {  	[sflag:s4] =	ssyncadd.s32 $0xFFFFFF00  }
0x1c: {  	[tilespmem:s7], [sflag:$0x1] =	stream.indirect.gather [hbm4b:s5+s6], $0x80, s2, s6, $0xb8;
	[tilespmem:$0x8100] =	vst v63  }
0x1d: {  	_ =	swait.ge [sflag:s4], $0x4000  }
0x1e: {  	[sflag:s4] =	ssyncset.done $0x0  }
0x1f: {  	[sflag:s4] =	ssyncadd.s32 $0xFFFFC000  }
0x20: {  	[tilespmem:s8], [sflag:$0x1] =	stream.indirect.gather [hbm4b:s5+s6], $0x80, s6, s6, $0xb8;
	[tilespmem:$0x8100] =	vst v63  }
0x21: {  	_ =	swait.ge [sflag:s4], $0x4000  }
.Ltmp1:
0x22: {  	[sflag:s4] =	ssyncset.done $0x0;
	(pc) =	sbr.rel @p0 .LBB2_1-.Ltmp1, $4  }
0x23: {  	[sflag:s4] =	ssyncadd.s32 $0xFFFFC000  }
0x24: {  	[hbm4b:s9+s2] =	stream.linear.scatter [tilespmem:s7], [sflag:$0x2], $0x8000, $0x38;
	[tilespmem:$0x8100] =	vst v63  }
0x25: {  	_ =	swait.ge [sflag:s10], $0x8000  }
0x26: {  	[sflag:s10] =	ssyncset.done $0x0  }
.LBB2_2:
0x27: {  	[sflag:s10] =	ssyncadd.s32 $0xFFFF8000  }
0x28: {  	_ =	sfence.sel $0x180000  }
0x29: {  	[bflag:$0x0] =	sbarrier.arrive $0xFFFF  }
0x2a: {  	p0 =	sne.s32 s0, $0x0;
	_ =	strace $0x90000050  }
0x2b: {  	s0 =	sadd.s32 @!p0 $0x100000, s1;
	[bflag:$0x2] =	sbarrier.arrive $0xFFFF  }
0x2c: {  	[sflag:s0] =	ssyncadd.tile.s32 @!p0 $0x1;
	_ =	shalt  }
.Lfunc_end2:
_tile_overlayer_lowered:
.L_overlay_start_2:
0x2d: {  	(tag) =	ssettag $0x2  }
0x2e: {  	s0 =	rddreg [dreg:$0x0];
	s2 =	stileid.u32  }
0x2f: {  	s1 =	rddreg [dreg:$0x1];
	p0 =	sne.s32 s2, $0x0  }
0x30: {  	s3 =	rddreg [dreg:$0x2];
	[bflag:$0x3] =	sbarrier.arrive $0xFFFF;
	s2 =	simm.s32 @!p0 $0x1C02  }
0x31: {  	[timem:s3], [sflag:s2] =	dma.local @!p0 [hbm:s0], s1  }
0x32: {  	s0 =	simm.s32 @!p0 $0x2  }
0x33: {  	_ =	swait.ge @!p0 [sflag:s0], s1  }
0x34: {  	s1 =	ssub.s32 @!p0 $0x0, s1;
	[sflag:s0] =	ssyncset.done @!p0 $0x0  }
0x35: {  	[sflag:s0] =	ssyncadd.s32 @!p0 s1  }
0x36: {  	[bflag:$0x3] =	sbarrier.arrive $0xFFFF  }
0x37: {  	_ =	shalt  }

</sc_bundles>
